<compile_context>
chip_gen: v7x
topology: tpu7x:2x2x1
jax: 0.10.2.dev20260603
libtpu: 0.0.44.dev20260713+nightly
codegen_flags: <defaults>
</compile_context>

<pallas_src>
import functools
import math

import jax
import jax.numpy as jnp
import numpy as np
from jax import lax
from jax.experimental import pallas as pl
from jax.experimental.pallas import tpu as pltpu
from jax.experimental.pallas import tpu_sc as plsc

_TWO_PI = 2.0 * math.pi
_INV_2PI = 1.0 / _TWO_PI
_TPI_HI = float(np.float32(_TWO_PI))
_TPI_LO = _TWO_PI - _TPI_HI
_COS_COEF = (9.99999211e-01, -4.99994213e-01, 4.16597778e-02,
             -1.38587899e-03, 2.42029414e-05, -2.19729638e-07)
_SIN_COEF = (9.99999600e-01, -1.66665526e-01, 8.33240299e-03,
             -1.98086333e-04, 2.69971464e-06, -2.03622449e-08)



def _sc_gather_body(comb_hbm, idx_hbm, out_hbm, idx_v, comb_v, sem, *,
                    per_w, ch, n_chunks, nc):
    wid = lax.axis_index("s") * nc + lax.axis_index("c")
    base = wid * per_w
    for j in range(n_chunks):
        off = base + j * ch
        pltpu.sync_copy(idx_hbm.at[pl.ds(off, ch)], idx_v)
        pltpu.async_copy(comb_hbm.at[idx_v], comb_v, sem).wait()
        pltpu.sync_copy(comb_v, out_hbm.at[pl.ds(off, ch)])


def _sc_gather(comb, idx_flat):
    n_total = idx_flat.shape[0]
    d2 = comb.shape[1]
    info = plsc.get_sparse_core_info()
    nc, ns = info.num_cores, info.num_subcores
    nw = nc * ns
    per_w = n_total // nw
    ch = 320
    n_chunks = per_w // ch
    assert per_w % ch == 0 and n_total % nw == 0

    mesh = plsc.VectorSubcoreMesh(core_axis_name="c", subcore_axis_name="s")
    kern = pl.kernel(
        functools.partial(_sc_gather_body, per_w=per_w, ch=ch,
                          n_chunks=n_chunks, nc=nc),
        mesh=mesh,
        out_type=jax.ShapeDtypeStruct((n_total, d2), jnp.float32),
        scratch_types=[
            pltpu.VMEM((ch,), jnp.int32),
            pltpu.VMEM((ch, d2), jnp.float32),
            pltpu.SemaphoreType.DMA,
        ],
    )
    return kern(comb, idx_flat)



def _sincos_pack(c, e, pos, d):
    freq = c[:, :d]
    bias = c[:, d:]
    phase = pos * freq + bias
    n = jnp.round(phase * _INV_2PI)
    r = (phase - n * _TPI_HI) - n * _TPI_LO
    r2 = r * r
    rr2 = jnp.concatenate([r2, r2], axis=1)
    left = lax.broadcasted_iota(jnp.int32, (1, 2 * d), 1) < d
    poly = jnp.where(left, _COS_COEF[5], _SIN_COEF[5]).astype(jnp.float32)
    for k in (4, 3, 2, 1, 0):
        ck = jnp.where(left, _COS_COEF[k], _SIN_COEF[k]).astype(jnp.float32)
        poly = poly * rr2 + ck
    m = jnp.concatenate([e, e * r], axis=1)
    return m * poly


def _tc_body_first(c_ref, e_ref, real_ref, imag_ref, *, blk, b_per_s, d,
                   row_off):
    i = pl.program_id(0)
    pos = ((lax.broadcasted_iota(jnp.int32, (blk, d), 0) + row_off + i * blk)
           // b_per_s + 1).astype(jnp.float32)
    out = _sincos_pack(c_ref[...], e_ref[...], pos, d)
    real_ref[...] = out[:, :d]
    imag_ref[...] = out[:, d:]


def _tc_body_chain(rp_ref, ip_ref, c_ref, e_ref, real_ref, imag_ref, *, blk,
                   b_per_s, d, row_off):
    del rp_ref, ip_ref
    _tc_body_first(c_ref, e_ref, real_ref, imag_ref, blk=blk,
                   b_per_s=b_per_s, d=d, row_off=row_off)


def _tc_slice(comb_k, e_flat, k, n_slices, prev):
    n, d = e_flat.shape
    blk = 4096
    steps = n // blk // n_slices
    off = k * steps
    b_per_s = 1024
    out_shape = [jax.ShapeDtypeStruct((n, d), jnp.float32)] * 2
    spec_c = pl.BlockSpec((blk, 2 * d), lambda i: (i, 0))
    spec_off = pl.BlockSpec((blk, d), lambda i: (i + off, 0))
    kwargs = dict(grid=(steps,), out_specs=[spec_off, spec_off],
                  out_shape=out_shape)
    body_kw = dict(blk=blk, b_per_s=b_per_s, d=d, row_off=off * blk)
    if prev is None:
        return pl.pallas_call(
            functools.partial(_tc_body_first, **body_kw),
            in_specs=[spec_c, spec_off], **kwargs,
        )(comb_k, e_flat)
    spec_any = pl.BlockSpec(memory_space=pltpu.MemorySpace.HBM)
    return pl.pallas_call(
        functools.partial(_tc_body_chain, **body_kw),
        in_specs=[spec_any, spec_any, spec_c, spec_off],
        input_output_aliases={0: 0, 1: 1},
        **kwargs,
    )(prev[0], prev[1], comb_k, e_flat)


def kernel(emb, x, freq_table, phase_table):
    s, b, d = emb.shape
    comb = jnp.concatenate([freq_table, phase_table], axis=1)
    n_slices = 5
    s_sl = s // n_slices
    e_flat = emb.reshape(s * b, d)
    prev = None
    for k in range(n_slices):
        idx_k = x[k * s_sl:(k + 1) * s_sl].reshape(-1)
        comb_k = _sc_gather(comb, idx_k)
        prev = _tc_slice(comb_k, e_flat, k, n_slices, prev)
    real, imag = prev
    return real.reshape(s, b, d), imag.reshape(s, b, d)

# --- scband reference (transcript-rebuilt; emitter-appended) ---
"""Pipeline reference for scband-complex-nn-16252156248518 (READ-ONLY COPY).

The authoritative reference and input builder live on the scoring server;
editing this copy changes nothing except your own understanding.
"""

import math
import jax, jax.numpy as jnp
import numpy as np

N_TOKEN = 100000
D_MODEL = 64
SENT_LEN = 200
BATCH = 1024


def setup_inputs(seed: int = 0) -> dict:
    key = jax.random.key(seed)
    k1, k2, k3, k4 = jax.random.split(key, 4)
    emb = jax.random.normal(k1, (SENT_LEN, BATCH, D_MODEL), dtype=jnp.float32)
    x = jax.random.randint(k2, (SENT_LEN, BATCH, 1), 0, N_TOKEN, dtype=jnp.int32)
    freq_table = jax.random.normal(k3, (N_TOKEN, D_MODEL), dtype=jnp.float32) * 0.02
    phase_table = jax.random.normal(k4, (N_TOKEN, D_MODEL), dtype=jnp.float32) * 0.02
    return {"emb": emb, "x": x, "freq_table": freq_table, "phase_table": phase_table}


def reference(emb, x, freq_table, phase_table):
    # amplitude = emb
    xs = jnp.squeeze(x, axis=2)  # [S, B]
    # frequency embedding lookup
    frequency = jnp.take(freq_table, xs, axis=0)  # [S, B, D]
    # initial phase table is wrapped mod 2*pi before lookup (as in torch forward)
    phase_mod = phase_table % (2.0 * math.pi)
    dimension_bias = jnp.take(phase_mod, xs, axis=0)  # [S, B, D]
    sent_len = x.shape[0]
    pos_seq = jnp.arange(1, sent_len + 1, dtype=emb.dtype)  # [S]
    # the per-batch python loop in torch is equivalent to this broadcast:
    # phase[:, i, :] = pos_seq[:, None] * frequency[:, i, :] + bias[:, i, :]
    enc_output_phase = pos_seq[:, None, None] * frequency + dimension_bias  # [S, B, D]
    enc_output_real = emb * jnp.cos(enc_output_phase)
    enc_output_image = emb * jnp.sin(enc_output_phase)
    return (enc_output_real, enc_output_image)

if __name__ == "__main__":
    import jax
    _d = setup_inputs()
    print(jax.jit(kernel)(*tuple(_d.values())))

</pallas_src>

<mosaic_0001>
#map = affine_map<(d0, d1) -> (0, 0)>
#map1 = affine_map<(d0, d1) -> (0)>
module attributes {stable_mosaic.version = 14 : i64} {
  func.func @_sc_gather_body(%arg0: i32, %arg1: i32, %arg2: memref<100000x128xf32, #tpu.memory_space<hbm>>, %arg3: memref<40960xi32, #tpu.memory_space<hbm>>, %arg4: memref<40960x128xf32, #tpu.memory_space<hbm>>, %arg5: memref<320xi32, #tpu.memory_space<vmem>>, %arg6: memref<320x128xf32, #tpu.memory_space<vmem>>, %arg7: memref<!tpu.dma_semaphore, #tpu.memory_space<semaphore_mem>>) attributes {dimension_semantics = [#tpu.dimension_semantics<core_parallel>, #tpu.dimension_semantics<subcore_parallel>], iteration_bounds = array<i64: 2, 16>, scalar_prefetch = 0 : i64, scratch_operands = 3 : i64, tpu.core_type = #tpu.core_type<sc_vector_subcore>, window_params = [{transform_indices = #map}, {transform_indices = #map1}, {transform_indices = #map}]} {
    %mul3A = arith.constant 2 : i32
    %mul3A_0 = arith.muli %arg1, %mul3A : i32
    %add3A = arith.addi %mul3A_0, %arg0 : i32
    %mul3A_1 = arith.constant 1280 : i32
    %mul3A_2 = arith.muli %add3A, %mul3A_1 : i32
    %add3A_3 = arith.constant 0 : i32
    %add3A_4 = arith.addi %mul3A_2, %add3A_3 : i32
    "tpu.region"() ({
      %run_scoped3A = tpu.sem_alloc : memref<!tpu.dma_semaphore, #tpu.memory_space<semaphore_mem>>
      %dma_start3A_33 = tpu.memref_slice %arg3[%add3A_4] : memref<40960xi32, #tpu.memory_space<hbm>> -> memref<320xi32, #tpu.memory_space<hbm>>
      %dma_start3A_34 = tpu.memref_slice %arg3[%add3A_4] : memref<40960xi32, #tpu.memory_space<hbm>> -> memref<320xi32, #tpu.memory_space<hbm>>
      tpu.enqueue_dma source(%dma_start3A_34 : memref<320xi32, #tpu.memory_space<hbm>>) target(%arg5 : memref<320xi32, #tpu.memory_space<vmem>>) target_semaphore(%run_scoped3A : memref<!tpu.dma_semaphore, #tpu.memory_space<semaphore_mem>>)
      %dma_wait3A_35 = tpu.memref_slice %arg3[%add3A_4] : memref<40960xi32, #tpu.memory_space<hbm>> -> memref<320xi32, #tpu.memory_space<hbm>>
      %dma_wait3A_36 = tpu.memref_slice %arg3[%add3A_4] : memref<40960xi32, #tpu.memory_space<hbm>> -> memref<320xi32, #tpu.memory_space<hbm>>
      tpu.wait_dma2 semaphore(%run_scoped3A : memref<!tpu.dma_semaphore, #tpu.memory_space<semaphore_mem>>) src(%dma_wait3A_36 : memref<320xi32, #tpu.memory_space<hbm>>) dst(%arg5 : memref<320xi32, #tpu.memory_space<vmem>>)
      tpu.yield
    }) : () -> ()
    %dma_start3A = arith.constant 0 : i32
    %dma_start3A_5 = arith.constant 0 : i32
    %dma_start3A_6 = tpu.memref_slice %arg2[%dma_start3A, %dma_start3A_5] : memref<100000x128xf32, #tpu.memory_space<hbm>> -> memref<100000x128xf32, #tpu.memory_space<hbm>>
    tpu.enqueue_indirect_dma source(%dma_start3A_6 : memref<100000x128xf32, #tpu.memory_space<hbm>>) target(%arg6 : memref<320x128xf32, #tpu.memory_space<vmem>>) offsets(%arg5 : memref<320xi32, #tpu.memory_space<vmem>>) semaphore(%arg7 : memref<!tpu.dma_semaphore, #tpu.memory_space<semaphore_mem>>)
    %dma_wait3A = arith.constant 0 : i32
    %dma_wait3A_7 = arith.constant 0 : i32
    %dma_wait3A_8 = tpu.memref_slice %arg2[%dma_wait3A, %dma_wait3A_7] : memref<100000x128xf32, #tpu.memory_space<hbm>> -> memref<100000x128xf32, #tpu.memory_space<hbm>>
    tpu.wait_indirect_dma semaphore(%arg7 : memref<!tpu.dma_semaphore, #tpu.memory_space<semaphore_mem>>) src(%dma_wait3A_8 : memref<100000x128xf32, #tpu.memory_space<hbm>>) dst(%arg6 : memref<320x128xf32, #tpu.memory_space<vmem>>)
    "tpu.region"() ({
      %run_scoped3A = tpu.sem_alloc : memref<!tpu.dma_semaphore, #tpu.memory_space<semaphore_mem>>
      %dma_start3A_33 = arith.constant 0 : i32
      %dma_start3A_34 = tpu.memref_slice %arg4[%add3A_4, %dma_start3A_33] : memref<40960x128xf32, #tpu.memory_space<hbm>> -> memref<320x128xf32, #tpu.memory_space<hbm>>
      %dma_start3A_35 = arith.constant 0 : i32
      %dma_start3A_36 = tpu.memref_slice %arg4[%add3A_4, %dma_start3A_35] : memref<40960x128xf32, #tpu.memory_space<hbm>> -> memref<320x128xf32, #tpu.memory_space<hbm>>
      tpu.enqueue_dma source(%arg6 : memref<320x128xf32, #tpu.memory_space<vmem>>) target(%dma_start3A_36 : memref<320x128xf32, #tpu.memory_space<hbm>>) target_semaphore(%run_scoped3A : memref<!tpu.dma_semaphore, #tpu.memory_space<semaphore_mem>>)
      %dma_wait3A_37 = arith.constant 0 : i32
      %dma_wait3A_38 = tpu.memref_slice %arg4[%add3A_4, %dma_wait3A_37] : memref<40960x128xf32, #tpu.memory_space<hbm>> -> memref<320x128xf32, #tpu.memory_space<hbm>>
      %dma_wait3A_39 = arith.constant 0 : i32
      %dma_wait3A_40 = tpu.memref_slice %arg4[%add3A_4, %dma_wait3A_39] : memref<40960x128xf32, #tpu.memory_space<hbm>> -> memref<320x128xf32, #tpu.memory_space<hbm>>
      tpu.wait_dma2 semaphore(%run_scoped3A : memref<!tpu.dma_semaphore, #tpu.memory_space<semaphore_mem>>) src(%arg6 : memref<320x128xf32, #tpu.memory_space<vmem>>) dst(%dma_wait3A_40 : memref<320x128xf32, #tpu.memory_space<hbm>>)
      tpu.yield
    }) : () -> ()
    %add3A_9 = arith.constant 320 : i32
    %add3A_10 = arith.addi %mul3A_2, %add3A_9 : i32
    "tpu.region"() ({
      %run_scoped3A = tpu.sem_alloc : memref<!tpu.dma_semaphore, #tpu.memory_space<semaphore_mem>>
      %dma_start3A_33 = tpu.memref_slice %arg3[%add3A_10] : memref<40960xi32, #tpu.memory_space<hbm>> -> memref<320xi32, #tpu.memory_space<hbm>>
      %dma_start3A_34 = tpu.memref_slice %arg3[%add3A_10] : memref<40960xi32, #tpu.memory_space<hbm>> -> memref<320xi32, #tpu.memory_space<hbm>>
      tpu.enqueue_dma source(%dma_start3A_34 : memref<320xi32, #tpu.memory_space<hbm>>) target(%arg5 : memref<320xi32, #tpu.memory_space<vmem>>) target_semaphore(%run_scoped3A : memref<!tpu.dma_semaphore, #tpu.memory_space<semaphore_mem>>)
      %dma_wait3A_35 = tpu.memref_slice %arg3[%add3A_10] : memref<40960xi32, #tpu.memory_space<hbm>> -> memref<320xi32, #tpu.memory_space<hbm>>
      %dma_wait3A_36 = tpu.memref_slice %arg3[%add3A_10] : memref<40960xi32, #tpu.memory_space<hbm>> -> memref<320xi32, #tpu.memory_space<hbm>>
      tpu.wait_dma2 semaphore(%run_scoped3A : memref<!tpu.dma_semaphore, #tpu.memory_space<semaphore_mem>>) src(%dma_wait3A_36 : memref<320xi32, #tpu.memory_space<hbm>>) dst(%arg5 : memref<320xi32, #tpu.memory_space<vmem>>)
      tpu.yield
    }) : () -> ()
    %dma_start3A_11 = arith.constant 0 : i32
    %dma_start3A_12 = arith.constant 0 : i32
    %dma_start3A_13 = tpu.memref_slice %arg2[%dma_start3A_11, %dma_start3A_12] : memref<100000x128xf32, #tpu.memory_space<hbm>> -> memref<100000x128xf32, #tpu.memory_space<hbm>>
    tpu.enqueue_indirect_dma source(%dma_start3A_13 : memref<100000x128xf32, #tpu.memory_space<hbm>>) target(%arg6 : memref<320x128xf32, #tpu.memory_space<vmem>>) offsets(%arg5 : memref<320xi32, #tpu.memory_space<vmem>>) semaphore(%arg7 : memref<!tpu.dma_semaphore, #tpu.memory_space<semaphore_mem>>)
    %dma_wait3A_14 = arith.constant 0 : i32
    %dma_wait3A_15 = arith.constant 0 : i32
    %dma_wait3A_16 = tpu.memref_slice %arg2[%dma_wait3A_14, %dma_wait3A_15] : memref<100000x128xf32, #tpu.memory_space<hbm>> -> memref<100000x128xf32, #tpu.memory_space<hbm>>
    tpu.wait_indirect_dma semaphore(%arg7 : memref<!tpu.dma_semaphore, #tpu.memory_space<semaphore_mem>>) src(%dma_wait3A_16 : memref<100000x128xf32, #tpu.memory_space<hbm>>) dst(%arg6 : memref<320x128xf32, #tpu.memory_space<vmem>>)
    "tpu.region"() ({
      %run_scoped3A = tpu.sem_alloc : memref<!tpu.dma_semaphore, #tpu.memory_space<semaphore_mem>>
      %dma_start3A_33 = arith.constant 0 : i32
      %dma_start3A_34 = tpu.memref_slice %arg4[%add3A_10, %dma_start3A_33] : memref<40960x128xf32, #tpu.memory_space<hbm>> -> memref<320x128xf32, #tpu.memory_space<hbm>>
      %dma_start3A_35 = arith.constant 0 : i32
      %dma_start3A_36 = tpu.memref_slice %arg4[%add3A_10, %dma_start3A_35] : memref<40960x128xf32, #tpu.memory_space<hbm>> -> memref<320x128xf32, #tpu.memory_space<hbm>>
      tpu.enqueue_dma source(%arg6 : memref<320x128xf32, #tpu.memory_space<vmem>>) target(%dma_start3A_36 : memref<320x128xf32, #tpu.memory_space<hbm>>) target_semaphore(%run_scoped3A : memref<!tpu.dma_semaphore, #tpu.memory_space<semaphore_mem>>)
      %dma_wait3A_37 = arith.constant 0 : i32
      %dma_wait3A_38 = tpu.memref_slice %arg4[%add3A_10, %dma_wait3A_37] : memref<40960x128xf32, #tpu.memory_space<hbm>> -> memref<320x128xf32, #tpu.memory_space<hbm>>
      %dma_wait3A_39 = arith.constant 0 : i32
      %dma_wait3A_40 = tpu.memref_slice %arg4[%add3A_10, %dma_wait3A_39] : memref<40960x128xf32, #tpu.memory_space<hbm>> -> memref<320x128xf32, #tpu.memory_space<hbm>>
      tpu.wait_dma2 semaphore(%run_scoped3A : memref<!tpu.dma_semaphore, #tpu.memory_space<semaphore_mem>>) src(%arg6 : memref<320x128xf32, #tpu.memory_space<vmem>>) dst(%dma_wait3A_40 : memref<320x128xf32, #tpu.memory_space<hbm>>)
      tpu.yield
    }) : () -> ()
    %add3A_17 = arith.constant 640 : i32
    %add3A_18 = arith.addi %mul3A_2, %add3A_17 : i32
    "tpu.region"() ({
      %run_scoped3A = tpu.sem_alloc : memref<!tpu.dma_semaphore, #tpu.memory_space<semaphore_mem>>
      %dma_start3A_33 = tpu.memref_slice %arg3[%add3A_18] : memref<40960xi32, #tpu.memory_space<hbm>> -> memref<320xi32, #tpu.memory_space<hbm>>
      %dma_start3A_34 = tpu.memref_slice %arg3[%add3A_18] : memref<40960xi32, #tpu.memory_space<hbm>> -> memref<320xi32, #tpu.memory_space<hbm>>
      tpu.enqueue_dma source(%dma_start3A_34 : memref<320xi32, #tpu.memory_space<hbm>>) target(%arg5 : memref<320xi32, #tpu.memory_space<vmem>>) target_semaphore(%run_scoped3A : memref<!tpu.dma_semaphore, #tpu.memory_space<semaphore_mem>>)
      %dma_wait3A_35 = tpu.memref_slice %arg3[%add3A_18] : memref<40960xi32, #tpu.memory_space<hbm>> -> memref<320xi32, #tpu.memory_space<hbm>>
      %dma_wait3A_36 = tpu.memref_slice %arg3[%add3A_18] : memref<40960xi32, #tpu.memory_space<hbm>> -> memref<320xi32, #tpu.memory_space<hbm>>
      tpu.wait_dma2 semaphore(%run_scoped3A : memref<!tpu.dma_semaphore, #tpu.memory_space<semaphore_mem>>) src(%dma_wait3A_36 : memref<320xi32, #tpu.memory_space<hbm>>) dst(%arg5 : memref<320xi32, #tpu.memory_space<vmem>>)
      tpu.yield
    }) : () -> ()
    %dma_start3A_19 = arith.constant 0 : i32
    %dma_start3A_20 = arith.constant 0 : i32
    %dma_start3A_21 = tpu.memref_slice %arg2[%dma_start3A_19, %dma_start3A_20] : memref<100000x128xf32, #tpu.memory_space<hbm>> -> memref<100000x128xf32, #tpu.memory_space<hbm>>
    tpu.enqueue_indirect_dma source(%dma_start3A_21 : memref<100000x128xf32, #tpu.memory_space<hbm>>) target(%arg6 : memref<320x128xf32, #tpu.memory_space<vmem>>) offsets(%arg5 : memref<320xi32, #tpu.memory_space<vmem>>) semaphore(%arg7 : memref<!tpu.dma_semaphore, #tpu.memory_space<semaphore_mem>>)
    %dma_wait3A_22 = arith.constant 0 : i32
    %dma_wait3A_23 = arith.constant 0 : i32
    %dma_wait3A_24 = tpu.memref_slice %arg2[%dma_wait3A_22, %dma_wait3A_23] : memref<100000x128xf32, #tpu.memory_space<hbm>> -> memref<100000x128xf32, #tpu.memory_space<hbm>>
    tpu.wait_indirect_dma semaphore(%arg7 : memref<!tpu.dma_semaphore, #tpu.memory_space<semaphore_mem>>) src(%dma_wait3A_24 : memref<100000x128xf32, #tpu.memory_space<hbm>>) dst(%arg6 : memref<320x128xf32, #tpu.memory_space<vmem>>)
    "tpu.region"() ({
      %run_scoped3A = tpu.sem_alloc : memref<!tpu.dma_semaphore, #tpu.memory_space<semaphore_mem>>
      %dma_start3A_33 = arith.constant 0 : i32
      %dma_start3A_34 = tpu.memref_slice %arg4[%add3A_18, %dma_start3A_33] : memref<40960x128xf32, #tpu.memory_space<hbm>> -> memref<320x128xf32, #tpu.memory_space<hbm>>
      %dma_start3A_35 = arith.constant 0 : i32
      %dma_start3A_36 = tpu.memref_slice %arg4[%add3A_18, %dma_start3A_35] : memref<40960x128xf32, #tpu.memory_space<hbm>> -> memref<320x128xf32, #tpu.memory_space<hbm>>
      tpu.enqueue_dma source(%arg6 : memref<320x128xf32, #tpu.memory_space<vmem>>) target(%dma_start3A_36 : memref<320x128xf32, #tpu.memory_space<hbm>>) target_semaphore(%run_scoped3A : memref<!tpu.dma_semaphore, #tpu.memory_space<semaphore_mem>>)
      %dma_wait3A_37 = arith.constant 0 : i32
      %dma_wait3A_38 = tpu.memref_slice %arg4[%add3A_18, %dma_wait3A_37] : memref<40960x128xf32, #tpu.memory_space<hbm>> -> memref<320x128xf32, #tpu.memory_space<hbm>>
      %dma_wait3A_39 = arith.constant 0 : i32
      %dma_wait3A_40 = tpu.memref_slice %arg4[%add3A_18, %dma_wait3A_39] : memref<40960x128xf32, #tpu.memory_space<hbm>> -> memref<320x128xf32, #tpu.memory_space<hbm>>
      tpu.wait_dma2 semaphore(%run_scoped3A : memref<!tpu.dma_semaphore, #tpu.memory_space<semaphore_mem>>) src(%arg6 : memref<320x128xf32, #tpu.memory_space<vmem>>) dst(%dma_wait3A_40 : memref<320x128xf32, #tpu.memory_space<hbm>>)
      tpu.yield
    }) : () -> ()
    %add3A_25 = arith.constant 960 : i32
    %add3A_26 = arith.addi %mul3A_2, %add3A_25 : i32
    "tpu.region"() ({
      %run_scoped3A = tpu.sem_alloc : memref<!tpu.dma_semaphore, #tpu.memory_space<semaphore_mem>>
      %dma_start3A_33 = tpu.memref_slice %arg3[%add3A_26] : memref<40960xi32, #tpu.memory_space<hbm>> -> memref<320xi32, #tpu.memory_space<hbm>>
      %dma_start3A_34 = tpu.memref_slice %arg3[%add3A_26] : memref<40960xi32, #tpu.memory_space<hbm>> -> memref<320xi32, #tpu.memory_space<hbm>>
      tpu.enqueue_dma source(%dma_start3A_34 : memref<320xi32, #tpu.memory_space<hbm>>) target(%arg5 : memref<320xi32, #tpu.memory_space<vmem>>) target_semaphore(%run_scoped3A : memref<!tpu.dma_semaphore, #tpu.memory_space<semaphore_mem>>)
      %dma_wait3A_35 = tpu.memref_slice %arg3[%add3A_26] : memref<40960xi32, #tpu.memory_space<hbm>> -> memref<320xi32, #tpu.memory_space<hbm>>
      %dma_wait3A_36 = tpu.memref_slice %arg3[%add3A_26] : memref<40960xi32, #tpu.memory_space<hbm>> -> memref<320xi32, #tpu.memory_space<hbm>>
      tpu.wait_dma2 semaphore(%run_scoped3A : memref<!tpu.dma_semaphore, #tpu.memory_space<semaphore_mem>>) src(%dma_wait3A_36 : memref<320xi32, #tpu.memory_space<hbm>>) dst(%arg5 : memref<320xi32, #tpu.memory_space<vmem>>)
      tpu.yield
    }) : () -> ()
    %dma_start3A_27 = arith.constant 0 : i32
    %dma_start3A_28 = arith.constant 0 : i32
    %dma_start3A_29 = tpu.memref_slice %arg2[%dma_start3A_27, %dma_start3A_28] : memref<100000x128xf32, #tpu.memory_space<hbm>> -> memref<100000x128xf32, #tpu.memory_space<hbm>>
    tpu.enqueue_indirect_dma source(%dma_start3A_29 : memref<100000x128xf32, #tpu.memory_space<hbm>>) target(%arg6 : memref<320x128xf32, #tpu.memory_space<vmem>>) offsets(%arg5 : memref<320xi32, #tpu.memory_space<vmem>>) semaphore(%arg7 : memref<!tpu.dma_semaphore, #tpu.memory_space<semaphore_mem>>)
    %dma_wait3A_30 = arith.constant 0 : i32
    %dma_wait3A_31 = arith.constant 0 : i32
    %dma_wait3A_32 = tpu.memref_slice %arg2[%dma_wait3A_30, %dma_wait3A_31] : memref<100000x128xf32, #tpu.memory_space<hbm>> -> memref<100000x128xf32, #tpu.memory_space<hbm>>
    tpu.wait_indirect_dma semaphore(%arg7 : memref<!tpu.dma_semaphore, #tpu.memory_space<semaphore_mem>>) src(%dma_wait3A_32 : memref<100000x128xf32, #tpu.memory_space<hbm>>) dst(%arg6 : memref<320x128xf32, #tpu.memory_space<vmem>>)
    "tpu.region"() ({
      %run_scoped3A = tpu.sem_alloc : memref<!tpu.dma_semaphore, #tpu.memory_space<semaphore_mem>>
      %dma_start3A_33 = arith.constant 0 : i32
      %dma_start3A_34 = tpu.memref_slice %arg4[%add3A_26, %dma_start3A_33] : memref<40960x128xf32, #tpu.memory_space<hbm>> -> memref<320x128xf32, #tpu.memory_space<hbm>>
      %dma_start3A_35 = arith.constant 0 : i32
      %dma_start3A_36 = tpu.memref_slice %arg4[%add3A_26, %dma_start3A_35] : memref<40960x128xf32, #tpu.memory_space<hbm>> -> memref<320x128xf32, #tpu.memory_space<hbm>>
      tpu.enqueue_dma source(%arg6 : memref<320x128xf32, #tpu.memory_space<vmem>>) target(%dma_start3A_36 : memref<320x128xf32, #tpu.memory_space<hbm>>) target_semaphore(%run_scoped3A : memref<!tpu.dma_semaphore, #tpu.memory_space<semaphore_mem>>)
      %dma_wait3A_37 = arith.constant 0 : i32
      %dma_wait3A_38 = tpu.memref_slice %arg4[%add3A_26, %dma_wait3A_37] : memref<40960x128xf32, #tpu.memory_space<hbm>> -> memref<320x128xf32, #tpu.memory_space<hbm>>
      %dma_wait3A_39 = arith.constant 0 : i32
      %dma_wait3A_40 = tpu.memref_slice %arg4[%add3A_26, %dma_wait3A_39] : memref<40960x128xf32, #tpu.memory_space<hbm>> -> memref<320x128xf32, #tpu.memory_space<hbm>>
      tpu.wait_dma2 semaphore(%run_scoped3A : memref<!tpu.dma_semaphore, #tpu.memory_space<semaphore_mem>>) src(%arg6 : memref<320x128xf32, #tpu.memory_space<vmem>>) dst(%dma_wait3A_40 : memref<320x128xf32, #tpu.memory_space<hbm>>)
      tpu.yield
    }) : () -> ()
    return
  }
}

#map = affine_map<(d0, d1) -> (0, 0)>
#map1 = affine_map<(d0, d1) -> (0)>
module attributes {stable_mosaic.version = 14 : i64} {
  func.func @_sc_gather_body(%arg0: i32, %arg1: i32, %arg2: memref<100000x128xf32, #tpu.memory_space<hbm>>, %arg3: memref<40960xi32, #tpu.memory_space<hbm>>, %arg4: memref<40960x128xf32, #tpu.memory_space<hbm>>, %arg5: memref<320xi32, #tpu.memory_space<vmem>>, %arg6: memref<320x128xf32, #tpu.memory_space<vmem>>, %arg7: memref<!tpu.dma_semaphore, #tpu.memory_space<semaphore_mem>>) attributes {dimension_semantics = [#tpu.dimension_semantics<core_parallel>, #tpu.dimension_semantics<subcore_parallel>], iteration_bounds = array<i64: 2, 16>, scalar_prefetch = 0 : i64, scratch_operands = 3 : i64, tpu.core_type = #tpu.core_type<sc_vector_subcore>, window_params = [{transform_indices = #map}, {transform_indices = #map1}, {transform_indices = #map}]} {
    %mul3A = arith.constant 2 : i32
    %mul3A_0 = arith.muli %arg1, %mul3A : i32
    %add3A = arith.addi %mul3A_0, %arg0 : i32
    %mul3A_1 = arith.constant 1280 : i32
    %mul3A_2 = arith.muli %add3A, %mul3A_1 : i32
    %add3A_3 = arith.constant 0 : i32
    %add3A_4 = arith.addi %mul3A_2, %add3A_3 : i32
    "tpu.region"() ({
      %run_scoped3A = tpu.sem_alloc : memref<!tpu.dma_semaphore, #tpu.memory_space<semaphore_mem>>
      %dma_start3A_33 = tpu.memref_slice %arg3[%add3A_4] : memref<40960xi32, #tpu.memory_space<hbm>> -> memref<320xi32, #tpu.memory_space<hbm>>
      %dma_start3A_34 = tpu.memref_slice %arg3[%add3A_4] : memref<40960xi32, #tpu.memory_space<hbm>> -> memref<320xi32, #tpu.memory_space<hbm>>
      tpu.enqueue_dma source(%dma_start3A_34 : memref<320xi32, #tpu.memory_space<hbm>>) target(%arg5 : memref<320xi32, #tpu.memory_space<vmem>>) target_semaphore(%run_scoped3A : memref<!tpu.dma_semaphore, #tpu.memory_space<semaphore_mem>>)
      %dma_wait3A_35 = tpu.memref_slice %arg3[%add3A_4] : memref<40960xi32, #tpu.memory_space<hbm>> -> memref<320xi32, #tpu.memory_space<hbm>>
      %dma_wait3A_36 = tpu.memref_slice %arg3[%add3A_4] : memref<40960xi32, #tpu.memory_space<hbm>> -> memref<320xi32, #tpu.memory_space<hbm>>
      tpu.wait_dma2 semaphore(%run_scoped3A : memref<!tpu.dma_semaphore, #tpu.memory_space<semaphore_mem>>) src(%dma_wait3A_36 : memref<320xi32, #tpu.memory_space<hbm>>) dst(%arg5 : memref<320xi32, #tpu.memory_space<vmem>>)
      tpu.yield
    }) : () -> ()
    %dma_start3A = arith.constant 0 : i32
    %dma_start3A_5 = arith.constant 0 : i32
    %dma_start3A_6 = tpu.memref_slice %arg2[%dma_start3A, %dma_start3A_5] : memref<100000x128xf32, #tpu.memory_space<hbm>> -> memref<100000x128xf32, #tpu.memory_space<hbm>>
    tpu.enqueue_indirect_dma source(%dma_start3A_6 : memref<100000x128xf32, #tpu.memory_space<hbm>>) target(%arg6 : memref<320x128xf32, #tpu.memory_space<vmem>>) offsets(%arg5 : memref<320xi32, #tpu.memory_space<vmem>>) semaphore(%arg7 : memref<!tpu.dma_semaphore, #tpu.memory_space<semaphore_mem>>)
    %dma_wait3A = arith.constant 0 : i32
    %dma_wait3A_7 = arith.constant 0 : i32
    %dma_wait3A_8 = tpu.memref_slice %arg2[%dma_wait3A, %dma_wait3A_7] : memref<100000x128xf32, #tpu.memory_space<hbm>> -> memref<100000x128xf32, #tpu.memory_space<hbm>>
    tpu.wait_indirect_dma semaphore(%arg7 : memref<!tpu.dma_semaphore, #tpu.memory_space<semaphore_mem>>) src(%dma_wait3A_8 : memref<100000x128xf32, #tpu.memory_space<hbm>>) dst(%arg6 : memref<320x128xf32, #tpu.memory_space<vmem>>)
    "tpu.region"() ({
      %run_scoped3A = tpu.sem_alloc : memref<!tpu.dma_semaphore, #tpu.memory_space<semaphore_mem>>
      %dma_start3A_33 = arith.constant 0 : i32
      %dma_start3A_34 = tpu.memref_slice %arg4[%add3A_4, %dma_start3A_33] : memref<40960x128xf32, #tpu.memory_space<hbm>> -> memref<320x128xf32, #tpu.memory_space<hbm>>
      %dma_start3A_35 = arith.constant 0 : i32
      %dma_start3A_36 = tpu.memref_slice %arg4[%add3A_4, %dma_start3A_35] : memref<40960x128xf32, #tpu.memory_space<hbm>> -> memref<320x128xf32, #tpu.memory_space<hbm>>
      tpu.enqueue_dma source(%arg6 : memref<320x128xf32, #tpu.memory_space<vmem>>) target(%dma_start3A_36 : memref<320x128xf32, #tpu.memory_space<hbm>>) target_semaphore(%run_scoped3A : memref<!tpu.dma_semaphore, #tpu.memory_space<semaphore_mem>>)
      %dma_wait3A_37 = arith.constant 0 : i32
      %dma_wait3A_38 = tpu.memref_slice %arg4[%add3A_4, %dma_wait3A_37] : memref<40960x128xf32, #tpu.memory_space<hbm>> -> memref<320x128xf32, #tpu.memory_space<hbm>>
      %dma_wait3A_39 = arith.constant 0 : i32
      %dma_wait3A_40 = tpu.memref_slice %arg4[%add3A_4, %dma_wait3A_39] : memref<40960x128xf32, #tpu.memory_space<hbm>> -> memref<320x128xf32, #tpu.memory_space<hbm>>
      tpu.wait_dma2 semaphore(%run_scoped3A : memref<!tpu.dma_semaphore, #tpu.memory_space<semaphore_mem>>) src(%arg6 : memref<320x128xf32, #tpu.memory_space<vmem>>) dst(%dma_wait3A_40 : memref<320x128xf32, #tpu.memory_space<hbm>>)
      tpu.yield
    }) : () -> ()
    %add3A_9 = arith.constant 320 : i32
    %add3A_10 = arith.addi %mul3A_2, %add3A_9 : i32
    "tpu.region"() ({
      %run_scoped3A = tpu.sem_alloc : memref<!tpu.dma_semaphore, #tpu.memory_space<semaphore_mem>>
      %dma_start3A_33 = tpu.memref_slice %arg3[%add3A_10] : memref<40960xi32, #tpu.memory_space<hbm>> -> memref<320xi32, #tpu.memory_space<hbm>>
      %dma_start3A_34 = tpu.memref_slice %arg3[%add3A_10] : memref<40960xi32, #tpu.memory_space<hbm>> -> memref<320xi32, #tpu.memory_space<hbm>>
      tpu.enqueue_dma source(%dma_start3A_34 : memref<320xi32, #tpu.memory_space<hbm>>) target(%arg5 : memref<320xi32, #tpu.memory_space<vmem>>) target_semaphore(%run_scoped3A : memref<!tpu.dma_semaphore, #tpu.memory_space<semaphore_mem>>)
      %dma_wait3A_35 = tpu.memref_slice %arg3[%add3A_10] : memref<40960xi32, #tpu.memory_space<hbm>> -> memref<320xi32, #tpu.memory_space<hbm>>
      %dma_wait3A_36 = tpu.memref_slice %arg3[%add3A_10] : memref<40960xi32, #tpu.memory_space<hbm>> -> memref<320xi32, #tpu.memory_space<hbm>>
      tpu.wait_dma2 semaphore(%run_scoped3A : memref<!tpu.dma_semaphore, #tpu.memory_space<semaphore_mem>>) src(%dma_wait3A_36 : memref<320xi32, #tpu.memory_space<hbm>>) dst(%arg5 : memref<320xi32, #tpu.memory_space<vmem>>)
      tpu.yield
    }) : () -> ()
    %dma_start3A_11 = arith.constant 0 : i32
    %dma_start3A_12 = arith.constant 0 : i32
    %dma_start3A_13 = tpu.memref_slice %arg2[%dma_start3A_11, %dma_start3A_12] : memref<100000x128xf32, #tpu.memory_space<hbm>> -> memref<100000x128xf32, #tpu.memory_space<hbm>>
    tpu.enqueue_indirect_dma source(%dma_start3A_13 : memref<100000x128xf32, #tpu.memory_space<hbm>>) target(%arg6 : memref<320x128xf32, #tpu.memory_space<vmem>>) offsets(%arg5 : memref<320xi32, #tpu.memory_space<vmem>>) semaphore(%arg7 : memref<!tpu.dma_semaphore, #tpu.memory_space<semaphore_mem>>)
    %dma_wait3A_14 = arith.constant 0 : i32
    %dma_wait3A_15 = arith.constant 0 : i32
    %dma_wait3A_16 = tpu.memref_slice %arg2[%dma_wait3A_14, %dma_wait3A_15] : memref<100000x128xf32, #tpu.memory_space<hbm>> -> memref<100000x128xf32, #tpu.memory_space<hbm>>
    tpu.wait_indirect_dma semaphore(%arg7 : memref<!tpu.dma_semaphore, #tpu.memory_space<semaphore_mem>>) src(%dma_wait3A_16 : memref<100000x128xf32, #tpu.memory_space<hbm>>) dst(%arg6 : memref<320x128xf32, #tpu.memory_space<vmem>>)
    "tpu.region"() ({
      %run_scoped3A = tpu.sem_alloc : memref<!tpu.dma_semaphore, #tpu.memory_space<semaphore_mem>>
      %dma_start3A_33 = arith.constant 0 : i32
      %dma_start3A_34 = tpu.memref_slice %arg4[%add3A_10, %dma_start3A_33] : memref<40960x128xf32, #tpu.memory_space<hbm>> -> memref<320x128xf32, #tpu.memory_space<hbm>>
      %dma_start3A_35 = arith.constant 0 : i32
      %dma_start3A_36 = tpu.memref_slice %arg4[%add3A_10, %dma_start3A_35] : memref<40960x128xf32, #tpu.memory_space<hbm>> -> memref<320x128xf32, #tpu.memory_space<hbm>>
      tpu.enqueue_dma source(%arg6 : memref<320x128xf32, #tpu.memory_space<vmem>>) target(%dma_start3A_36 : memref<320x128xf32, #tpu.memory_space<hbm>>) target_semaphore(%run_scoped3A : memref<!tpu.dma_semaphore, #tpu.memory_space<semaphore_mem>>)
      %dma_wait3A_37 = arith.constant 0 : i32
      %dma_wait3A_38 = tpu.memref_slice %arg4[%add3A_10, %dma_wait3A_37] : memref<40960x128xf32, #tpu.memory_space<hbm>> -> memref<320x128xf32, #tpu.memory_space<hbm>>
      %dma_wait3A_39 = arith.constant 0 : i32
      %dma_wait3A_40 = tpu.memref_slice %arg4[%add3A_10, %dma_wait3A_39] : memref<40960x128xf32, #tpu.memory_space<hbm>> -> memref<320x128xf32, #tpu.memory_space<hbm>>
      tpu.wait_dma2 semaphore(%run_scoped3A : memref<!tpu.dma_semaphore, #tpu.memory_space<semaphore_mem>>) src(%arg6 : memref<320x128xf32, #tpu.memory_space<vmem>>) dst(%dma_wait3A_40 : memref<320x128xf32, #tpu.memory_space<hbm>>)
      tpu.yield
    }) : () -> ()
    %add3A_17 = arith.constant 640 : i32
    %add3A_18 = arith.addi %mul3A_2, %add3A_17 : i32
    "tpu.region"() ({
      %run_scoped3A = tpu.sem_alloc : memref<!tpu.dma_semaphore, #tpu.memory_space<semaphore_mem>>
      %dma_start3A_33 = tpu.memref_slice %arg3[%add3A_18] : memref<40960xi32, #tpu.memory_space<hbm>> -> memref<320xi32, #tpu.memory_space<hbm>>
      %dma_start3A_34 = tpu.memref_slice %arg3[%add3A_18] : memref<40960xi32, #tpu.memory_space<hbm>> -> memref<320xi32, #tpu.memory_space<hbm>>
      tpu.enqueue_dma source(%dma_start3A_34 : memref<320xi32, #tpu.memory_space<hbm>>) target(%arg5 : memref<320xi32, #tpu.memory_space<vmem>>) target_semaphore(%run_scoped3A : memref<!tpu.dma_semaphore, #tpu.memory_space<semaphore_mem>>)
      %dma_wait3A_35 = tpu.memref_slice %arg3[%add3A_18] : memref<40960xi32, #tpu.memory_space<hbm>> -> memref<320xi32, #tpu.memory_space<hbm>>
      %dma_wait3A_36 = tpu.memref_slice %arg3[%add3A_18] : memref<40960xi32, #tpu.memory_space<hbm>> -> memref<320xi32, #tpu.memory_space<hbm>>
      tpu.wait_dma2 semaphore(%run_scoped3A : memref<!tpu.dma_semaphore, #tpu.memory_space<semaphore_mem>>) src(%dma_wait3A_36 : memref<320xi32, #tpu.memory_space<hbm>>) dst(%arg5 : memref<320xi32, #tpu.memory_space<vmem>>)
      tpu.yield
    }) : () -> ()
    %dma_start3A_19 = arith.constant 0 : i32
    %dma_start3A_20 = arith.constant 0 : i32
    %dma_start3A_21 = tpu.memref_slice %arg2[%dma_start3A_19, %dma_start3A_20] : memref<100000x128xf32, #tpu.memory_space<hbm>> -> memref<100000x128xf32, #tpu.memory_space<hbm>>
    tpu.enqueue_indirect_dma source(%dma_start3A_21 : memref<100000x128xf32, #tpu.memory_space<hbm>>) target(%arg6 : memref<320x128xf32, #tpu.memory_space<vmem>>) offsets(%arg5 : memref<320xi32, #tpu.memory_space<vmem>>) semaphore(%arg7 : memref<!tpu.dma_semaphore, #tpu.memory_space<semaphore_mem>>)
    %dma_wait3A_22 = arith.constant 0 : i32
    %dma_wait3A_23 = arith.constant 0 : i32
    %dma_wait3A_24 = tpu.memref_slice %arg2[%dma_wait3A_22, %dma_wait3A_23] : memref<100000x128xf32, #tpu.memory_space<hbm>> -> memref<100000x128xf32, #tpu.memory_space<hbm>>
    tpu.wait_indirect_dma semaphore(%arg7 : memref<!tpu.dma_semaphore, #tpu.memory_space<semaphore_mem>>) src(%dma_wait3A_24 : memref<100000x128xf32, #tpu.memory_space<hbm>>) dst(%arg6 : memref<320x128xf32, #tpu.memory_space<vmem>>)
    "tpu.region"() ({
      %run_scoped3A = tpu.sem_alloc : memref<!tpu.dma_semaphore, #tpu.memory_space<semaphore_mem>>
      %dma_start3A_33 = arith.constant 0 : i32
      %dma_start3A_34 = tpu.memref_slice %arg4[%add3A_18, %dma_start3A_33] : memref<40960x128xf32, #tpu.memory_space<hbm>> -> memref<320x128xf32, #tpu.memory_space<hbm>>
      %dma_start3A_35 = arith.constant 0 : i32
      %dma_start3A_36 = tpu.memref_slice %arg4[%add3A_18, %dma_start3A_35] : memref<40960x128xf32, #tpu.memory_space<hbm>> -> memref<320x128xf32, #tpu.memory_space<hbm>>
      tpu.enqueue_dma source(%arg6 : memref<320x128xf32, #tpu.memory_space<vmem>>) target(%dma_start3A_36 : memref<320x128xf32, #tpu.memory_space<hbm>>) target_semaphore(%run_scoped3A : memref<!tpu.dma_semaphore, #tpu.memory_space<semaphore_mem>>)
      %dma_wait3A_37 = arith.constant 0 : i32
      %dma_wait3A_38 = tpu.memref_slice %arg4[%add3A_18, %dma_wait3A_37] : memref<40960x128xf32, #tpu.memory_space<hbm>> -> memref<320x128xf32, #tpu.memory_space<hbm>>
      %dma_wait3A_39 = arith.constant 0 : i32
      %dma_wait3A_40 = tpu.memref_slice %arg4[%add3A_18, %dma_wait3A_39] : memref<40960x128xf32, #tpu.memory_space<hbm>> -> memref<320x128xf32, #tpu.memory_space<hbm>>
      tpu.wait_dma2 semaphore(%run_scoped3A : memref<!tpu.dma_semaphore, #tpu.memory_space<semaphore_mem>>) src(%arg6 : memref<320x128xf32, #tpu.memory_space<vmem>>) dst(%dma_wait3A_40 : memref<320x128xf32, #tpu.memory_space<hbm>>)
      tpu.yield
    }) : () -> ()
    %add3A_25 = arith.constant 960 : i32
    %add3A_26 = arith.addi %mul3A_2, %add3A_25 : i32
    "tpu.region"() ({
      %run_scoped3A = tpu.sem_alloc : memref<!tpu.dma_semaphore, #tpu.memory_space<semaphore_mem>>
      %dma_start3A_33 = tpu.memref_slice %arg3[%add3A_26] : memref<40960xi32, #tpu.memory_space<hbm>> -> memref<320xi32, #tpu.memory_space<hbm>>
      %dma_start3A_34 = tpu.memref_slice %arg3[%add3A_26] : memref<40960xi32, #tpu.memory_space<hbm>> -> memref<320xi32, #tpu.memory_space<hbm>>
      tpu.enqueue_dma source(%dma_start3A_34 : memref<320xi32, #tpu.memory_space<hbm>>) target(%arg5 : memref<320xi32, #tpu.memory_space<vmem>>) target_semaphore(%run_scoped3A : memref<!tpu.dma_semaphore, #tpu.memory_space<semaphore_mem>>)
      %dma_wait3A_35 = tpu.memref_slice %arg3[%add3A_26] : memref<40960xi32, #tpu.memory_space<hbm>> -> memref<320xi32, #tpu.memory_space<hbm>>
      %dma_wait3A_36 = tpu.memref_slice %arg3[%add3A_26] : memref<40960xi32, #tpu.memory_space<hbm>> -> memref<320xi32, #tpu.memory_space<hbm>>
      tpu.wait_dma2 semaphore(%run_scoped3A : memref<!tpu.dma_semaphore, #tpu.memory_space<semaphore_mem>>) src(%dma_wait3A_36 : memref<320xi32, #tpu.memory_space<hbm>>) dst(%arg5 : memref<320xi32, #tpu.memory_space<vmem>>)
      tpu.yield
    }) : () -> ()
    %dma_start3A_27 = arith.constant 0 : i32
    %dma_start3A_28 = arith.constant 0 : i32
    %dma_start3A_29 = tpu.memref_slice %arg2[%dma_start3A_27, %dma_start3A_28] : memref<100000x128xf32, #tpu.memory_space<hbm>> -> memref<100000x128xf32, #tpu.memory_space<hbm>>
    tpu.enqueue_indirect_dma source(%dma_start3A_29 : memref<100000x128xf32, #tpu.memory_space<hbm>>) target(%arg6 : memref<320x128xf32, #tpu.memory_space<vmem>>) offsets(%arg5 : memref<320xi32, #tpu.memory_space<vmem>>) semaphore(%arg7 : memref<!tpu.dma_semaphore, #tpu.memory_space<semaphore_mem>>)
    %dma_wait3A_30 = arith.constant 0 : i32
    %dma_wait3A_31 = arith.constant 0 : i32
    %dma_wait3A_32 = tpu.memref_slice %arg2[%dma_wait3A_30, %dma_wait3A_31] : memref<100000x128xf32, #tpu.memory_space<hbm>> -> memref<100000x128xf32, #tpu.memory_space<hbm>>
    tpu.wait_indirect_dma semaphore(%arg7 : memref<!tpu.dma_semaphore, #tpu.memory_space<semaphore_mem>>) src(%dma_wait3A_32 : memref<100000x128xf32, #tpu.memory_space<hbm>>) dst(%arg6 : memref<320x128xf32, #tpu.memory_space<vmem>>)
    "tpu.region"() ({
      %run_scoped3A = tpu.sem_alloc : memref<!tpu.dma_semaphore, #tpu.memory_space<semaphore_mem>>
      %dma_start3A_33 = arith.constant 0 : i32
      %dma_start3A_34 = tpu.memref_slice %arg4[%add3A_26, %dma_start3A_33] : memref<40960x128xf32, #tpu.memory_space<hbm>> -> memref<320x128xf32, #tpu.memory_space<hbm>>
      %dma_start3A_35 = arith.constant 0 : i32
      %dma_start3A_36 = tpu.memref_slice %arg4[%add3A_26, %dma_start3A_35] : memref<40960x128xf32, #tpu.memory_space<hbm>> -> memref<320x128xf32, #tpu.memory_space<hbm>>
      tpu.enqueue_dma source(%arg6 : memref<320x128xf32, #tpu.memory_space<vmem>>) target(%dma_start3A_36 : memref<320x128xf32, #tpu.memory_space<hbm>>) target_semaphore(%run_scoped3A : memref<!tpu.dma_semaphore, #tpu.memory_space<semaphore_mem>>)
      %dma_wait3A_37 = arith.constant 0 : i32
      %dma_wait3A_38 = tpu.memref_slice %arg4[%add3A_26, %dma_wait3A_37] : memref<40960x128xf32, #tpu.memory_space<hbm>> -> memref<320x128xf32, #tpu.memory_space<hbm>>
      %dma_wait3A_39 = arith.constant 0 : i32
      %dma_wait3A_40 = tpu.memref_slice %arg4[%add3A_26, %dma_wait3A_39] : memref<40960x128xf32, #tpu.memory_space<hbm>> -> memref<320x128xf32, #tpu.memory_space<hbm>>
      tpu.wait_dma2 semaphore(%run_scoped3A : memref<!tpu.dma_semaphore, #tpu.memory_space<semaphore_mem>>) src(%arg6 : memref<320x128xf32, #tpu.memory_space<vmem>>) dst(%dma_wait3A_40 : memref<320x128xf32, #tpu.memory_space<hbm>>)
      tpu.yield
    }) : () -> ()
    return
  }
}

#map = affine_map<(d0, d1) -> (0, 0)>
#map1 = affine_map<(d0, d1) -> (0)>
module attributes {stable_mosaic.version = 14 : i64} {
  func.func @_sc_gather_body(%arg0: i32, %arg1: i32, %arg2: memref<100000x128xf32, #tpu.memory_space<hbm>>, %arg3: memref<40960xi32, #tpu.memory_space<hbm>>, %arg4: memref<40960x128xf32, #tpu.memory_space<hbm>>, %arg5: memref<320xi32, #tpu.memory_space<vmem>>, %arg6: memref<320x128xf32, #tpu.memory_space<vmem>>, %arg7: memref<!tpu.dma_semaphore, #tpu.memory_space<semaphore_mem>>) attributes {dimension_semantics = [#tpu.dimension_semantics<core_parallel>, #tpu.dimension_semantics<subcore_parallel>], iteration_bounds = array<i64: 2, 16>, scalar_prefetch = 0 : i64, scratch_operands = 3 : i64, tpu.core_type = #tpu.core_type<sc_vector_subcore>, window_params = [{transform_indices = #map}, {transform_indices = #map1}, {transform_indices = #map}]} {
    %mul3A = arith.constant 2 : i32
    %mul3A_0 = arith.muli %arg1, %mul3A : i32
    %add3A = arith.addi %mul3A_0, %arg0 : i32
    %mul3A_1 = arith.constant 1280 : i32
    %mul3A_2 = arith.muli %add3A, %mul3A_1 : i32
    %add3A_3 = arith.constant 0 : i32
    %add3A_4 = arith.addi %mul3A_2, %add3A_3 : i32
    "tpu.region"() ({
      %run_scoped3A = tpu.sem_alloc : memref<!tpu.dma_semaphore, #tpu.memory_space<semaphore_mem>>
      %dma_start3A_33 = tpu.memref_slice %arg3[%add3A_4] : memref<40960xi32, #tpu.memory_space<hbm>> -> memref<320xi32, #tpu.memory_space<hbm>>
      %dma_start3A_34 = tpu.memref_slice %arg3[%add3A_4] : memref<40960xi32, #tpu.memory_space<hbm>> -> memref<320xi32, #tpu.memory_space<hbm>>
      tpu.enqueue_dma source(%dma_start3A_34 : memref<320xi32, #tpu.memory_space<hbm>>) target(%arg5 : memref<320xi32, #tpu.memory_space<vmem>>) target_semaphore(%run_scoped3A : memref<!tpu.dma_semaphore, #tpu.memory_space<semaphore_mem>>)
      %dma_wait3A_35 = tpu.memref_slice %arg3[%add3A_4] : memref<40960xi32, #tpu.memory_space<hbm>> -> memref<320xi32, #tpu.memory_space<hbm>>
      %dma_wait3A_36 = tpu.memref_slice %arg3[%add3A_4] : memref<40960xi32, #tpu.memory_space<hbm>> -> memref<320xi32, #tpu.memory_space<hbm>>
      tpu.wait_dma2 semaphore(%run_scoped3A : memref<!tpu.dma_semaphore, #tpu.memory_space<semaphore_mem>>) src(%dma_wait3A_36 : memref<320xi32, #tpu.memory_space<hbm>>) dst(%arg5 : memref<320xi32, #tpu.memory_space<vmem>>)
      tpu.yield
    }) : () -> ()
    %dma_start3A = arith.constant 0 : i32
    %dma_start3A_5 = arith.constant 0 : i32
    %dma_start3A_6 = tpu.memref_slice %arg2[%dma_start3A, %dma_start3A_5] : memref<100000x128xf32, #tpu.memory_space<hbm>> -> memref<100000x128xf32, #tpu.memory_space<hbm>>
    tpu.enqueue_indirect_dma source(%dma_start3A_6 : memref<100000x128xf32, #tpu.memory_space<hbm>>) target(%arg6 : memref<320x128xf32, #tpu.memory_space<vmem>>) offsets(%arg5 : memref<320xi32, #tpu.memory_space<vmem>>) semaphore(%arg7 : memref<!tpu.dma_semaphore, #tpu.memory_space<semaphore_mem>>)
    %dma_wait3A = arith.constant 0 : i32
    %dma_wait3A_7 = arith.constant 0 : i32
    %dma_wait3A_8 = tpu.memref_slice %arg2[%dma_wait3A, %dma_wait3A_7] : memref<100000x128xf32, #tpu.memory_space<hbm>> -> memref<100000x128xf32, #tpu.memory_space<hbm>>
    tpu.wait_indirect_dma semaphore(%arg7 : memref<!tpu.dma_semaphore, #tpu.memory_space<semaphore_mem>>) src(%dma_wait3A_8 : memref<100000x128xf32, #tpu.memory_space<hbm>>) dst(%arg6 : memref<320x128xf32, #tpu.memory_space<vmem>>)
    "tpu.region"() ({
      %run_scoped3A = tpu.sem_alloc : memref<!tpu.dma_semaphore, #tpu.memory_space<semaphore_mem>>
      %dma_start3A_33 = arith.constant 0 : i32
      %dma_start3A_34 = tpu.memref_slice %arg4[%add3A_4, %dma_start3A_33] : memref<40960x128xf32, #tpu.memory_space<hbm>> -> memref<320x128xf32, #tpu.memory_space<hbm>>
      %dma_start3A_35 = arith.constant 0 : i32
      %dma_start3A_36 = tpu.memref_slice %arg4[%add3A_4, %dma_start3A_35] : memref<40960x128xf32, #tpu.memory_space<hbm>> -> memref<320x128xf32, #tpu.memory_space<hbm>>
      tpu.enqueue_dma source(%arg6 : memref<320x128xf32, #tpu.memory_space<vmem>>) target(%dma_start3A_36 : memref<320x128xf32, #tpu.memory_space<hbm>>) target_semaphore(%run_scoped3A : memref<!tpu.dma_semaphore, #tpu.memory_space<semaphore_mem>>)
      %dma_wait3A_37 = arith.constant 0 : i32
      %dma_wait3A_38 = tpu.memref_slice %arg4[%add3A_4, %dma_wait3A_37] : memref<40960x128xf32, #tpu.memory_space<hbm>> -> memref<320x128xf32, #tpu.memory_space<hbm>>
      %dma_wait3A_39 = arith.constant 0 : i32
      %dma_wait3A_40 = tpu.memref_slice %arg4[%add3A_4, %dma_wait3A_39] : memref<40960x128xf32, #tpu.memory_space<hbm>> -> memref<320x128xf32, #tpu.memory_space<hbm>>
      tpu.wait_dma2 semaphore(%run_scoped3A : memref<!tpu.dma_semaphore, #tpu.memory_space<semaphore_mem>>) src(%arg6 : memref<320x128xf32, #tpu.memory_space<vmem>>) dst(%dma_wait3A_40 : memref<320x128xf32, #tpu.memory_space<hbm>>)
      tpu.yield
    }) : () -> ()
    %add3A_9 = arith.constant 320 : i32
    %add3A_10 = arith.addi %mul3A_2, %add3A_9 : i32
    "tpu.region"() ({
      %run_scoped3A = tpu.sem_alloc : memref<!tpu.dma_semaphore, #tpu.memory_space<semaphore_mem>>
      %dma_start3A_33 = tpu.memref_slice %arg3[%add3A_10] : memref<40960xi32, #tpu.memory_space<hbm>> -> memref<320xi32, #tpu.memory_space<hbm>>
      %dma_start3A_34 = tpu.memref_slice %arg3[%add3A_10] : memref<40960xi32, #tpu.memory_space<hbm>> -> memref<320xi32, #tpu.memory_space<hbm>>
      tpu.enqueue_dma source(%dma_start3A_34 : memref<320xi32, #tpu.memory_space<hbm>>) target(%arg5 : memref<320xi32, #tpu.memory_space<vmem>>) target_semaphore(%run_scoped3A : memref<!tpu.dma_semaphore, #tpu.memory_space<semaphore_mem>>)
      %dma_wait3A_35 = tpu.memref_slice %arg3[%add3A_10] : memref<40960xi32, #tpu.memory_space<hbm>> -> memref<320xi32, #tpu.memory_space<hbm>>
      %dma_wait3A_36 = tpu.memref_slice %arg3[%add3A_10] : memref<40960xi32, #tpu.memory_space<hbm>> -> memref<320xi32, #tpu.memory_space<hbm>>
      tpu.wait_dma2 semaphore(%run_scoped3A : memref<!tpu.dma_semaphore, #tpu.memory_space<semaphore_mem>>) src(%dma_wait3A_36 : memref<320xi32, #tpu.memory_space<hbm>>) dst(%arg5 : memref<320xi32, #tpu.memory_space<vmem>>)
      tpu.yield
    }) : () -> ()
    %dma_start3A_11 = arith.constant 0 : i32
    %dma_start3A_12 = arith.constant 0 : i32
    %dma_start3A_13 = tpu.memref_slice %arg2[%dma_start3A_11, %dma_start3A_12] : memref<100000x128xf32, #tpu.memory_space<hbm>> -> memref<100000x128xf32, #tpu.memory_space<hbm>>
    tpu.enqueue_indirect_dma source(%dma_start3A_13 : memref<100000x128xf32, #tpu.memory_space<hbm>>) target(%arg6 : memref<320x128xf32, #tpu.memory_space<vmem>>) offsets(%arg5 : memref<320xi32, #tpu.memory_space<vmem>>) semaphore(%arg7 : memref<!tpu.dma_semaphore, #tpu.memory_space<semaphore_mem>>)
    %dma_wait3A_14 = arith.constant 0 : i32
    %dma_wait3A_15 = arith.constant 0 : i32
    %dma_wait3A_16 = tpu.memref_slice %arg2[%dma_wait3A_14, %dma_wait3A_15] : memref<100000x128xf32, #tpu.memory_space<hbm>> -> memref<100000x128xf32, #tpu.memory_space<hbm>>
    tpu.wait_indirect_dma semaphore(%arg7 : memref<!tpu.dma_semaphore, #tpu.memory_space<semaphore_mem>>) src(%dma_wait3A_16 : memref<100000x128xf32, #tpu.memory_space<hbm>>) dst(%arg6 : memref<320x128xf32, #tpu.memory_space<vmem>>)
    "tpu.region"() ({
      %run_scoped3A = tpu.sem_alloc : memref<!tpu.dma_semaphore, #tpu.memory_space<semaphore_mem>>
      %dma_start3A_33 = arith.constant 0 : i32
      %dma_start3A_34 = tpu.memref_slice %arg4[%add3A_10, %dma_start3A_33] : memref<40960x128xf32, #tpu.memory_space<hbm>> -> memref<320x128xf32, #tpu.memory_space<hbm>>
      %dma_start3A_35 = arith.constant 0 : i32
      %dma_start3A_36 = tpu.memref_slice %arg4[%add3A_10, %dma_start3A_35] : memref<40960x128xf32, #tpu.memory_space<hbm>> -> memref<320x128xf32, #tpu.memory_space<hbm>>
      tpu.enqueue_dma source(%arg6 : memref<320x128xf32, #tpu.memory_space<vmem>>) target(%dma_start3A_36 : memref<320x128xf32, #tpu.memory_space<hbm>>) target_semaphore(%run_scoped3A : memref<!tpu.dma_semaphore, #tpu.memory_space<semaphore_mem>>)
      %dma_wait3A_37 = arith.constant 0 : i32
      %dma_wait3A_38 = tpu.memref_slice %arg4[%add3A_10, %dma_wait3A_37] : memref<40960x128xf32, #tpu.memory_space<hbm>> -> memref<320x128xf32, #tpu.memory_space<hbm>>
      %dma_wait3A_39 = arith.constant 0 : i32
      %dma_wait3A_40 = tpu.memref_slice %arg4[%add3A_10, %dma_wait3A_39] : memref<40960x128xf32, #tpu.memory_space<hbm>> -> memref<320x128xf32, #tpu.memory_space<hbm>>
      tpu.wait_dma2 semaphore(%run_scoped3A : memref<!tpu.dma_semaphore, #tpu.memory_space<semaphore_mem>>) src(%arg6 : memref<320x128xf32, #tpu.memory_space<vmem>>) dst(%dma_wait3A_40 : memref<320x128xf32, #tpu.memory_space<hbm>>)
      tpu.yield
    }) : () -> ()
    %add3A_17 = arith.constant 640 : i32
    %add3A_18 = arith.addi %mul3A_2, %add3A_17 : i32
    "tpu.region"() ({
      %run_scoped3A = tpu.sem_alloc : memref<!tpu.dma_semaphore, #tpu.memory_space<semaphore_mem>>
      %dma_start3A_33 = tpu.memref_slice %arg3[%add3A_18] : memref<40960xi32, #tpu.memory_space<hbm>> -> memref<320xi32, #tpu.memory_space<hbm>>
      %dma_start3A_34 = tpu.memref_slice %arg3[%add3A_18] : memref<40960xi32, #tpu.memory_space<hbm>> -> memref<320xi32, #tpu.memory_space<hbm>>
      tpu.enqueue_dma source(%dma_start3A_34 : memref<320xi32, #tpu.memory_space<hbm>>) target(%arg5 : memref<320xi32, #tpu.memory_space<vmem>>) target_semaphore(%run_scoped3A : memref<!tpu.dma_semaphore, #tpu.memory_space<semaphore_mem>>)
      %dma_wait3A_35 = tpu.memref_slice %arg3[%add3A_18] : memref<40960xi32, #tpu.memory_space<hbm>> -> memref<320xi32, #tpu.memory_space<hbm>>
      %dma_wait3A_36 = tpu.memref_slice %arg3[%add3A_18] : memref<40960xi32, #tpu.memory_space<hbm>> -> memref<320xi32, #tpu.memory_space<hbm>>
      tpu.wait_dma2 semaphore(%run_scoped3A : memref<!tpu.dma_semaphore, #tpu.memory_space<semaphore_mem>>) src(%dma_wait3A_36 : memref<320xi32, #tpu.memory_space<hbm>>) dst(%arg5 : memref<320xi32, #tpu.memory_space<vmem>>)
      tpu.yield
    }) : () -> ()
    %dma_start3A_19 = arith.constant 0 : i32
    %dma_start3A_20 = arith.constant 0 : i32
    %dma_start3A_21 = tpu.memref_slice %arg2[%dma_start3A_19, %dma_start3A_20] : memref<100000x128xf32, #tpu.memory_space<hbm>> -> memref<100000x128xf32, #tpu.memory_space<hbm>>
    tpu.enqueue_indirect_dma source(%dma_start3A_21 : memref<100000x128xf32, #tpu.memory_space<hbm>>) target(%arg6 : memref<320x128xf32, #tpu.memory_space<vmem>>) offsets(%arg5 : memref<320xi32, #tpu.memory_space<vmem>>) semaphore(%arg7 : memref<!tpu.dma_semaphore, #tpu.memory_space<semaphore_mem>>)
    %dma_wait3A_22 = arith.constant 0 : i32
    %dma_wait3A_23 = arith.constant 0 : i32
    %dma_wait3A_24 = tpu.memref_slice %arg2[%dma_wait3A_22, %dma_wait3A_23] : memref<100000x128xf32, #tpu.memory_space<hbm>> -> memref<100000x128xf32, #tpu.memory_space<hbm>>
    tpu.wait_indirect_dma semaphore(%arg7 : memref<!tpu.dma_semaphore, #tpu.memory_space<semaphore_mem>>) src(%dma_wait3A_24 : memref<100000x128xf32, #tpu.memory_space<hbm>>) dst(%arg6 : memref<320x128xf32, #tpu.memory_space<vmem>>)
    "tpu.region"() ({
      %run_scoped3A = tpu.sem_alloc : memref<!tpu.dma_semaphore, #tpu.memory_space<semaphore_mem>>
      %dma_start3A_33 = arith.constant 0 : i32
      %dma_start3A_34 = tpu.memref_slice %arg4[%add3A_18, %dma_start3A_33] : memref<40960x128xf32, #tpu.memory_space<hbm>> -> memref<320x128xf32, #tpu.memory_space<hbm>>
      %dma_start3A_35 = arith.constant 0 : i32
      %dma_start3A_36 = tpu.memref_slice %arg4[%add3A_18, %dma_start3A_35] : memref<40960x128xf32, #tpu.memory_space<hbm>> -> memref<320x128xf32, #tpu.memory_space<hbm>>
      tpu.enqueue_dma source(%arg6 : memref<320x128xf32, #tpu.memory_space<vmem>>) target(%dma_start3A_36 : memref<320x128xf32, #tpu.memory_space<hbm>>) target_semaphore(%run_scoped3A : memref<!tpu.dma_semaphore, #tpu.memory_space<semaphore_mem>>)
      %dma_wait3A_37 = arith.constant 0 : i32
      %dma_wait3A_38 = tpu.memref_slice %arg4[%add3A_18, %dma_wait3A_37] : memref<40960x128xf32, #tpu.memory_space<hbm>> -> memref<320x128xf32, #tpu.memory_space<hbm>>
      %dma_wait3A_39 = arith.constant 0 : i32
      %dma_wait3A_40 = tpu.memref_slice %arg4[%add3A_18, %dma_wait3A_39] : memref<40960x128xf32, #tpu.memory_space<hbm>> -> memref<320x128xf32, #tpu.memory_space<hbm>>
      tpu.wait_dma2 semaphore(%run_scoped3A : memref<!tpu.dma_semaphore, #tpu.memory_space<semaphore_mem>>) src(%arg6 : memref<320x128xf32, #tpu.memory_space<vmem>>) dst(%dma_wait3A_40 : memref<320x128xf32, #tpu.memory_space<hbm>>)
      tpu.yield
    }) : () -> ()
    %add3A_25 = arith.constant 960 : i32
    %add3A_26 = arith.addi %mul3A_2, %add3A_25 : i32
    "tpu.region"() ({
      %run_scoped3A = tpu.sem_alloc : memref<!tpu.dma_semaphore, #tpu.memory_space<semaphore_mem>>
      %dma_start3A_33 = tpu.memref_slice %arg3[%add3A_26] : memref<40960xi32, #tpu.memory_space<hbm>> -> memref<320xi32, #tpu.memory_space<hbm>>
      %dma_start3A_34 = tpu.memref_slice %arg3[%add3A_26] : memref<40960xi32, #tpu.memory_space<hbm>> -> memref<320xi32, #tpu.memory_space<hbm>>
      tpu.enqueue_dma source(%dma_start3A_34 : memref<320xi32, #tpu.memory_space<hbm>>) target(%arg5 : memref<320xi32, #tpu.memory_space<vmem>>) target_semaphore(%run_scoped3A : memref<!tpu.dma_semaphore, #tpu.memory_space<semaphore_mem>>)
      %dma_wait3A_35 = tpu.memref_slice %arg3[%add3A_26] : memref<40960xi32, #tpu.memory_space<hbm>> -> memref<320xi32, #tpu.memory_space<hbm>>
      %dma_wait3A_36 = tpu.memref_slice %arg3[%add3A_26] : memref<40960xi32, #tpu.memory_space<hbm>> -> memref<320xi32, #tpu.memory_space<hbm>>
      tpu.wait_dma2 semaphore(%run_scoped3A : memref<!tpu.dma_semaphore, #tpu.memory_space<semaphore_mem>>) src(%dma_wait3A_36 : memref<320xi32, #tpu.memory_space<hbm>>) dst(%arg5 : memref<320xi32, #tpu.memory_space<vmem>>)
      tpu.yield
    }) : () -> ()
    %dma_start3A_27 = arith.constant 0 : i32
    %dma_start3A_28 = arith.constant 0 : i32
    %dma_start3A_29 = tpu.memref_slice %arg2[%dma_start3A_27, %dma_start3A_28] : memref<100000x128xf32, #tpu.memory_space<hbm>> -> memref<100000x128xf32, #tpu.memory_space<hbm>>
    tpu.enqueue_indirect_dma source(%dma_start3A_29 : memref<100000x128xf32, #tpu.memory_space<hbm>>) target(%arg6 : memref<320x128xf32, #tpu.memory_space<vmem>>) offsets(%arg5 : memref<320xi32, #tpu.memory_space<vmem>>) semaphore(%arg7 : memref<!tpu.dma_semaphore, #tpu.memory_space<semaphore_mem>>)
    %dma_wait3A_30 = arith.constant 0 : i32
    %dma_wait3A_31 = arith.constant 0 : i32
    %dma_wait3A_32 = tpu.memref_slice %arg2[%dma_wait3A_30, %dma_wait3A_31] : memref<100000x128xf32, #tpu.memory_space<hbm>> -> memref<100000x128xf32, #tpu.memory_space<hbm>>
    tpu.wait_indirect_dma semaphore(%arg7 : memref<!tpu.dma_semaphore, #tpu.memory_space<semaphore_mem>>) src(%dma_wait3A_32 : memref<100000x128xf32, #tpu.memory_space<hbm>>) dst(%arg6 : memref<320x128xf32, #tpu.memory_space<vmem>>)
    "tpu.region"() ({
      %run_scoped3A = tpu.sem_alloc : memref<!tpu.dma_semaphore, #tpu.memory_space<semaphore_mem>>
      %dma_start3A_33 = arith.constant 0 : i32
      %dma_start3A_34 = tpu.memref_slice %arg4[%add3A_26, %dma_start3A_33] : memref<40960x128xf32, #tpu.memory_space<hbm>> -> memref<320x128xf32, #tpu.memory_space<hbm>>
      %dma_start3A_35 = arith.constant 0 : i32
      %dma_start3A_36 = tpu.memref_slice %arg4[%add3A_26, %dma_start3A_35] : memref<40960x128xf32, #tpu.memory_space<hbm>> -> memref<320x128xf32, #tpu.memory_space<hbm>>
      tpu.enqueue_dma source(%arg6 : memref<320x128xf32, #tpu.memory_space<vmem>>) target(%dma_start3A_36 : memref<320x128xf32, #tpu.memory_space<hbm>>) target_semaphore(%run_scoped3A : memref<!tpu.dma_semaphore, #tpu.memory_space<semaphore_mem>>)
      %dma_wait3A_37 = arith.constant 0 : i32
      %dma_wait3A_38 = tpu.memref_slice %arg4[%add3A_26, %dma_wait3A_37] : memref<40960x128xf32, #tpu.memory_space<hbm>> -> memref<320x128xf32, #tpu.memory_space<hbm>>
      %dma_wait3A_39 = arith.constant 0 : i32
      %dma_wait3A_40 = tpu.memref_slice %arg4[%add3A_26, %dma_wait3A_39] : memref<40960x128xf32, #tpu.memory_space<hbm>> -> memref<320x128xf32, #tpu.memory_space<hbm>>
      tpu.wait_dma2 semaphore(%run_scoped3A : memref<!tpu.dma_semaphore, #tpu.memory_space<semaphore_mem>>) src(%arg6 : memref<320x128xf32, #tpu.memory_space<vmem>>) dst(%dma_wait3A_40 : memref<320x128xf32, #tpu.memory_space<hbm>>)
      tpu.yield
    }) : () -> ()
    return
  }
}

#map = affine_map<(d0, d1) -> (0, 0)>
#map1 = affine_map<(d0, d1) -> (0)>
module attributes {stable_mosaic.version = 14 : i64} {
  func.func @_sc_gather_body(%arg0: i32, %arg1: i32, %arg2: memref<100000x128xf32, #tpu.memory_space<hbm>>, %arg3: memref<40960xi32, #tpu.memory_space<hbm>>, %arg4: memref<40960x128xf32, #tpu.memory_space<hbm>>, %arg5: memref<320xi32, #tpu.memory_space<vmem>>, %arg6: memref<320x128xf32, #tpu.memory_space<vmem>>, %arg7: memref<!tpu.dma_semaphore, #tpu.memory_space<semaphore_mem>>) attributes {dimension_semantics = [#tpu.dimension_semantics<core_parallel>, #tpu.dimension_semantics<subcore_parallel>], iteration_bounds = array<i64: 2, 16>, scalar_prefetch = 0 : i64, scratch_operands = 3 : i64, tpu.core_type = #tpu.core_type<sc_vector_subcore>, window_params = [{transform_indices = #map}, {transform_indices = #map1}, {transform_indices = #map}]} {
    %mul3A = arith.constant 2 : i32
    %mul3A_0 = arith.muli %arg1, %mul3A : i32
    %add3A = arith.addi %mul3A_0, %arg0 : i32
    %mul3A_1 = arith.constant 1280 : i32
    %mul3A_2 = arith.muli %add3A, %mul3A_1 : i32
    %add3A_3 = arith.constant 0 : i32
    %add3A_4 = arith.addi %mul3A_2, %add3A_3 : i32
    "tpu.region"() ({
      %run_scoped3A = tpu.sem_alloc : memref<!tpu.dma_semaphore, #tpu.memory_space<semaphore_mem>>
      %dma_start3A_33 = tpu.memref_slice %arg3[%add3A_4] : memref<40960xi32, #tpu.memory_space<hbm>> -> memref<320xi32, #tpu.memory_space<hbm>>
      %dma_start3A_34 = tpu.memref_slice %arg3[%add3A_4] : memref<40960xi32, #tpu.memory_space<hbm>> -> memref<320xi32, #tpu.memory_space<hbm>>
      tpu.enqueue_dma source(%dma_start3A_34 : memref<320xi32, #tpu.memory_space<hbm>>) target(%arg5 : memref<320xi32, #tpu.memory_space<vmem>>) target_semaphore(%run_scoped3A : memref<!tpu.dma_semaphore, #tpu.memory_space<semaphore_mem>>)
      %dma_wait3A_35 = tpu.memref_slice %arg3[%add3A_4] : memref<40960xi32, #tpu.memory_space<hbm>> -> memref<320xi32, #tpu.memory_space<hbm>>
      %dma_wait3A_36 = tpu.memref_slice %arg3[%add3A_4] : memref<40960xi32, #tpu.memory_space<hbm>> -> memref<320xi32, #tpu.memory_space<hbm>>
      tpu.wait_dma2 semaphore(%run_scoped3A : memref<!tpu.dma_semaphore, #tpu.memory_space<semaphore_mem>>) src(%dma_wait3A_36 : memref<320xi32, #tpu.memory_space<hbm>>) dst(%arg5 : memref<320xi32, #tpu.memory_space<vmem>>)
      tpu.yield
    }) : () -> ()
    %dma_start3A = arith.constant 0 : i32
    %dma_start3A_5 = arith.constant 0 : i32
    %dma_start3A_6 = tpu.memref_slice %arg2[%dma_start3A, %dma_start3A_5] : memref<100000x128xf32, #tpu.memory_space<hbm>> -> memref<100000x128xf32, #tpu.memory_space<hbm>>
    tpu.enqueue_indirect_dma source(%dma_start3A_6 : memref<100000x128xf32, #tpu.memory_space<hbm>>) target(%arg6 : memref<320x128xf32, #tpu.memory_space<vmem>>) offsets(%arg5 : memref<320xi32, #tpu.memory_space<vmem>>) semaphore(%arg7 : memref<!tpu.dma_semaphore, #tpu.memory_space<semaphore_mem>>)
    %dma_wait3A = arith.constant 0 : i32
    %dma_wait3A_7 = arith.constant 0 : i32
    %dma_wait3A_8 = tpu.memref_slice %arg2[%dma_wait3A, %dma_wait3A_7] : memref<100000x128xf32, #tpu.memory_space<hbm>> -> memref<100000x128xf32, #tpu.memory_space<hbm>>
    tpu.wait_indirect_dma semaphore(%arg7 : memref<!tpu.dma_semaphore, #tpu.memory_space<semaphore_mem>>) src(%dma_wait3A_8 : memref<100000x128xf32, #tpu.memory_space<hbm>>) dst(%arg6 : memref<320x128xf32, #tpu.memory_space<vmem>>)
    "tpu.region"() ({
      %run_scoped3A = tpu.sem_alloc : memref<!tpu.dma_semaphore, #tpu.memory_space<semaphore_mem>>
      %dma_start3A_33 = arith.constant 0 : i32
      %dma_start3A_34 = tpu.memref_slice %arg4[%add3A_4, %dma_start3A_33] : memref<40960x128xf32, #tpu.memory_space<hbm>> -> memref<320x128xf32, #tpu.memory_space<hbm>>
      %dma_start3A_35 = arith.constant 0 : i32
      %dma_start3A_36 = tpu.memref_slice %arg4[%add3A_4, %dma_start3A_35] : memref<40960x128xf32, #tpu.memory_space<hbm>> -> memref<320x128xf32, #tpu.memory_space<hbm>>
      tpu.enqueue_dma source(%arg6 : memref<320x128xf32, #tpu.memory_space<vmem>>) target(%dma_start3A_36 : memref<320x128xf32, #tpu.memory_space<hbm>>) target_semaphore(%run_scoped3A : memref<!tpu.dma_semaphore, #tpu.memory_space<semaphore_mem>>)
      %dma_wait3A_37 = arith.constant 0 : i32
      %dma_wait3A_38 = tpu.memref_slice %arg4[%add3A_4, %dma_wait3A_37] : memref<40960x128xf32, #tpu.memory_space<hbm>> -> memref<320x128xf32, #tpu.memory_space<hbm>>
      %dma_wait3A_39 = arith.constant 0 : i32
      %dma_wait3A_40 = tpu.memref_slice %arg4[%add3A_4, %dma_wait3A_39] : memref<40960x128xf32, #tpu.memory_space<hbm>> -> memref<320x128xf32, #tpu.memory_space<hbm>>
      tpu.wait_dma2 semaphore(%run_scoped3A : memref<!tpu.dma_semaphore, #tpu.memory_space<semaphore_mem>>) src(%arg6 : memref<320x128xf32, #tpu.memory_space<vmem>>) dst(%dma_wait3A_40 : memref<320x128xf32, #tpu.memory_space<hbm>>)
      tpu.yield
    }) : () -> ()
    %add3A_9 = arith.constant 320 : i32
    %add3A_10 = arith.addi %mul3A_2, %add3A_9 : i32
    "tpu.region"() ({
      %run_scoped3A = tpu.sem_alloc : memref<!tpu.dma_semaphore, #tpu.memory_space<semaphore_mem>>
      %dma_start3A_33 = tpu.memref_slice %arg3[%add3A_10] : memref<40960xi32, #tpu.memory_space<hbm>> -> memref<320xi32, #tpu.memory_space<hbm>>
      %dma_start3A_34 = tpu.memref_slice %arg3[%add3A_10] : memref<40960xi32, #tpu.memory_space<hbm>> -> memref<320xi32, #tpu.memory_space<hbm>>
      tpu.enqueue_dma source(%dma_start3A_34 : memref<320xi32, #tpu.memory_space<hbm>>) target(%arg5 : memref<320xi32, #tpu.memory_space<vmem>>) target_semaphore(%run_scoped3A : memref<!tpu.dma_semaphore, #tpu.memory_space<semaphore_mem>>)
      %dma_wait3A_35 = tpu.memref_slice %arg3[%add3A_10] : memref<40960xi32, #tpu.memory_space<hbm>> -> memref<320xi32, #tpu.memory_space<hbm>>
      %dma_wait3A_36 = tpu.memref_slice %arg3[%add3A_10] : memref<40960xi32, #tpu.memory_space<hbm>> -> memref<320xi32, #tpu.memory_space<hbm>>
      tpu.wait_dma2 semaphore(%run_scoped3A : memref<!tpu.dma_semaphore, #tpu.memory_space<semaphore_mem>>) src(%dma_wait3A_36 : memref<320xi32, #tpu.memory_space<hbm>>) dst(%arg5 : memref<320xi32, #tpu.memory_space<vmem>>)
      tpu.yield
    }) : () -> ()
    %dma_start3A_11 = arith.constant 0 : i32
    %dma_start3A_12 = arith.constant 0 : i32
    %dma_start3A_13 = tpu.memref_slice %arg2[%dma_start3A_11, %dma_start3A_12] : memref<100000x128xf32, #tpu.memory_space<hbm>> -> memref<100000x128xf32, #tpu.memory_space<hbm>>
    tpu.enqueue_indirect_dma source(%dma_start3A_13 : memref<100000x128xf32, #tpu.memory_space<hbm>>) target(%arg6 : memref<320x128xf32, #tpu.memory_space<vmem>>) offsets(%arg5 : memref<320xi32, #tpu.memory_space<vmem>>) semaphore(%arg7 : memref<!tpu.dma_semaphore, #tpu.memory_space<semaphore_mem>>)
    %dma_wait3A_14 = arith.constant 0 : i32
    %dma_wait3A_15 = arith.constant 0 : i32
    %dma_wait3A_16 = tpu.memref_slice %arg2[%dma_wait3A_14, %dma_wait3A_15] : memref<100000x128xf32, #tpu.memory_space<hbm>> -> memref<100000x128xf32, #tpu.memory_space<hbm>>
    tpu.wait_indirect_dma semaphore(%arg7 : memref<!tpu.dma_semaphore, #tpu.memory_space<semaphore_mem>>) src(%dma_wait3A_16 : memref<100000x128xf32, #tpu.memory_space<hbm>>) dst(%arg6 : memref<320x128xf32, #tpu.memory_space<vmem>>)
    "tpu.region"() ({
      %run_scoped3A = tpu.sem_alloc : memref<!tpu.dma_semaphore, #tpu.memory_space<semaphore_mem>>
      %dma_start3A_33 = arith.constant 0 : i32
      %dma_start3A_34 = tpu.memref_slice %arg4[%add3A_10, %dma_start3A_33] : memref<40960x128xf32, #tpu.memory_space<hbm>> -> memref<320x128xf32, #tpu.memory_space<hbm>>
      %dma_start3A_35 = arith.constant 0 : i32
      %dma_start3A_36 = tpu.memref_slice %arg4[%add3A_10, %dma_start3A_35] : memref<40960x128xf32, #tpu.memory_space<hbm>> -> memref<320x128xf32, #tpu.memory_space<hbm>>
      tpu.enqueue_dma source(%arg6 : memref<320x128xf32, #tpu.memory_space<vmem>>) target(%dma_start3A_36 : memref<320x128xf32, #tpu.memory_space<hbm>>) target_semaphore(%run_scoped3A : memref<!tpu.dma_semaphore, #tpu.memory_space<semaphore_mem>>)
      %dma_wait3A_37 = arith.constant 0 : i32
      %dma_wait3A_38 = tpu.memref_slice %arg4[%add3A_10, %dma_wait3A_37] : memref<40960x128xf32, #tpu.memory_space<hbm>> -> memref<320x128xf32, #tpu.memory_space<hbm>>
      %dma_wait3A_39 = arith.constant 0 : i32
      %dma_wait3A_40 = tpu.memref_slice %arg4[%add3A_10, %dma_wait3A_39] : memref<40960x128xf32, #tpu.memory_space<hbm>> -> memref<320x128xf32, #tpu.memory_space<hbm>>
      tpu.wait_dma2 semaphore(%run_scoped3A : memref<!tpu.dma_semaphore, #tpu.memory_space<semaphore_mem>>) src(%arg6 : memref<320x128xf32, #tpu.memory_space<vmem>>) dst(%dma_wait3A_40 : memref<320x128xf32, #tpu.memory_space<hbm>>)
      tpu.yield
    }) : () -> ()
    %add3A_17 = arith.constant 640 : i32
    %add3A_18 = arith.addi %mul3A_2, %add3A_17 : i32
    "tpu.region"() ({
      %run_scoped3A = tpu.sem_alloc : memref<!tpu.dma_semaphore, #tpu.memory_space<semaphore_mem>>
      %dma_start3A_33 = tpu.memref_slice %arg3[%add3A_18] : memref<40960xi32, #tpu.memory_space<hbm>> -> memref<320xi32, #tpu.memory_space<hbm>>
      %dma_start3A_34 = tpu.memref_slice %arg3[%add3A_18] : memref<40960xi32, #tpu.memory_space<hbm>> -> memref<320xi32, #tpu.memory_space<hbm>>
      tpu.enqueue_dma source(%dma_start3A_34 : memref<320xi32, #tpu.memory_space<hbm>>) target(%arg5 : memref<320xi32, #tpu.memory_space<vmem>>) target_semaphore(%run_scoped3A : memref<!tpu.dma_semaphore, #tpu.memory_space<semaphore_mem>>)
      %dma_wait3A_35 = tpu.memref_slice %arg3[%add3A_18] : memref<40960xi32, #tpu.memory_space<hbm>> -> memref<320xi32, #tpu.memory_space<hbm>>
      %dma_wait3A_36 = tpu.memref_slice %arg3[%add3A_18] : memref<40960xi32, #tpu.memory_space<hbm>> -> memref<320xi32, #tpu.memory_space<hbm>>
      tpu.wait_dma2 semaphore(%run_scoped3A : memref<!tpu.dma_semaphore, #tpu.memory_space<semaphore_mem>>) src(%dma_wait3A_36 : memref<320xi32, #tpu.memory_space<hbm>>) dst(%arg5 : memref<320xi32, #tpu.memory_space<vmem>>)
      tpu.yield
    }) : () -> ()
    %dma_start3A_19 = arith.constant 0 : i32
    %dma_start3A_20 = arith.constant 0 : i32
    %dma_start3A_21 = tpu.memref_slice %arg2[%dma_start3A_19, %dma_start3A_20] : memref<100000x128xf32, #tpu.memory_space<hbm>> -> memref<100000x128xf32, #tpu.memory_space<hbm>>
    tpu.enqueue_indirect_dma source(%dma_start3A_21 : memref<100000x128xf32, #tpu.memory_space<hbm>>) target(%arg6 : memref<320x128xf32, #tpu.memory_space<vmem>>) offsets(%arg5 : memref<320xi32, #tpu.memory_space<vmem>>) semaphore(%arg7 : memref<!tpu.dma_semaphore, #tpu.memory_space<semaphore_mem>>)
    %dma_wait3A_22 = arith.constant 0 : i32
    %dma_wait3A_23 = arith.constant 0 : i32
    %dma_wait3A_24 = tpu.memref_slice %arg2[%dma_wait3A_22, %dma_wait3A_23] : memref<100000x128xf32, #tpu.memory_space<hbm>> -> memref<100000x128xf32, #tpu.memory_space<hbm>>
    tpu.wait_indirect_dma semaphore(%arg7 : memref<!tpu.dma_semaphore, #tpu.memory_space<semaphore_mem>>) src(%dma_wait3A_24 : memref<100000x128xf32, #tpu.memory_space<hbm>>) dst(%arg6 : memref<320x128xf32, #tpu.memory_space<vmem>>)
    "tpu.region"() ({
      %run_scoped3A = tpu.sem_alloc : memref<!tpu.dma_semaphore, #tpu.memory_space<semaphore_mem>>
      %dma_start3A_33 = arith.constant 0 : i32
      %dma_start3A_34 = tpu.memref_slice %arg4[%add3A_18, %dma_start3A_33] : memref<40960x128xf32, #tpu.memory_space<hbm>> -> memref<320x128xf32, #tpu.memory_space<hbm>>
      %dma_start3A_35 = arith.constant 0 : i32
      %dma_start3A_36 = tpu.memref_slice %arg4[%add3A_18, %dma_start3A_35] : memref<40960x128xf32, #tpu.memory_space<hbm>> -> memref<320x128xf32, #tpu.memory_space<hbm>>
      tpu.enqueue_dma source(%arg6 : memref<320x128xf32, #tpu.memory_space<vmem>>) target(%dma_start3A_36 : memref<320x128xf32, #tpu.memory_space<hbm>>) target_semaphore(%run_scoped3A : memref<!tpu.dma_semaphore, #tpu.memory_space<semaphore_mem>>)
      %dma_wait3A_37 = arith.constant 0 : i32
      %dma_wait3A_38 = tpu.memref_slice %arg4[%add3A_18, %dma_wait3A_37] : memref<40960x128xf32, #tpu.memory_space<hbm>> -> memref<320x128xf32, #tpu.memory_space<hbm>>
      %dma_wait3A_39 = arith.constant 0 : i32
      %dma_wait3A_40 = tpu.memref_slice %arg4[%add3A_18, %dma_wait3A_39] : memref<40960x128xf32, #tpu.memory_space<hbm>> -> memref<320x128xf32, #tpu.memory_space<hbm>>
      tpu.wait_dma2 semaphore(%run_scoped3A : memref<!tpu.dma_semaphore, #tpu.memory_space<semaphore_mem>>) src(%arg6 : memref<320x128xf32, #tpu.memory_space<vmem>>) dst(%dma_wait3A_40 : memref<320x128xf32, #tpu.memory_space<hbm>>)
      tpu.yield
    }) : () -> ()
    %add3A_25 = arith.constant 960 : i32
    %add3A_26 = arith.addi %mul3A_2, %add3A_25 : i32
    "tpu.region"() ({
      %run_scoped3A = tpu.sem_alloc : memref<!tpu.dma_semaphore, #tpu.memory_space<semaphore_mem>>
      %dma_start3A_33 = tpu.memref_slice %arg3[%add3A_26] : memref<40960xi32, #tpu.memory_space<hbm>> -> memref<320xi32, #tpu.memory_space<hbm>>
      %dma_start3A_34 = tpu.memref_slice %arg3[%add3A_26] : memref<40960xi32, #tpu.memory_space<hbm>> -> memref<320xi32, #tpu.memory_space<hbm>>
      tpu.enqueue_dma source(%dma_start3A_34 : memref<320xi32, #tpu.memory_space<hbm>>) target(%arg5 : memref<320xi32, #tpu.memory_space<vmem>>) target_semaphore(%run_scoped3A : memref<!tpu.dma_semaphore, #tpu.memory_space<semaphore_mem>>)
      %dma_wait3A_35 = tpu.memref_slice %arg3[%add3A_26] : memref<40960xi32, #tpu.memory_space<hbm>> -> memref<320xi32, #tpu.memory_space<hbm>>
      %dma_wait3A_36 = tpu.memref_slice %arg3[%add3A_26] : memref<40960xi32, #tpu.memory_space<hbm>> -> memref<320xi32, #tpu.memory_space<hbm>>
      tpu.wait_dma2 semaphore(%run_scoped3A : memref<!tpu.dma_semaphore, #tpu.memory_space<semaphore_mem>>) src(%dma_wait3A_36 : memref<320xi32, #tpu.memory_space<hbm>>) dst(%arg5 : memref<320xi32, #tpu.memory_space<vmem>>)
      tpu.yield
    }) : () -> ()
    %dma_start3A_27 = arith.constant 0 : i32
    %dma_start3A_28 = arith.constant 0 : i32
    %dma_start3A_29 = tpu.memref_slice %arg2[%dma_start3A_27, %dma_start3A_28] : memref<100000x128xf32, #tpu.memory_space<hbm>> -> memref<100000x128xf32, #tpu.memory_space<hbm>>
    tpu.enqueue_indirect_dma source(%dma_start3A_29 : memref<100000x128xf32, #tpu.memory_space<hbm>>) target(%arg6 : memref<320x128xf32, #tpu.memory_space<vmem>>) offsets(%arg5 : memref<320xi32, #tpu.memory_space<vmem>>) semaphore(%arg7 : memref<!tpu.dma_semaphore, #tpu.memory_space<semaphore_mem>>)
    %dma_wait3A_30 = arith.constant 0 : i32
    %dma_wait3A_31 = arith.constant 0 : i32
    %dma_wait3A_32 = tpu.memref_slice %arg2[%dma_wait3A_30, %dma_wait3A_31] : memref<100000x128xf32, #tpu.memory_space<hbm>> -> memref<100000x128xf32, #tpu.memory_space<hbm>>
    tpu.wait_indirect_dma semaphore(%arg7 : memref<!tpu.dma_semaphore, #tpu.memory_space<semaphore_mem>>) src(%dma_wait3A_32 : memref<100000x128xf32, #tpu.memory_space<hbm>>) dst(%arg6 : memref<320x128xf32, #tpu.memory_space<vmem>>)
    "tpu.region"() ({
      %run_scoped3A = tpu.sem_alloc : memref<!tpu.dma_semaphore, #tpu.memory_space<semaphore_mem>>
      %dma_start3A_33 = arith.constant 0 : i32
      %dma_start3A_34 = tpu.memref_slice %arg4[%add3A_26, %dma_start3A_33] : memref<40960x128xf32, #tpu.memory_space<hbm>> -> memref<320x128xf32, #tpu.memory_space<hbm>>
      %dma_start3A_35 = arith.constant 0 : i32
      %dma_start3A_36 = tpu.memref_slice %arg4[%add3A_26, %dma_start3A_35] : memref<40960x128xf32, #tpu.memory_space<hbm>> -> memref<320x128xf32, #tpu.memory_space<hbm>>
      tpu.enqueue_dma source(%arg6 : memref<320x128xf32, #tpu.memory_space<vmem>>) target(%dma_start3A_36 : memref<320x128xf32, #tpu.memory_space<hbm>>) target_semaphore(%run_scoped3A : memref<!tpu.dma_semaphore, #tpu.memory_space<semaphore_mem>>)
      %dma_wait3A_37 = arith.constant 0 : i32
      %dma_wait3A_38 = tpu.memref_slice %arg4[%add3A_26, %dma_wait3A_37] : memref<40960x128xf32, #tpu.memory_space<hbm>> -> memref<320x128xf32, #tpu.memory_space<hbm>>
      %dma_wait3A_39 = arith.constant 0 : i32
      %dma_wait3A_40 = tpu.memref_slice %arg4[%add3A_26, %dma_wait3A_39] : memref<40960x128xf32, #tpu.memory_space<hbm>> -> memref<320x128xf32, #tpu.memory_space<hbm>>
      tpu.wait_dma2 semaphore(%run_scoped3A : memref<!tpu.dma_semaphore, #tpu.memory_space<semaphore_mem>>) src(%arg6 : memref<320x128xf32, #tpu.memory_space<vmem>>) dst(%dma_wait3A_40 : memref<320x128xf32, #tpu.memory_space<hbm>>)
      tpu.yield
    }) : () -> ()
    return
  }
}

#map = affine_map<(d0, d1) -> (0, 0)>
#map1 = affine_map<(d0, d1) -> (0)>
module attributes {stable_mosaic.version = 14 : i64} {
  func.func @_sc_gather_body(%arg0: i32, %arg1: i32, %arg2: memref<100000x128xf32, #tpu.memory_space<hbm>>, %arg3: memref<40960xi32, #tpu.memory_space<hbm>>, %arg4: memref<40960x128xf32, #tpu.memory_space<hbm>>, %arg5: memref<320xi32, #tpu.memory_space<vmem>>, %arg6: memref<320x128xf32, #tpu.memory_space<vmem>>, %arg7: memref<!tpu.dma_semaphore, #tpu.memory_space<semaphore_mem>>) attributes {dimension_semantics = [#tpu.dimension_semantics<core_parallel>, #tpu.dimension_semantics<subcore_parallel>], iteration_bounds = array<i64: 2, 16>, scalar_prefetch = 0 : i64, scratch_operands = 3 : i64, tpu.core_type = #tpu.core_type<sc_vector_subcore>, window_params = [{transform_indices = #map}, {transform_indices = #map1}, {transform_indices = #map}]} {
    %mul3A = arith.constant 2 : i32
    %mul3A_0 = arith.muli %arg1, %mul3A : i32
    %add3A = arith.addi %mul3A_0, %arg0 : i32
    %mul3A_1 = arith.constant 1280 : i32
    %mul3A_2 = arith.muli %add3A, %mul3A_1 : i32
    %add3A_3 = arith.constant 0 : i32
    %add3A_4 = arith.addi %mul3A_2, %add3A_3 : i32
    "tpu.region"() ({
      %run_scoped3A = tpu.sem_alloc : memref<!tpu.dma_semaphore, #tpu.memory_space<semaphore_mem>>
      %dma_start3A_33 = tpu.memref_slice %arg3[%add3A_4] : memref<40960xi32, #tpu.memory_space<hbm>> -> memref<320xi32, #tpu.memory_space<hbm>>
      %dma_start3A_34 = tpu.memref_slice %arg3[%add3A_4] : memref<40960xi32, #tpu.memory_space<hbm>> -> memref<320xi32, #tpu.memory_space<hbm>>
      tpu.enqueue_dma source(%dma_start3A_34 : memref<320xi32, #tpu.memory_space<hbm>>) target(%arg5 : memref<320xi32, #tpu.memory_space<vmem>>) target_semaphore(%run_scoped3A : memref<!tpu.dma_semaphore, #tpu.memory_space<semaphore_mem>>)
      %dma_wait3A_35 = tpu.memref_slice %arg3[%add3A_4] : memref<40960xi32, #tpu.memory_space<hbm>> -> memref<320xi32, #tpu.memory_space<hbm>>
      %dma_wait3A_36 = tpu.memref_slice %arg3[%add3A_4] : memref<40960xi32, #tpu.memory_space<hbm>> -> memref<320xi32, #tpu.memory_space<hbm>>
      tpu.wait_dma2 semaphore(%run_scoped3A : memref<!tpu.dma_semaphore, #tpu.memory_space<semaphore_mem>>) src(%dma_wait3A_36 : memref<320xi32, #tpu.memory_space<hbm>>) dst(%arg5 : memref<320xi32, #tpu.memory_space<vmem>>)
      tpu.yield
    }) : () -> ()
    %dma_start3A = arith.constant 0 : i32
    %dma_start3A_5 = arith.constant 0 : i32
    %dma_start3A_6 = tpu.memref_slice %arg2[%dma_start3A, %dma_start3A_5] : memref<100000x128xf32, #tpu.memory_space<hbm>> -> memref<100000x128xf32, #tpu.memory_space<hbm>>
    tpu.enqueue_indirect_dma source(%dma_start3A_6 : memref<100000x128xf32, #tpu.memory_space<hbm>>) target(%arg6 : memref<320x128xf32, #tpu.memory_space<vmem>>) offsets(%arg5 : memref<320xi32, #tpu.memory_space<vmem>>) semaphore(%arg7 : memref<!tpu.dma_semaphore, #tpu.memory_space<semaphore_mem>>)
    %dma_wait3A = arith.constant 0 : i32
    %dma_wait3A_7 = arith.constant 0 : i32
    %dma_wait3A_8 = tpu.memref_slice %arg2[%dma_wait3A, %dma_wait3A_7] : memref<100000x128xf32, #tpu.memory_space<hbm>> -> memref<100000x128xf32, #tpu.memory_space<hbm>>
    tpu.wait_indirect_dma semaphore(%arg7 : memref<!tpu.dma_semaphore, #tpu.memory_space<semaphore_mem>>) src(%dma_wait3A_8 : memref<100000x128xf32, #tpu.memory_space<hbm>>) dst(%arg6 : memref<320x128xf32, #tpu.memory_space<vmem>>)
    "tpu.region"() ({
      %run_scoped3A = tpu.sem_alloc : memref<!tpu.dma_semaphore, #tpu.memory_space<semaphore_mem>>
      %dma_start3A_33 = arith.constant 0 : i32
      %dma_start3A_34 = tpu.memref_slice %arg4[%add3A_4, %dma_start3A_33] : memref<40960x128xf32, #tpu.memory_space<hbm>> -> memref<320x128xf32, #tpu.memory_space<hbm>>
      %dma_start3A_35 = arith.constant 0 : i32
      %dma_start3A_36 = tpu.memref_slice %arg4[%add3A_4, %dma_start3A_35] : memref<40960x128xf32, #tpu.memory_space<hbm>> -> memref<320x128xf32, #tpu.memory_space<hbm>>
      tpu.enqueue_dma source(%arg6 : memref<320x128xf32, #tpu.memory_space<vmem>>) target(%dma_start3A_36 : memref<320x128xf32, #tpu.memory_space<hbm>>) target_semaphore(%run_scoped3A : memref<!tpu.dma_semaphore, #tpu.memory_space<semaphore_mem>>)
      %dma_wait3A_37 = arith.constant 0 : i32
      %dma_wait3A_38 = tpu.memref_slice %arg4[%add3A_4, %dma_wait3A_37] : memref<40960x128xf32, #tpu.memory_space<hbm>> -> memref<320x128xf32, #tpu.memory_space<hbm>>
      %dma_wait3A_39 = arith.constant 0 : i32
      %dma_wait3A_40 = tpu.memref_slice %arg4[%add3A_4, %dma_wait3A_39] : memref<40960x128xf32, #tpu.memory_space<hbm>> -> memref<320x128xf32, #tpu.memory_space<hbm>>
      tpu.wait_dma2 semaphore(%run_scoped3A : memref<!tpu.dma_semaphore, #tpu.memory_space<semaphore_mem>>) src(%arg6 : memref<320x128xf32, #tpu.memory_space<vmem>>) dst(%dma_wait3A_40 : memref<320x128xf32, #tpu.memory_space<hbm>>)
      tpu.yield
    }) : () -> ()
    %add3A_9 = arith.constant 320 : i32
    %add3A_10 = arith.addi %mul3A_2, %add3A_9 : i32
    "tpu.region"() ({
      %run_scoped3A = tpu.sem_alloc : memref<!tpu.dma_semaphore, #tpu.memory_space<semaphore_mem>>
      %dma_start3A_33 = tpu.memref_slice %arg3[%add3A_10] : memref<40960xi32, #tpu.memory_space<hbm>> -> memref<320xi32, #tpu.memory_space<hbm>>
      %dma_start3A_34 = tpu.memref_slice %arg3[%add3A_10] : memref<40960xi32, #tpu.memory_space<hbm>> -> memref<320xi32, #tpu.memory_space<hbm>>
      tpu.enqueue_dma source(%dma_start3A_34 : memref<320xi32, #tpu.memory_space<hbm>>) target(%arg5 : memref<320xi32, #tpu.memory_space<vmem>>) target_semaphore(%run_scoped3A : memref<!tpu.dma_semaphore, #tpu.memory_space<semaphore_mem>>)
      %dma_wait3A_35 = tpu.memref_slice %arg3[%add3A_10] : memref<40960xi32, #tpu.memory_space<hbm>> -> memref<320xi32, #tpu.memory_space<hbm>>
      %dma_wait3A_36 = tpu.memref_slice %arg3[%add3A_10] : memref<40960xi32, #tpu.memory_space<hbm>> -> memref<320xi32, #tpu.memory_space<hbm>>
      tpu.wait_dma2 semaphore(%run_scoped3A : memref<!tpu.dma_semaphore, #tpu.memory_space<semaphore_mem>>) src(%dma_wait3A_36 : memref<320xi32, #tpu.memory_space<hbm>>) dst(%arg5 : memref<320xi32, #tpu.memory_space<vmem>>)
      tpu.yield
    }) : () -> ()
    %dma_start3A_11 = arith.constant 0 : i32
    %dma_start3A_12 = arith.constant 0 : i32
    %dma_start3A_13 = tpu.memref_slice %arg2[%dma_start3A_11, %dma_start3A_12] : memref<100000x128xf32, #tpu.memory_space<hbm>> -> memref<100000x128xf32, #tpu.memory_space<hbm>>
    tpu.enqueue_indirect_dma source(%dma_start3A_13 : memref<100000x128xf32, #tpu.memory_space<hbm>>) target(%arg6 : memref<320x128xf32, #tpu.memory_space<vmem>>) offsets(%arg5 : memref<320xi32, #tpu.memory_space<vmem>>) semaphore(%arg7 : memref<!tpu.dma_semaphore, #tpu.memory_space<semaphore_mem>>)
    %dma_wait3A_14 = arith.constant 0 : i32
    %dma_wait3A_15 = arith.constant 0 : i32
    %dma_wait3A_16 = tpu.memref_slice %arg2[%dma_wait3A_14, %dma_wait3A_15] : memref<100000x128xf32, #tpu.memory_space<hbm>> -> memref<100000x128xf32, #tpu.memory_space<hbm>>
    tpu.wait_indirect_dma semaphore(%arg7 : memref<!tpu.dma_semaphore, #tpu.memory_space<semaphore_mem>>) src(%dma_wait3A_16 : memref<100000x128xf32, #tpu.memory_space<hbm>>) dst(%arg6 : memref<320x128xf32, #tpu.memory_space<vmem>>)
    "tpu.region"() ({
      %run_scoped3A = tpu.sem_alloc : memref<!tpu.dma_semaphore, #tpu.memory_space<semaphore_mem>>
      %dma_start3A_33 = arith.constant 0 : i32
      %dma_start3A_34 = tpu.memref_slice %arg4[%add3A_10, %dma_start3A_33] : memref<40960x128xf32, #tpu.memory_space<hbm>> -> memref<320x128xf32, #tpu.memory_space<hbm>>
      %dma_start3A_35 = arith.constant 0 : i32
      %dma_start3A_36 = tpu.memref_slice %arg4[%add3A_10, %dma_start3A_35] : memref<40960x128xf32, #tpu.memory_space<hbm>> -> memref<320x128xf32, #tpu.memory_space<hbm>>
      tpu.enqueue_dma source(%arg6 : memref<320x128xf32, #tpu.memory_space<vmem>>) target(%dma_start3A_36 : memref<320x128xf32, #tpu.memory_space<hbm>>) target_semaphore(%run_scoped3A : memref<!tpu.dma_semaphore, #tpu.memory_space<semaphore_mem>>)
      %dma_wait3A_37 = arith.constant 0 : i32
      %dma_wait3A_38 = tpu.memref_slice %arg4[%add3A_10, %dma_wait3A_37] : memref<40960x128xf32, #tpu.memory_space<hbm>> -> memref<320x128xf32, #tpu.memory_space<hbm>>
      %dma_wait3A_39 = arith.constant 0 : i32
      %dma_wait3A_40 = tpu.memref_slice %arg4[%add3A_10, %dma_wait3A_39] : memref<40960x128xf32, #tpu.memory_space<hbm>> -> memref<320x128xf32, #tpu.memory_space<hbm>>
      tpu.wait_dma2 semaphore(%run_scoped3A : memref<!tpu.dma_semaphore, #tpu.memory_space<semaphore_mem>>) src(%arg6 : memref<320x128xf32, #tpu.memory_space<vmem>>) dst(%dma_wait3A_40 : memref<320x128xf32, #tpu.memory_space<hbm>>)
      tpu.yield
    }) : () -> ()
    %add3A_17 = arith.constant 640 : i32
    %add3A_18 = arith.addi %mul3A_2, %add3A_17 : i32
    "tpu.region"() ({
      %run_scoped3A = tpu.sem_alloc : memref<!tpu.dma_semaphore, #tpu.memory_space<semaphore_mem>>
      %dma_start3A_33 = tpu.memref_slice %arg3[%add3A_18] : memref<40960xi32, #tpu.memory_space<hbm>> -> memref<320xi32, #tpu.memory_space<hbm>>
      %dma_start3A_34 = tpu.memref_slice %arg3[%add3A_18] : memref<40960xi32, #tpu.memory_space<hbm>> -> memref<320xi32, #tpu.memory_space<hbm>>
      tpu.enqueue_dma source(%dma_start3A_34 : memref<320xi32, #tpu.memory_space<hbm>>) target(%arg5 : memref<320xi32, #tpu.memory_space<vmem>>) target_semaphore(%run_scoped3A : memref<!tpu.dma_semaphore, #tpu.memory_space<semaphore_mem>>)
      %dma_wait3A_35 = tpu.memref_slice %arg3[%add3A_18] : memref<40960xi32, #tpu.memory_space<hbm>> -> memref<320xi32, #tpu.memory_space<hbm>>
      %dma_wait3A_36 = tpu.memref_slice %arg3[%add3A_18] : memref<40960xi32, #tpu.memory_space<hbm>> -> memref<320xi32, #tpu.memory_space<hbm>>
      tpu.wait_dma2 semaphore(%run_scoped3A : memref<!tpu.dma_semaphore, #tpu.memory_space<semaphore_mem>>) src(%dma_wait3A_36 : memref<320xi32, #tpu.memory_space<hbm>>) dst(%arg5 : memref<320xi32, #tpu.memory_space<vmem>>)
      tpu.yield
    }) : () -> ()
    %dma_start3A_19 = arith.constant 0 : i32
    %dma_start3A_20 = arith.constant 0 : i32
    %dma_start3A_21 = tpu.memref_slice %arg2[%dma_start3A_19, %dma_start3A_20] : memref<100000x128xf32, #tpu.memory_space<hbm>> -> memref<100000x128xf32, #tpu.memory_space<hbm>>
    tpu.enqueue_indirect_dma source(%dma_start3A_21 : memref<100000x128xf32, #tpu.memory_space<hbm>>) target(%arg6 : memref<320x128xf32, #tpu.memory_space<vmem>>) offsets(%arg5 : memref<320xi32, #tpu.memory_space<vmem>>) semaphore(%arg7 : memref<!tpu.dma_semaphore, #tpu.memory_space<semaphore_mem>>)
    %dma_wait3A_22 = arith.constant 0 : i32
    %dma_wait3A_23 = arith.constant 0 : i32
    %dma_wait3A_24 = tpu.memref_slice %arg2[%dma_wait3A_22, %dma_wait3A_23] : memref<100000x128xf32, #tpu.memory_space<hbm>> -> memref<100000x128xf32, #tpu.memory_space<hbm>>
    tpu.wait_indirect_dma semaphore(%arg7 : memref<!tpu.dma_semaphore, #tpu.memory_space<semaphore_mem>>) src(%dma_wait3A_24 : memref<100000x128xf32, #tpu.memory_space<hbm>>) dst(%arg6 : memref<320x128xf32, #tpu.memory_space<vmem>>)
    "tpu.region"() ({
      %run_scoped3A = tpu.sem_alloc : memref<!tpu.dma_semaphore, #tpu.memory_space<semaphore_mem>>
      %dma_start3A_33 = arith.constant 0 : i32
      %dma_start3A_34 = tpu.memref_slice %arg4[%add3A_18, %dma_start3A_33] : memref<40960x128xf32, #tpu.memory_space<hbm>> -> memref<320x128xf32, #tpu.memory_space<hbm>>
      %dma_start3A_35 = arith.constant 0 : i32
      %dma_start3A_36 = tpu.memref_slice %arg4[%add3A_18, %dma_start3A_35] : memref<40960x128xf32, #tpu.memory_space<hbm>> -> memref<320x128xf32, #tpu.memory_space<hbm>>
      tpu.enqueue_dma source(%arg6 : memref<320x128xf32, #tpu.memory_space<vmem>>) target(%dma_start3A_36 : memref<320x128xf32, #tpu.memory_space<hbm>>) target_semaphore(%run_scoped3A : memref<!tpu.dma_semaphore, #tpu.memory_space<semaphore_mem>>)
      %dma_wait3A_37 = arith.constant 0 : i32
      %dma_wait3A_38 = tpu.memref_slice %arg4[%add3A_18, %dma_wait3A_37] : memref<40960x128xf32, #tpu.memory_space<hbm>> -> memref<320x128xf32, #tpu.memory_space<hbm>>
      %dma_wait3A_39 = arith.constant 0 : i32
      %dma_wait3A_40 = tpu.memref_slice %arg4[%add3A_18, %dma_wait3A_39] : memref<40960x128xf32, #tpu.memory_space<hbm>> -> memref<320x128xf32, #tpu.memory_space<hbm>>
      tpu.wait_dma2 semaphore(%run_scoped3A : memref<!tpu.dma_semaphore, #tpu.memory_space<semaphore_mem>>) src(%arg6 : memref<320x128xf32, #tpu.memory_space<vmem>>) dst(%dma_wait3A_40 : memref<320x128xf32, #tpu.memory_space<hbm>>)
      tpu.yield
    }) : () -> ()
    %add3A_25 = arith.constant 960 : i32
    %add3A_26 = arith.addi %mul3A_2, %add3A_25 : i32
    "tpu.region"() ({
      %run_scoped3A = tpu.sem_alloc : memref<!tpu.dma_semaphore, #tpu.memory_space<semaphore_mem>>
      %dma_start3A_33 = tpu.memref_slice %arg3[%add3A_26] : memref<40960xi32, #tpu.memory_space<hbm>> -> memref<320xi32, #tpu.memory_space<hbm>>
      %dma_start3A_34 = tpu.memref_slice %arg3[%add3A_26] : memref<40960xi32, #tpu.memory_space<hbm>> -> memref<320xi32, #tpu.memory_space<hbm>>
      tpu.enqueue_dma source(%dma_start3A_34 : memref<320xi32, #tpu.memory_space<hbm>>) target(%arg5 : memref<320xi32, #tpu.memory_space<vmem>>) target_semaphore(%run_scoped3A : memref<!tpu.dma_semaphore, #tpu.memory_space<semaphore_mem>>)
      %dma_wait3A_35 = tpu.memref_slice %arg3[%add3A_26] : memref<40960xi32, #tpu.memory_space<hbm>> -> memref<320xi32, #tpu.memory_space<hbm>>
      %dma_wait3A_36 = tpu.memref_slice %arg3[%add3A_26] : memref<40960xi32, #tpu.memory_space<hbm>> -> memref<320xi32, #tpu.memory_space<hbm>>
      tpu.wait_dma2 semaphore(%run_scoped3A : memref<!tpu.dma_semaphore, #tpu.memory_space<semaphore_mem>>) src(%dma_wait3A_36 : memref<320xi32, #tpu.memory_space<hbm>>) dst(%arg5 : memref<320xi32, #tpu.memory_space<vmem>>)
      tpu.yield
    }) : () -> ()
    %dma_start3A_27 = arith.constant 0 : i32
    %dma_start3A_28 = arith.constant 0 : i32
    %dma_start3A_29 = tpu.memref_slice %arg2[%dma_start3A_27, %dma_start3A_28] : memref<100000x128xf32, #tpu.memory_space<hbm>> -> memref<100000x128xf32, #tpu.memory_space<hbm>>
    tpu.enqueue_indirect_dma source(%dma_start3A_29 : memref<100000x128xf32, #tpu.memory_space<hbm>>) target(%arg6 : memref<320x128xf32, #tpu.memory_space<vmem>>) offsets(%arg5 : memref<320xi32, #tpu.memory_space<vmem>>) semaphore(%arg7 : memref<!tpu.dma_semaphore, #tpu.memory_space<semaphore_mem>>)
    %dma_wait3A_30 = arith.constant 0 : i32
    %dma_wait3A_31 = arith.constant 0 : i32
    %dma_wait3A_32 = tpu.memref_slice %arg2[%dma_wait3A_30, %dma_wait3A_31] : memref<100000x128xf32, #tpu.memory_space<hbm>> -> memref<100000x128xf32, #tpu.memory_space<hbm>>
    tpu.wait_indirect_dma semaphore(%arg7 : memref<!tpu.dma_semaphore, #tpu.memory_space<semaphore_mem>>) src(%dma_wait3A_32 : memref<100000x128xf32, #tpu.memory_space<hbm>>) dst(%arg6 : memref<320x128xf32, #tpu.memory_space<vmem>>)
    "tpu.region"() ({
      %run_scoped3A = tpu.sem_alloc : memref<!tpu.dma_semaphore, #tpu.memory_space<semaphore_mem>>
      %dma_start3A_33 = arith.constant 0 : i32
      %dma_start3A_34 = tpu.memref_slice %arg4[%add3A_26, %dma_start3A_33] : memref<40960x128xf32, #tpu.memory_space<hbm>> -> memref<320x128xf32, #tpu.memory_space<hbm>>
      %dma_start3A_35 = arith.constant 0 : i32
      %dma_start3A_36 = tpu.memref_slice %arg4[%add3A_26, %dma_start3A_35] : memref<40960x128xf32, #tpu.memory_space<hbm>> -> memref<320x128xf32, #tpu.memory_space<hbm>>
      tpu.enqueue_dma source(%arg6 : memref<320x128xf32, #tpu.memory_space<vmem>>) target(%dma_start3A_36 : memref<320x128xf32, #tpu.memory_space<hbm>>) target_semaphore(%run_scoped3A : memref<!tpu.dma_semaphore, #tpu.memory_space<semaphore_mem>>)
      %dma_wait3A_37 = arith.constant 0 : i32
      %dma_wait3A_38 = tpu.memref_slice %arg4[%add3A_26, %dma_wait3A_37] : memref<40960x128xf32, #tpu.memory_space<hbm>> -> memref<320x128xf32, #tpu.memory_space<hbm>>
      %dma_wait3A_39 = arith.constant 0 : i32
      %dma_wait3A_40 = tpu.memref_slice %arg4[%add3A_26, %dma_wait3A_39] : memref<40960x128xf32, #tpu.memory_space<hbm>> -> memref<320x128xf32, #tpu.memory_space<hbm>>
      tpu.wait_dma2 semaphore(%run_scoped3A : memref<!tpu.dma_semaphore, #tpu.memory_space<semaphore_mem>>) src(%arg6 : memref<320x128xf32, #tpu.memory_space<vmem>>) dst(%dma_wait3A_40 : memref<320x128xf32, #tpu.memory_space<hbm>>)
      tpu.yield
    }) : () -> ()
    return
  }
}

module attributes {stable_mosaic.version = 14 : i64} {
  func.func @_tc_body_first(%arg0: i32, %arg1: memref<4096x128xf32, #tpu.memory_space<vmem>>, %arg2: memref<4096x64xf32, #tpu.memory_space<vmem>>, %arg3: memref<4096x64xf32, #tpu.memory_space<vmem>>, %arg4: memref<4096x64xf32, #tpu.memory_space<vmem>>) attributes {dimension_semantics = [#tpu.dimension_semantics<arbitrary>], iteration_bounds = array<i64: 10>, scalar_prefetch = 0 : i64, scratch_operands = 0 : i64, tpu.core_type = #tpu.core_type<tc>, window_params = [{transform_indices = @transform_0, window_bounds = array<i64: 4096, 128>}, {transform_indices = @transform_1, window_bounds = array<i64: 4096, 64>}, {transform_indices = @transform_2, window_bounds = array<i64: 4096, 64>}, {transform_indices = @transform_3, window_bounds = array<i64: 4096, 64>}]} {
    %iota3A = tpu.iota {dimensions = array<i32: 0>} : vector<4096x64xi32>
    %add3A = arith.constant 0 : i32
    %add3A_0 = vector.broadcast %add3A : i32 to vector<4096x64xi32>
    %add3A_1 = arith.addi %iota3A, %add3A_0 : vector<4096x64xi32>
    %mul3A = arith.constant 4096 : i32
    %mul3A_2 = arith.muli %arg0, %mul3A : i32
    %add3A_3 = vector.broadcast %mul3A_2 : i32 to vector<4096x64xi32>
    %add3A_4 = arith.addi %add3A_1, %add3A_3 : vector<4096x64xi32>
    %jit3A = arith.constant 1024 : i32
    %div3A = vector.broadcast %jit3A : i32 to vector<4096x64xi32>
    %div3A_5 = arith.divsi %add3A_4, %div3A : vector<4096x64xi32>
    %sign3A = arith.constant 0 : i32
    %sign3A_6 = vector.broadcast %sign3A : i32 to vector<4096x64xi32>
    %sign3A_7 = arith.cmpi sgt, %add3A_4, %sign3A_6 : vector<4096x64xi32>
    %sign3A_8 = arith.extui %sign3A_7 : vector<4096x64xi1> to vector<4096x64xi32>
    %sign3A_9 = arith.constant 0 : i32
    %sign3A_10 = vector.broadcast %sign3A_9 : i32 to vector<4096x64xi32>
    %sign3A_11 = arith.cmpi slt, %add3A_4, %sign3A_10 : vector<4096x64xi32>
    %sign3A_12 = arith.extui %sign3A_11 : vector<4096x64xi1> to vector<4096x64xi32>
    %sign3A_13 = arith.subi %sign3A_8, %sign3A_12 : vector<4096x64xi32>
    %sign3A_14 = arith.constant 0 : i32
    %sign3A_15 = arith.cmpi sgt, %jit3A, %sign3A_14 : i32
    %sign3A_16 = arith.extui %sign3A_15 : i1 to i32
    %sign3A_17 = arith.constant 0 : i32
    %sign3A_18 = arith.cmpi slt, %jit3A, %sign3A_17 : i32
    %sign3A_19 = arith.extui %sign3A_18 : i1 to i32
    %sign3A_20 = arith.subi %sign3A_16, %sign3A_19 : i32
    %ne3A = vector.broadcast %sign3A_20 : i32 to vector<4096x64xi32>
    %ne3A_21 = arith.cmpi ne, %sign3A_13, %ne3A : vector<4096x64xi32>
    %rem3A = vector.broadcast %jit3A : i32 to vector<4096x64xi32>
    %rem3A_22 = arith.remsi %add3A_4, %rem3A : vector<4096x64xi32>
    %ne3A_23 = arith.constant 0 : i32
    %ne3A_24 = vector.broadcast %ne3A_23 : i32 to vector<4096x64xi32>
    %ne3A_25 = arith.cmpi ne, %rem3A_22, %ne3A_24 : vector<4096x64xi32>
    %and3A = arith.andi %ne3A_21, %ne3A_25 : vector<4096x64xi1>
    %sub3A = arith.constant 1 : i32
    %sub3A_26 = vector.broadcast %sub3A : i32 to vector<4096x64xi32>
    %sub3A_27 = arith.subi %div3A_5, %sub3A_26 : vector<4096x64xi32>
    %select_n3A = arith.select %and3A, %sub3A_27, %div3A_5 : vector<4096x64xi1>, vector<4096x64xi32>
    %add3A_28 = arith.constant 1 : i32
    %add3A_29 = vector.broadcast %add3A_28 : i32 to vector<4096x64xi32>
    %add3A_30 = arith.addi %select_n3A, %add3A_29 : vector<4096x64xi32>
    %convert_element_type3A = arith.sitofp %add3A_30 : vector<4096x64xi32> to vector<4096x64xf32>
    %get3A = arith.constant 0 : index
    %get3A_31 = arith.constant 0 : index
    %get3A_32 = vector.load %arg1[%get3A, %get3A_31] : memref<4096x128xf32, #tpu.memory_space<vmem>>, vector<4096x128xf32>
    %get3A_33 = arith.constant 0 : index
    %get3A_34 = arith.constant 0 : index
    %get3A_35 = vector.load %arg2[%get3A_33, %get3A_34] : memref<4096x64xf32, #tpu.memory_space<vmem>>, vector<4096x64xf32>
    %slice3A = vector.extract_strided_slice %get3A_32 {offsets = [0, 0], sizes = [4096, 64], strides = [1, 1]} : vector<4096x128xf32> to vector<4096x64xf32>
    %slice3A_36 = vector.extract_strided_slice %get3A_32 {offsets = [0, 64], sizes = [4096, 64], strides = [1, 1]} : vector<4096x128xf32> to vector<4096x64xf32>
    %mul3A_37 = arith.mulf %convert_element_type3A, %slice3A : vector<4096x64xf32>
    %add3A_38 = arith.addf %mul3A_37, %slice3A_36 : vector<4096x64xf32>
    %mul3A_39 = arith.constant 0.159154937 : f32
    %mul3A_40 = vector.broadcast %mul3A_39 : f32 to vector<4096x64xf32>
    %mul3A_41 = arith.mulf %add3A_38, %mul3A_40 : vector<4096x64xf32>
    %round3A = math.roundeven %mul3A_41 : vector<4096x64xf32>
    %mul3A_42 = arith.constant 6.28318548 : f32
    %mul3A_43 = vector.broadcast %mul3A_42 : f32 to vector<4096x64xf32>
    %mul3A_44 = arith.mulf %round3A, %mul3A_43 : vector<4096x64xf32>
    %sub3A_45 = arith.subf %add3A_38, %mul3A_44 : vector<4096x64xf32>
    %mul3A_46 = arith.constant -1.74845553E-7 : f32
    %mul3A_47 = vector.broadcast %mul3A_46 : f32 to vector<4096x64xf32>
    %mul3A_48 = arith.mulf %round3A, %mul3A_47 : vector<4096x64xf32>
    %sub3A_49 = arith.subf %sub3A_45, %mul3A_48 : vector<4096x64xf32>
    %mul3A_50 = arith.mulf %sub3A_49, %sub3A_49 : vector<4096x64xf32>
    %concatenate3A = tpu.concatenate %mul3A_50, %mul3A_50 in 1 : vector<4096x64xf32>, vector<4096x64xf32> -> vector<4096x128xf32>
    %iota3A_51 = tpu.iota {dimensions = array<i32: 1>} : vector<1x128xi32>
    %lt3A = arith.constant 64 : i32
    %lt3A_52 = vector.broadcast %lt3A : i32 to vector<1x128xi32>
    %lt3A_53 = arith.cmpi slt, %iota3A_51, %lt3A_52 : vector<1x128xi32>
    %jit3A_54 = arith.constant -2.19729642E-7 : f32
    %jit3A_55 = arith.constant -2.03622452E-8 : f32
    %broadcast_in_dim3A = vector.broadcast %jit3A_54 : f32 to vector<1x128xf32>
    %broadcast_in_dim3A_56 = vector.broadcast %jit3A_55 : f32 to vector<1x128xf32>
    %select_n3A_57 = arith.select %lt3A_53, %broadcast_in_dim3A, %broadcast_in_dim3A_56 : vector<1x128xi1>, vector<1x128xf32>
    %jit3A_58 = arith.constant 2.42029419E-5 : f32
    %jit3A_59 = arith.constant 2.69971474E-6 : f32
    %broadcast_in_dim3A_60 = vector.broadcast %jit3A_58 : f32 to vector<1x128xf32>
    %broadcast_in_dim3A_61 = vector.broadcast %jit3A_59 : f32 to vector<1x128xf32>
    %select_n3A_62 = arith.select %lt3A_53, %broadcast_in_dim3A_60, %broadcast_in_dim3A_61 : vector<1x128xi1>, vector<1x128xf32>
    %mul3A_63 = vector.broadcast %select_n3A_57 : vector<1x128xf32> to vector<4096x128xf32>
    %mul3A_64 = arith.mulf %mul3A_63, %concatenate3A : vector<4096x128xf32>
    %add3A_65 = vector.broadcast %select_n3A_62 : vector<1x128xf32> to vector<4096x128xf32>
    %add3A_66 = arith.addf %mul3A_64, %add3A_65 : vector<4096x128xf32>
    %jit3A_67 = arith.constant -0.001385879 : f32
    %jit3A_68 = arith.constant -1.98086331E-4 : f32
    %broadcast_in_dim3A_69 = vector.broadcast %jit3A_67 : f32 to vector<1x128xf32>
    %broadcast_in_dim3A_70 = vector.broadcast %jit3A_68 : f32 to vector<1x128xf32>
    %select_n3A_71 = arith.select %lt3A_53, %broadcast_in_dim3A_69, %broadcast_in_dim3A_70 : vector<1x128xi1>, vector<1x128xf32>
    %mul3A_72 = arith.mulf %add3A_66, %concatenate3A : vector<4096x128xf32>
    %add3A_73 = vector.broadcast %select_n3A_71 : vector<1x128xf32> to vector<4096x128xf32>
    %add3A_74 = arith.addf %mul3A_72, %add3A_73 : vector<4096x128xf32>
    %jit3A_75 = arith.constant 0.0416597761 : f32
    %jit3A_76 = arith.constant 0.00833240337 : f32
    %broadcast_in_dim3A_77 = vector.broadcast %jit3A_75 : f32 to vector<1x128xf32>
    %broadcast_in_dim3A_78 = vector.broadcast %jit3A_76 : f32 to vector<1x128xf32>
    %select_n3A_79 = arith.select %lt3A_53, %broadcast_in_dim3A_77, %broadcast_in_dim3A_78 : vector<1x128xi1>, vector<1x128xf32>
    %mul3A_80 = arith.mulf %add3A_74, %concatenate3A : vector<4096x128xf32>
    %add3A_81 = vector.broadcast %select_n3A_79 : vector<1x128xf32> to vector<4096x128xf32>
    %add3A_82 = arith.addf %mul3A_80, %add3A_81 : vector<4096x128xf32>
    %jit3A_83 = arith.constant -0.499994218 : f32
    %jit3A_84 = arith.constant -0.166665524 : f32
    %broadcast_in_dim3A_85 = vector.broadcast %jit3A_83 : f32 to vector<1x128xf32>
    %broadcast_in_dim3A_86 = vector.broadcast %jit3A_84 : f32 to vector<1x128xf32>
    %select_n3A_87 = arith.select %lt3A_53, %broadcast_in_dim3A_85, %broadcast_in_dim3A_86 : vector<1x128xi1>, vector<1x128xf32>
    %mul3A_88 = arith.mulf %add3A_82, %concatenate3A : vector<4096x128xf32>
    %add3A_89 = vector.broadcast %select_n3A_87 : vector<1x128xf32> to vector<4096x128xf32>
    %add3A_90 = arith.addf %mul3A_88, %add3A_89 : vector<4096x128xf32>
    %jit3A_91 = arith.constant 0.999999225 : f32
    %jit3A_92 = arith.constant 0.999999582 : f32
    %broadcast_in_dim3A_93 = vector.broadcast %jit3A_91 : f32 to vector<1x128xf32>
    %broadcast_in_dim3A_94 = vector.broadcast %jit3A_92 : f32 to vector<1x128xf32>
    %select_n3A_95 = arith.select %lt3A_53, %broadcast_in_dim3A_93, %broadcast_in_dim3A_94 : vector<1x128xi1>, vector<1x128xf32>
    %mul3A_96 = arith.mulf %add3A_90, %concatenate3A : vector<4096x128xf32>
    %add3A_97 = vector.broadcast %select_n3A_95 : vector<1x128xf32> to vector<4096x128xf32>
    %add3A_98 = arith.addf %mul3A_96, %add3A_97 : vector<4096x128xf32>
    %mul3A_99 = arith.mulf %get3A_35, %sub3A_49 : vector<4096x64xf32>
    %concatenate3A_100 = tpu.concatenate %get3A_35, %mul3A_99 in 1 : vector<4096x64xf32>, vector<4096x64xf32> -> vector<4096x128xf32>
    %mul3A_101 = arith.mulf %concatenate3A_100, %add3A_98 : vector<4096x128xf32>
    %slice3A_102 = vector.extract_strided_slice %mul3A_101 {offsets = [0, 0], sizes = [4096, 64], strides = [1, 1]} : vector<4096x128xf32> to vector<4096x64xf32>
    %swap3A = arith.constant 0 : index
    %swap3A_103 = arith.constant 0 : index
    %swap3A_104 = vector.load %arg3[%swap3A, %swap3A_103] : memref<4096x64xf32, #tpu.memory_space<vmem>>, vector<4096x64xf32>
    tpu.vector_store %arg3[%swap3A, %swap3A_103], %slice3A_102 {strides = array<i32>} : memref<4096x64xf32, #tpu.memory_space<vmem>>, vector<4096x64xf32>,
    %slice3A_105 = vector.extract_strided_slice %mul3A_101 {offsets = [0, 64], sizes = [4096, 64], strides = [1, 1]} : vector<4096x128xf32> to vector<4096x64xf32>
    %swap3A_106 = arith.constant 0 : index
    %swap3A_107 = arith.constant 0 : index
    %swap3A_108 = vector.load %arg4[%swap3A_106, %swap3A_107] : memref<4096x64xf32, #tpu.memory_space<vmem>>, vector<4096x64xf32>
    tpu.vector_store %arg4[%swap3A_106, %swap3A_107], %slice3A_105 {strides = array<i32>} : memref<4096x64xf32, #tpu.memory_space<vmem>>, vector<4096x64xf32>,
    return
  }
  func.func @transform_0(%arg0: i32) -> (i32, i32) {
    %c0_i32 = arith.constant 0 : i32
    %c0_i32_0 = arith.constant 0 : i32
    return %arg0, %c0_i32 : i32, i32
  }
  func.func @transform_1(%arg0: i32) -> (i32, i32) {
    %add3A = arith.constant 0 : i32
    %add3A_0 = arith.addi %arg0, %add3A : i32
    %c0_i32 = arith.constant 0 : i32
    %c0_i32_1 = arith.constant 0 : i32
    return %add3A_0, %c0_i32 : i32, i32
  }
  func.func @transform_2(%arg0: i32) -> (i32, i32) {
    %add3A = arith.constant 0 : i32
    %add3A_0 = arith.addi %arg0, %add3A : i32
    %c0_i32 = arith.constant 0 : i32
    %c0_i32_1 = arith.constant 0 : i32
    return %add3A_0, %c0_i32 : i32, i32
  }
  func.func @transform_3(%arg0: i32) -> (i32, i32) {
    %add3A = arith.constant 0 : i32
    %add3A_0 = arith.addi %arg0, %add3A : i32
    %c0_i32 = arith.constant 0 : i32
    %c0_i32_1 = arith.constant 0 : i32
    return %add3A_0, %c0_i32 : i32, i32
  }
}

module attributes {stable_mosaic.version = 14 : i64} {
  func.func @_tc_body_chain(%arg0: i32, %arg1: memref<204800x64xf32, #tpu.memory_space<hbm>>, %arg2: memref<204800x64xf32, #tpu.memory_space<hbm>>, %arg3: memref<4096x128xf32, #tpu.memory_space<vmem>>, %arg4: memref<4096x64xf32, #tpu.memory_space<vmem>>, %arg5: memref<4096x64xf32, #tpu.memory_space<vmem>>, %arg6: memref<4096x64xf32, #tpu.memory_space<vmem>>) attributes {dimension_semantics = [#tpu.dimension_semantics<arbitrary>], iteration_bounds = array<i64: 10>, scalar_prefetch = 0 : i64, scratch_operands = 0 : i64, tpu.core_type = #tpu.core_type<tc>, window_params = [{}, {}, {transform_indices = @transform_2, window_bounds = array<i64: 4096, 128>}, {transform_indices = @transform_3, window_bounds = array<i64: 4096, 64>}, {transform_indices = @transform_4, window_bounds = array<i64: 4096, 64>}, {transform_indices = @transform_5, window_bounds = array<i64: 4096, 64>}]} {
    %iota3A = tpu.iota {dimensions = array<i32: 0>} : vector<4096x64xi32>
    %add3A = arith.constant 40960 : i32
    %add3A_0 = vector.broadcast %add3A : i32 to vector<4096x64xi32>
    %add3A_1 = arith.addi %iota3A, %add3A_0 : vector<4096x64xi32>
    %mul3A = arith.constant 4096 : i32
    %mul3A_2 = arith.muli %arg0, %mul3A : i32
    %add3A_3 = vector.broadcast %mul3A_2 : i32 to vector<4096x64xi32>
    %add3A_4 = arith.addi %add3A_1, %add3A_3 : vector<4096x64xi32>
    %jit3A = arith.constant 1024 : i32
    %div3A = vector.broadcast %jit3A : i32 to vector<4096x64xi32>
    %div3A_5 = arith.divsi %add3A_4, %div3A : vector<4096x64xi32>
    %sign3A = arith.constant 0 : i32
    %sign3A_6 = vector.broadcast %sign3A : i32 to vector<4096x64xi32>
    %sign3A_7 = arith.cmpi sgt, %add3A_4, %sign3A_6 : vector<4096x64xi32>
    %sign3A_8 = arith.extui %sign3A_7 : vector<4096x64xi1> to vector<4096x64xi32>
    %sign3A_9 = arith.constant 0 : i32
    %sign3A_10 = vector.broadcast %sign3A_9 : i32 to vector<4096x64xi32>
    %sign3A_11 = arith.cmpi slt, %add3A_4, %sign3A_10 : vector<4096x64xi32>
    %sign3A_12 = arith.extui %sign3A_11 : vector<4096x64xi1> to vector<4096x64xi32>
    %sign3A_13 = arith.subi %sign3A_8, %sign3A_12 : vector<4096x64xi32>
    %sign3A_14 = arith.constant 0 : i32
    %sign3A_15 = arith.cmpi sgt, %jit3A, %sign3A_14 : i32
    %sign3A_16 = arith.extui %sign3A_15 : i1 to i32
    %sign3A_17 = arith.constant 0 : i32
    %sign3A_18 = arith.cmpi slt, %jit3A, %sign3A_17 : i32
    %sign3A_19 = arith.extui %sign3A_18 : i1 to i32
    %sign3A_20 = arith.subi %sign3A_16, %sign3A_19 : i32
    %ne3A = vector.broadcast %sign3A_20 : i32 to vector<4096x64xi32>
    %ne3A_21 = arith.cmpi ne, %sign3A_13, %ne3A : vector<4096x64xi32>
    %rem3A = vector.broadcast %jit3A : i32 to vector<4096x64xi32>
    %rem3A_22 = arith.remsi %add3A_4, %rem3A : vector<4096x64xi32>
    %ne3A_23 = arith.constant 0 : i32
    %ne3A_24 = vector.broadcast %ne3A_23 : i32 to vector<4096x64xi32>
    %ne3A_25 = arith.cmpi ne, %rem3A_22, %ne3A_24 : vector<4096x64xi32>
    %and3A = arith.andi %ne3A_21, %ne3A_25 : vector<4096x64xi1>
    %sub3A = arith.constant 1 : i32
    %sub3A_26 = vector.broadcast %sub3A : i32 to vector<4096x64xi32>
    %sub3A_27 = arith.subi %div3A_5, %sub3A_26 : vector<4096x64xi32>
    %select_n3A = arith.select %and3A, %sub3A_27, %div3A_5 : vector<4096x64xi1>, vector<4096x64xi32>
    %add3A_28 = arith.constant 1 : i32
    %add3A_29 = vector.broadcast %add3A_28 : i32 to vector<4096x64xi32>
    %add3A_30 = arith.addi %select_n3A, %add3A_29 : vector<4096x64xi32>
    %convert_element_type3A = arith.sitofp %add3A_30 : vector<4096x64xi32> to vector<4096x64xf32>
    %get3A = arith.constant 0 : index
    %get3A_31 = arith.constant 0 : index
    %get3A_32 = vector.load %arg3[%get3A, %get3A_31] : memref<4096x128xf32, #tpu.memory_space<vmem>>, vector<4096x128xf32>
    %get3A_33 = arith.constant 0 : index
    %get3A_34 = arith.constant 0 : index
    %get3A_35 = vector.load %arg4[%get3A_33, %get3A_34] : memref<4096x64xf32, #tpu.memory_space<vmem>>, vector<4096x64xf32>
    %slice3A = vector.extract_strided_slice %get3A_32 {offsets = [0, 0], sizes = [4096, 64], strides = [1, 1]} : vector<4096x128xf32> to vector<4096x64xf32>
    %slice3A_36 = vector.extract_strided_slice %get3A_32 {offsets = [0, 64], sizes = [4096, 64], strides = [1, 1]} : vector<4096x128xf32> to vector<4096x64xf32>
    %mul3A_37 = arith.mulf %convert_element_type3A, %slice3A : vector<4096x64xf32>
    %add3A_38 = arith.addf %mul3A_37, %slice3A_36 : vector<4096x64xf32>
    %mul3A_39 = arith.constant 0.159154937 : f32
    %mul3A_40 = vector.broadcast %mul3A_39 : f32 to vector<4096x64xf32>
    %mul3A_41 = arith.mulf %add3A_38, %mul3A_40 : vector<4096x64xf32>
    %round3A = math.roundeven %mul3A_41 : vector<4096x64xf32>
    %mul3A_42 = arith.constant 6.28318548 : f32
    %mul3A_43 = vector.broadcast %mul3A_42 : f32 to vector<4096x64xf32>
    %mul3A_44 = arith.mulf %round3A, %mul3A_43 : vector<4096x64xf32>
    %sub3A_45 = arith.subf %add3A_38, %mul3A_44 : vector<4096x64xf32>
    %mul3A_46 = arith.constant -1.74845553E-7 : f32
    %mul3A_47 = vector.broadcast %mul3A_46 : f32 to vector<4096x64xf32>
    %mul3A_48 = arith.mulf %round3A, %mul3A_47 : vector<4096x64xf32>
    %sub3A_49 = arith.subf %sub3A_45, %mul3A_48 : vector<4096x64xf32>
    %mul3A_50 = arith.mulf %sub3A_49, %sub3A_49 : vector<4096x64xf32>
    %concatenate3A = tpu.concatenate %mul3A_50, %mul3A_50 in 1 : vector<4096x64xf32>, vector<4096x64xf32> -> vector<4096x128xf32>
    %iota3A_51 = tpu.iota {dimensions = array<i32: 1>} : vector<1x128xi32>
    %lt3A = arith.constant 64 : i32
    %lt3A_52 = vector.broadcast %lt3A : i32 to vector<1x128xi32>
    %lt3A_53 = arith.cmpi slt, %iota3A_51, %lt3A_52 : vector<1x128xi32>
    %jit3A_54 = arith.constant -2.19729642E-7 : f32
    %jit3A_55 = arith.constant -2.03622452E-8 : f32
    %broadcast_in_dim3A = vector.broadcast %jit3A_54 : f32 to vector<1x128xf32>
    %broadcast_in_dim3A_56 = vector.broadcast %jit3A_55 : f32 to vector<1x128xf32>
    %select_n3A_57 = arith.select %lt3A_53, %broadcast_in_dim3A, %broadcast_in_dim3A_56 : vector<1x128xi1>, vector<1x128xf32>
    %jit3A_58 = arith.constant 2.42029419E-5 : f32
    %jit3A_59 = arith.constant 2.69971474E-6 : f32
    %broadcast_in_dim3A_60 = vector.broadcast %jit3A_58 : f32 to vector<1x128xf32>
    %broadcast_in_dim3A_61 = vector.broadcast %jit3A_59 : f32 to vector<1x128xf32>
    %select_n3A_62 = arith.select %lt3A_53, %broadcast_in_dim3A_60, %broadcast_in_dim3A_61 : vector<1x128xi1>, vector<1x128xf32>
    %mul3A_63 = vector.broadcast %select_n3A_57 : vector<1x128xf32> to vector<4096x128xf32>
    %mul3A_64 = arith.mulf %mul3A_63, %concatenate3A : vector<4096x128xf32>
    %add3A_65 = vector.broadcast %select_n3A_62 : vector<1x128xf32> to vector<4096x128xf32>
    %add3A_66 = arith.addf %mul3A_64, %add3A_65 : vector<4096x128xf32>
    %jit3A_67 = arith.constant -0.001385879 : f32
    %jit3A_68 = arith.constant -1.98086331E-4 : f32
    %broadcast_in_dim3A_69 = vector.broadcast %jit3A_67 : f32 to vector<1x128xf32>
    %broadcast_in_dim3A_70 = vector.broadcast %jit3A_68 : f32 to vector<1x128xf32>
    %select_n3A_71 = arith.select %lt3A_53, %broadcast_in_dim3A_69, %broadcast_in_dim3A_70 : vector<1x128xi1>, vector<1x128xf32>
    %mul3A_72 = arith.mulf %add3A_66, %concatenate3A : vector<4096x128xf32>
    %add3A_73 = vector.broadcast %select_n3A_71 : vector<1x128xf32> to vector<4096x128xf32>
    %add3A_74 = arith.addf %mul3A_72, %add3A_73 : vector<4096x128xf32>
    %jit3A_75 = arith.constant 0.0416597761 : f32
    %jit3A_76 = arith.constant 0.00833240337 : f32
    %broadcast_in_dim3A_77 = vector.broadcast %jit3A_75 : f32 to vector<1x128xf32>
    %broadcast_in_dim3A_78 = vector.broadcast %jit3A_76 : f32 to vector<1x128xf32>
    %select_n3A_79 = arith.select %lt3A_53, %broadcast_in_dim3A_77, %broadcast_in_dim3A_78 : vector<1x128xi1>, vector<1x128xf32>
    %mul3A_80 = arith.mulf %add3A_74, %concatenate3A : vector<4096x128xf32>
    %add3A_81 = vector.broadcast %select_n3A_79 : vector<1x128xf32> to vector<4096x128xf32>
    %add3A_82 = arith.addf %mul3A_80, %add3A_81 : vector<4096x128xf32>
    %jit3A_83 = arith.constant -0.499994218 : f32
    %jit3A_84 = arith.constant -0.166665524 : f32
    %broadcast_in_dim3A_85 = vector.broadcast %jit3A_83 : f32 to vector<1x128xf32>
    %broadcast_in_dim3A_86 = vector.broadcast %jit3A_84 : f32 to vector<1x128xf32>
    %select_n3A_87 = arith.select %lt3A_53, %broadcast_in_dim3A_85, %broadcast_in_dim3A_86 : vector<1x128xi1>, vector<1x128xf32>
    %mul3A_88 = arith.mulf %add3A_82, %concatenate3A : vector<4096x128xf32>
    %add3A_89 = vector.broadcast %select_n3A_87 : vector<1x128xf32> to vector<4096x128xf32>
    %add3A_90 = arith.addf %mul3A_88, %add3A_89 : vector<4096x128xf32>
    %jit3A_91 = arith.constant 0.999999225 : f32
    %jit3A_92 = arith.constant 0.999999582 : f32
    %broadcast_in_dim3A_93 = vector.broadcast %jit3A_91 : f32 to vector<1x128xf32>
    %broadcast_in_dim3A_94 = vector.broadcast %jit3A_92 : f32 to vector<1x128xf32>
    %select_n3A_95 = arith.select %lt3A_53, %broadcast_in_dim3A_93, %broadcast_in_dim3A_94 : vector<1x128xi1>, vector<1x128xf32>
    %mul3A_96 = arith.mulf %add3A_90, %concatenate3A : vector<4096x128xf32>
    %add3A_97 = vector.broadcast %select_n3A_95 : vector<1x128xf32> to vector<4096x128xf32>
    %add3A_98 = arith.addf %mul3A_96, %add3A_97 : vector<4096x128xf32>
    %mul3A_99 = arith.mulf %get3A_35, %sub3A_49 : vector<4096x64xf32>
    %concatenate3A_100 = tpu.concatenate %get3A_35, %mul3A_99 in 1 : vector<4096x64xf32>, vector<4096x64xf32> -> vector<4096x128xf32>
    %mul3A_101 = arith.mulf %concatenate3A_100, %add3A_98 : vector<4096x128xf32>
    %slice3A_102 = vector.extract_strided_slice %mul3A_101 {offsets = [0, 0], sizes = [4096, 64], strides = [1, 1]} : vector<4096x128xf32> to vector<4096x64xf32>
    %swap3A = arith.constant 0 : index
    %swap3A_103 = arith.constant 0 : index
    %swap3A_104 = vector.load %arg5[%swap3A, %swap3A_103] : memref<4096x64xf32, #tpu.memory_space<vmem>>, vector<4096x64xf32>
    tpu.vector_store %arg5[%swap3A, %swap3A_103], %slice3A_102 {strides = array<i32>} : memref<4096x64xf32, #tpu.memory_space<vmem>>, vector<4096x64xf32>,
    %slice3A_105 = vector.extract_strided_slice %mul3A_101 {offsets = [0, 64], sizes = [4096, 64], strides = [1, 1]} : vector<4096x128xf32> to vector<4096x64xf32>
    %swap3A_106 = arith.constant 0 : index
    %swap3A_107 = arith.constant 0 : index
    %swap3A_108 = vector.load %arg6[%swap3A_106, %swap3A_107] : memref<4096x64xf32, #tpu.memory_space<vmem>>, vector<4096x64xf32>
    tpu.vector_store %arg6[%swap3A_106, %swap3A_107], %slice3A_105 {strides = array<i32>} : memref<4096x64xf32, #tpu.memory_space<vmem>>, vector<4096x64xf32>,
    return
  }
  func.func @transform_2(%arg0: i32) -> (i32, i32) {
    %c0_i32 = arith.constant 0 : i32
    %c0_i32_0 = arith.constant 0 : i32
    return %arg0, %c0_i32 : i32, i32
  }
  func.func @transform_3(%arg0: i32) -> (i32, i32) {
    %add3A = arith.constant 10 : i32
    %add3A_0 = arith.addi %arg0, %add3A : i32
    %c0_i32 = arith.constant 0 : i32
    %c0_i32_1 = arith.constant 0 : i32
    return %add3A_0, %c0_i32 : i32, i32
  }
  func.func @transform_4(%arg0: i32) -> (i32, i32) {
    %add3A = arith.constant 10 : i32
    %add3A_0 = arith.addi %arg0, %add3A : i32
    %c0_i32 = arith.constant 0 : i32
    %c0_i32_1 = arith.constant 0 : i32
    return %add3A_0, %c0_i32 : i32, i32
  }
  func.func @transform_5(%arg0: i32) -> (i32, i32) {
    %add3A = arith.constant 10 : i32
    %add3A_0 = arith.addi %arg0, %add3A : i32
    %c0_i32 = arith.constant 0 : i32
    %c0_i32_1 = arith.constant 0 : i32
    return %add3A_0, %c0_i32 : i32, i32
  }
}

module attributes {stable_mosaic.version = 14 : i64} {
  func.func @_tc_body_chain(%arg0: i32, %arg1: memref<204800x64xf32, #tpu.memory_space<hbm>>, %arg2: memref<204800x64xf32, #tpu.memory_space<hbm>>, %arg3: memref<4096x128xf32, #tpu.memory_space<vmem>>, %arg4: memref<4096x64xf32, #tpu.memory_space<vmem>>, %arg5: memref<4096x64xf32, #tpu.memory_space<vmem>>, %arg6: memref<4096x64xf32, #tpu.memory_space<vmem>>) attributes {dimension_semantics = [#tpu.dimension_semantics<arbitrary>], iteration_bounds = array<i64: 10>, scalar_prefetch = 0 : i64, scratch_operands = 0 : i64, tpu.core_type = #tpu.core_type<tc>, window_params = [{}, {}, {transform_indices = @transform_2, window_bounds = array<i64: 4096, 128>}, {transform_indices = @transform_3, window_bounds = array<i64: 4096, 64>}, {transform_indices = @transform_4, window_bounds = array<i64: 4096, 64>}, {transform_indices = @transform_5, window_bounds = array<i64: 4096, 64>}]} {
    %iota3A = tpu.iota {dimensions = array<i32: 0>} : vector<4096x64xi32>
    %add3A = arith.constant 81920 : i32
    %add3A_0 = vector.broadcast %add3A : i32 to vector<4096x64xi32>
    %add3A_1 = arith.addi %iota3A, %add3A_0 : vector<4096x64xi32>
    %mul3A = arith.constant 4096 : i32
    %mul3A_2 = arith.muli %arg0, %mul3A : i32
    %add3A_3 = vector.broadcast %mul3A_2 : i32 to vector<4096x64xi32>
    %add3A_4 = arith.addi %add3A_1, %add3A_3 : vector<4096x64xi32>
    %jit3A = arith.constant 1024 : i32
    %div3A = vector.broadcast %jit3A : i32 to vector<4096x64xi32>
    %div3A_5 = arith.divsi %add3A_4, %div3A : vector<4096x64xi32>
    %sign3A = arith.constant 0 : i32
    %sign3A_6 = vector.broadcast %sign3A : i32 to vector<4096x64xi32>
    %sign3A_7 = arith.cmpi sgt, %add3A_4, %sign3A_6 : vector<4096x64xi32>
    %sign3A_8 = arith.extui %sign3A_7 : vector<4096x64xi1> to vector<4096x64xi32>
    %sign3A_9 = arith.constant 0 : i32
    %sign3A_10 = vector.broadcast %sign3A_9 : i32 to vector<4096x64xi32>
    %sign3A_11 = arith.cmpi slt, %add3A_4, %sign3A_10 : vector<4096x64xi32>
    %sign3A_12 = arith.extui %sign3A_11 : vector<4096x64xi1> to vector<4096x64xi32>
    %sign3A_13 = arith.subi %sign3A_8, %sign3A_12 : vector<4096x64xi32>
    %sign3A_14 = arith.constant 0 : i32
    %sign3A_15 = arith.cmpi sgt, %jit3A, %sign3A_14 : i32
    %sign3A_16 = arith.extui %sign3A_15 : i1 to i32
    %sign3A_17 = arith.constant 0 : i32
    %sign3A_18 = arith.cmpi slt, %jit3A, %sign3A_17 : i32
    %sign3A_19 = arith.extui %sign3A_18 : i1 to i32
    %sign3A_20 = arith.subi %sign3A_16, %sign3A_19 : i32
    %ne3A = vector.broadcast %sign3A_20 : i32 to vector<4096x64xi32>
    %ne3A_21 = arith.cmpi ne, %sign3A_13, %ne3A : vector<4096x64xi32>
    %rem3A = vector.broadcast %jit3A : i32 to vector<4096x64xi32>
    %rem3A_22 = arith.remsi %add3A_4, %rem3A : vector<4096x64xi32>
    %ne3A_23 = arith.constant 0 : i32
    %ne3A_24 = vector.broadcast %ne3A_23 : i32 to vector<4096x64xi32>
    %ne3A_25 = arith.cmpi ne, %rem3A_22, %ne3A_24 : vector<4096x64xi32>
    %and3A = arith.andi %ne3A_21, %ne3A_25 : vector<4096x64xi1>
    %sub3A = arith.constant 1 : i32
    %sub3A_26 = vector.broadcast %sub3A : i32 to vector<4096x64xi32>
    %sub3A_27 = arith.subi %div3A_5, %sub3A_26 : vector<4096x64xi32>
    %select_n3A = arith.select %and3A, %sub3A_27, %div3A_5 : vector<4096x64xi1>, vector<4096x64xi32>
    %add3A_28 = arith.constant 1 : i32
    %add3A_29 = vector.broadcast %add3A_28 : i32 to vector<4096x64xi32>
    %add3A_30 = arith.addi %select_n3A, %add3A_29 : vector<4096x64xi32>
    %convert_element_type3A = arith.sitofp %add3A_30 : vector<4096x64xi32> to vector<4096x64xf32>
    %get3A = arith.constant 0 : index
    %get3A_31 = arith.constant 0 : index
    %get3A_32 = vector.load %arg3[%get3A, %get3A_31] : memref<4096x128xf32, #tpu.memory_space<vmem>>, vector<4096x128xf32>
    %get3A_33 = arith.constant 0 : index
    %get3A_34 = arith.constant 0 : index
    %get3A_35 = vector.load %arg4[%get3A_33, %get3A_34] : memref<4096x64xf32, #tpu.memory_space<vmem>>, vector<4096x64xf32>
    %slice3A = vector.extract_strided_slice %get3A_32 {offsets = [0, 0], sizes = [4096, 64], strides = [1, 1]} : vector<4096x128xf32> to vector<4096x64xf32>
    %slice3A_36 = vector.extract_strided_slice %get3A_32 {offsets = [0, 64], sizes = [4096, 64], strides = [1, 1]} : vector<4096x128xf32> to vector<4096x64xf32>
    %mul3A_37 = arith.mulf %convert_element_type3A, %slice3A : vector<4096x64xf32>
    %add3A_38 = arith.addf %mul3A_37, %slice3A_36 : vector<4096x64xf32>
    %mul3A_39 = arith.constant 0.159154937 : f32
    %mul3A_40 = vector.broadcast %mul3A_39 : f32 to vector<4096x64xf32>
    %mul3A_41 = arith.mulf %add3A_38, %mul3A_40 : vector<4096x64xf32>
    %round3A = math.roundeven %mul3A_41 : vector<4096x64xf32>
    %mul3A_42 = arith.constant 6.28318548 : f32
    %mul3A_43 = vector.broadcast %mul3A_42 : f32 to vector<4096x64xf32>
    %mul3A_44 = arith.mulf %round3A, %mul3A_43 : vector<4096x64xf32>
    %sub3A_45 = arith.subf %add3A_38, %mul3A_44 : vector<4096x64xf32>
    %mul3A_46 = arith.constant -1.74845553E-7 : f32
    %mul3A_47 = vector.broadcast %mul3A_46 : f32 to vector<4096x64xf32>
    %mul3A_48 = arith.mulf %round3A, %mul3A_47 : vector<4096x64xf32>
    %sub3A_49 = arith.subf %sub3A_45, %mul3A_48 : vector<4096x64xf32>
    %mul3A_50 = arith.mulf %sub3A_49, %sub3A_49 : vector<4096x64xf32>
    %concatenate3A = tpu.concatenate %mul3A_50, %mul3A_50 in 1 : vector<4096x64xf32>, vector<4096x64xf32> -> vector<4096x128xf32>
    %iota3A_51 = tpu.iota {dimensions = array<i32: 1>} : vector<1x128xi32>
    %lt3A = arith.constant 64 : i32
    %lt3A_52 = vector.broadcast %lt3A : i32 to vector<1x128xi32>
    %lt3A_53 = arith.cmpi slt, %iota3A_51, %lt3A_52 : vector<1x128xi32>
    %jit3A_54 = arith.constant -2.19729642E-7 : f32
    %jit3A_55 = arith.constant -2.03622452E-8 : f32
    %broadcast_in_dim3A = vector.broadcast %jit3A_54 : f32 to vector<1x128xf32>
    %broadcast_in_dim3A_56 = vector.broadcast %jit3A_55 : f32 to vector<1x128xf32>
    %select_n3A_57 = arith.select %lt3A_53, %broadcast_in_dim3A, %broadcast_in_dim3A_56 : vector<1x128xi1>, vector<1x128xf32>
    %jit3A_58 = arith.constant 2.42029419E-5 : f32
    %jit3A_59 = arith.constant 2.69971474E-6 : f32
    %broadcast_in_dim3A_60 = vector.broadcast %jit3A_58 : f32 to vector<1x128xf32>
    %broadcast_in_dim3A_61 = vector.broadcast %jit3A_59 : f32 to vector<1x128xf32>
    %select_n3A_62 = arith.select %lt3A_53, %broadcast_in_dim3A_60, %broadcast_in_dim3A_61 : vector<1x128xi1>, vector<1x128xf32>
    %mul3A_63 = vector.broadcast %select_n3A_57 : vector<1x128xf32> to vector<4096x128xf32>
    %mul3A_64 = arith.mulf %mul3A_63, %concatenate3A : vector<4096x128xf32>
    %add3A_65 = vector.broadcast %select_n3A_62 : vector<1x128xf32> to vector<4096x128xf32>
    %add3A_66 = arith.addf %mul3A_64, %add3A_65 : vector<4096x128xf32>
    %jit3A_67 = arith.constant -0.001385879 : f32
    %jit3A_68 = arith.constant -1.98086331E-4 : f32
    %broadcast_in_dim3A_69 = vector.broadcast %jit3A_67 : f32 to vector<1x128xf32>
    %broadcast_in_dim3A_70 = vector.broadcast %jit3A_68 : f32 to vector<1x128xf32>
    %select_n3A_71 = arith.select %lt3A_53, %broadcast_in_dim3A_69, %broadcast_in_dim3A_70 : vector<1x128xi1>, vector<1x128xf32>
    %mul3A_72 = arith.mulf %add3A_66, %concatenate3A : vector<4096x128xf32>
    %add3A_73 = vector.broadcast %select_n3A_71 : vector<1x128xf32> to vector<4096x128xf32>
    %add3A_74 = arith.addf %mul3A_72, %add3A_73 : vector<4096x128xf32>
    %jit3A_75 = arith.constant 0.0416597761 : f32
    %jit3A_76 = arith.constant 0.00833240337 : f32
    %broadcast_in_dim3A_77 = vector.broadcast %jit3A_75 : f32 to vector<1x128xf32>
    %broadcast_in_dim3A_78 = vector.broadcast %jit3A_76 : f32 to vector<1x128xf32>
    %select_n3A_79 = arith.select %lt3A_53, %broadcast_in_dim3A_77, %broadcast_in_dim3A_78 : vector<1x128xi1>, vector<1x128xf32>
    %mul3A_80 = arith.mulf %add3A_74, %concatenate3A : vector<4096x128xf32>
    %add3A_81 = vector.broadcast %select_n3A_79 : vector<1x128xf32> to vector<4096x128xf32>
    %add3A_82 = arith.addf %mul3A_80, %add3A_81 : vector<4096x128xf32>
    %jit3A_83 = arith.constant -0.499994218 : f32
    %jit3A_84 = arith.constant -0.166665524 : f32
    %broadcast_in_dim3A_85 = vector.broadcast %jit3A_83 : f32 to vector<1x128xf32>
    %broadcast_in_dim3A_86 = vector.broadcast %jit3A_84 : f32 to vector<1x128xf32>
    %select_n3A_87 = arith.select %lt3A_53, %broadcast_in_dim3A_85, %broadcast_in_dim3A_86 : vector<1x128xi1>, vector<1x128xf32>
    %mul3A_88 = arith.mulf %add3A_82, %concatenate3A : vector<4096x128xf32>
    %add3A_89 = vector.broadcast %select_n3A_87 : vector<1x128xf32> to vector<4096x128xf32>
    %add3A_90 = arith.addf %mul3A_88, %add3A_89 : vector<4096x128xf32>
    %jit3A_91 = arith.constant 0.999999225 : f32
    %jit3A_92 = arith.constant 0.999999582 : f32
    %broadcast_in_dim3A_93 = vector.broadcast %jit3A_91 : f32 to vector<1x128xf32>
    %broadcast_in_dim3A_94 = vector.broadcast %jit3A_92 : f32 to vector<1x128xf32>
    %select_n3A_95 = arith.select %lt3A_53, %broadcast_in_dim3A_93, %broadcast_in_dim3A_94 : vector<1x128xi1>, vector<1x128xf32>
    %mul3A_96 = arith.mulf %add3A_90, %concatenate3A : vector<4096x128xf32>
    %add3A_97 = vector.broadcast %select_n3A_95 : vector<1x128xf32> to vector<4096x128xf32>
    %add3A_98 = arith.addf %mul3A_96, %add3A_97 : vector<4096x128xf32>
    %mul3A_99 = arith.mulf %get3A_35, %sub3A_49 : vector<4096x64xf32>
    %concatenate3A_100 = tpu.concatenate %get3A_35, %mul3A_99 in 1 : vector<4096x64xf32>, vector<4096x64xf32> -> vector<4096x128xf32>
    %mul3A_101 = arith.mulf %concatenate3A_100, %add3A_98 : vector<4096x128xf32>
    %slice3A_102 = vector.extract_strided_slice %mul3A_101 {offsets = [0, 0], sizes = [4096, 64], strides = [1, 1]} : vector<4096x128xf32> to vector<4096x64xf32>
    %swap3A = arith.constant 0 : index
    %swap3A_103 = arith.constant 0 : index
    %swap3A_104 = vector.load %arg5[%swap3A, %swap3A_103] : memref<4096x64xf32, #tpu.memory_space<vmem>>, vector<4096x64xf32>
    tpu.vector_store %arg5[%swap3A, %swap3A_103], %slice3A_102 {strides = array<i32>} : memref<4096x64xf32, #tpu.memory_space<vmem>>, vector<4096x64xf32>,
    %slice3A_105 = vector.extract_strided_slice %mul3A_101 {offsets = [0, 64], sizes = [4096, 64], strides = [1, 1]} : vector<4096x128xf32> to vector<4096x64xf32>
    %swap3A_106 = arith.constant 0 : index
    %swap3A_107 = arith.constant 0 : index
    %swap3A_108 = vector.load %arg6[%swap3A_106, %swap3A_107] : memref<4096x64xf32, #tpu.memory_space<vmem>>, vector<4096x64xf32>
    tpu.vector_store %arg6[%swap3A_106, %swap3A_107], %slice3A_105 {strides = array<i32>} : memref<4096x64xf32, #tpu.memory_space<vmem>>, vector<4096x64xf32>,
    return
  }
  func.func @transform_2(%arg0: i32) -> (i32, i32) {
    %c0_i32 = arith.constant 0 : i32
    %c0_i32_0 = arith.constant 0 : i32
    return %arg0, %c0_i32 : i32, i32
  }
  func.func @transform_3(%arg0: i32) -> (i32, i32) {
    %add3A = arith.constant 20 : i32
    %add3A_0 = arith.addi %arg0, %add3A : i32
    %c0_i32 = arith.constant 0 : i32
    %c0_i32_1 = arith.constant 0 : i32
    return %add3A_0, %c0_i32 : i32, i32
  }
  func.func @transform_4(%arg0: i32) -> (i32, i32) {
    %add3A = arith.constant 20 : i32
    %add3A_0 = arith.addi %arg0, %add3A : i32
    %c0_i32 = arith.constant 0 : i32
    %c0_i32_1 = arith.constant 0 : i32
    return %add3A_0, %c0_i32 : i32, i32
  }
  func.func @transform_5(%arg0: i32) -> (i32, i32) {
    %add3A = arith.constant 20 : i32
    %add3A_0 = arith.addi %arg0, %add3A : i32
    %c0_i32 = arith.constant 0 : i32
    %c0_i32_1 = arith.constant 0 : i32
    return %add3A_0, %c0_i32 : i32, i32
  }
}

module attributes {stable_mosaic.version = 14 : i64} {
  func.func @_tc_body_chain(%arg0: i32, %arg1: memref<204800x64xf32, #tpu.memory_space<hbm>>, %arg2: memref<204800x64xf32, #tpu.memory_space<hbm>>, %arg3: memref<4096x128xf32, #tpu.memory_space<vmem>>, %arg4: memref<4096x64xf32, #tpu.memory_space<vmem>>, %arg5: memref<4096x64xf32, #tpu.memory_space<vmem>>, %arg6: memref<4096x64xf32, #tpu.memory_space<vmem>>) attributes {dimension_semantics = [#tpu.dimension_semantics<arbitrary>], iteration_bounds = array<i64: 10>, scalar_prefetch = 0 : i64, scratch_operands = 0 : i64, tpu.core_type = #tpu.core_type<tc>, window_params = [{}, {}, {transform_indices = @transform_2, window_bounds = array<i64: 4096, 128>}, {transform_indices = @transform_3, window_bounds = array<i64: 4096, 64>}, {transform_indices = @transform_4, window_bounds = array<i64: 4096, 64>}, {transform_indices = @transform_5, window_bounds = array<i64: 4096, 64>}]} {
    %iota3A = tpu.iota {dimensions = array<i32: 0>} : vector<4096x64xi32>
    %add3A = arith.constant 122880 : i32
    %add3A_0 = vector.broadcast %add3A : i32 to vector<4096x64xi32>
    %add3A_1 = arith.addi %iota3A, %add3A_0 : vector<4096x64xi32>
    %mul3A = arith.constant 4096 : i32
    %mul3A_2 = arith.muli %arg0, %mul3A : i32
    %add3A_3 = vector.broadcast %mul3A_2 : i32 to vector<4096x64xi32>
    %add3A_4 = arith.addi %add3A_1, %add3A_3 : vector<4096x64xi32>
    %jit3A = arith.constant 1024 : i32
    %div3A = vector.broadcast %jit3A : i32 to vector<4096x64xi32>
    %div3A_5 = arith.divsi %add3A_4, %div3A : vector<4096x64xi32>
    %sign3A = arith.constant 0 : i32
    %sign3A_6 = vector.broadcast %sign3A : i32 to vector<4096x64xi32>
    %sign3A_7 = arith.cmpi sgt, %add3A_4, %sign3A_6 : vector<4096x64xi32>
    %sign3A_8 = arith.extui %sign3A_7 : vector<4096x64xi1> to vector<4096x64xi32>
    %sign3A_9 = arith.constant 0 : i32
    %sign3A_10 = vector.broadcast %sign3A_9 : i32 to vector<4096x64xi32>
    %sign3A_11 = arith.cmpi slt, %add3A_4, %sign3A_10 : vector<4096x64xi32>
    %sign3A_12 = arith.extui %sign3A_11 : vector<4096x64xi1> to vector<4096x64xi32>
    %sign3A_13 = arith.subi %sign3A_8, %sign3A_12 : vector<4096x64xi32>
    %sign3A_14 = arith.constant 0 : i32
    %sign3A_15 = arith.cmpi sgt, %jit3A, %sign3A_14 : i32
    %sign3A_16 = arith.extui %sign3A_15 : i1 to i32
    %sign3A_17 = arith.constant 0 : i32
    %sign3A_18 = arith.cmpi slt, %jit3A, %sign3A_17 : i32
    %sign3A_19 = arith.extui %sign3A_18 : i1 to i32
    %sign3A_20 = arith.subi %sign3A_16, %sign3A_19 : i32
    %ne3A = vector.broadcast %sign3A_20 : i32 to vector<4096x64xi32>
    %ne3A_21 = arith.cmpi ne, %sign3A_13, %ne3A : vector<4096x64xi32>
    %rem3A = vector.broadcast %jit3A : i32 to vector<4096x64xi32>
    %rem3A_22 = arith.remsi %add3A_4, %rem3A : vector<4096x64xi32>
    %ne3A_23 = arith.constant 0 : i32
    %ne3A_24 = vector.broadcast %ne3A_23 : i32 to vector<4096x64xi32>
    %ne3A_25 = arith.cmpi ne, %rem3A_22, %ne3A_24 : vector<4096x64xi32>
    %and3A = arith.andi %ne3A_21, %ne3A_25 : vector<4096x64xi1>
    %sub3A = arith.constant 1 : i32
    %sub3A_26 = vector.broadcast %sub3A : i32 to vector<4096x64xi32>
    %sub3A_27 = arith.subi %div3A_5, %sub3A_26 : vector<4096x64xi32>
    %select_n3A = arith.select %and3A, %sub3A_27, %div3A_5 : vector<4096x64xi1>, vector<4096x64xi32>
    %add3A_28 = arith.constant 1 : i32
    %add3A_29 = vector.broadcast %add3A_28 : i32 to vector<4096x64xi32>
    %add3A_30 = arith.addi %select_n3A, %add3A_29 : vector<4096x64xi32>
    %convert_element_type3A = arith.sitofp %add3A_30 : vector<4096x64xi32> to vector<4096x64xf32>
    %get3A = arith.constant 0 : index
    %get3A_31 = arith.constant 0 : index
    %get3A_32 = vector.load %arg3[%get3A, %get3A_31] : memref<4096x128xf32, #tpu.memory_space<vmem>>, vector<4096x128xf32>
    %get3A_33 = arith.constant 0 : index
    %get3A_34 = arith.constant 0 : index
    %get3A_35 = vector.load %arg4[%get3A_33, %get3A_34] : memref<4096x64xf32, #tpu.memory_space<vmem>>, vector<4096x64xf32>
    %slice3A = vector.extract_strided_slice %get3A_32 {offsets = [0, 0], sizes = [4096, 64], strides = [1, 1]} : vector<4096x128xf32> to vector<4096x64xf32>
    %slice3A_36 = vector.extract_strided_slice %get3A_32 {offsets = [0, 64], sizes = [4096, 64], strides = [1, 1]} : vector<4096x128xf32> to vector<4096x64xf32>
    %mul3A_37 = arith.mulf %convert_element_type3A, %slice3A : vector<4096x64xf32>
    %add3A_38 = arith.addf %mul3A_37, %slice3A_36 : vector<4096x64xf32>
    %mul3A_39 = arith.constant 0.159154937 : f32
    %mul3A_40 = vector.broadcast %mul3A_39 : f32 to vector<4096x64xf32>
    %mul3A_41 = arith.mulf %add3A_38, %mul3A_40 : vector<4096x64xf32>
    %round3A = math.roundeven %mul3A_41 : vector<4096x64xf32>
    %mul3A_42 = arith.constant 6.28318548 : f32
    %mul3A_43 = vector.broadcast %mul3A_42 : f32 to vector<4096x64xf32>
    %mul3A_44 = arith.mulf %round3A, %mul3A_43 : vector<4096x64xf32>
    %sub3A_45 = arith.subf %add3A_38, %mul3A_44 : vector<4096x64xf32>
    %mul3A_46 = arith.constant -1.74845553E-7 : f32
    %mul3A_47 = vector.broadcast %mul3A_46 : f32 to vector<4096x64xf32>
    %mul3A_48 = arith.mulf %round3A, %mul3A_47 : vector<4096x64xf32>
    %sub3A_49 = arith.subf %sub3A_45, %mul3A_48 : vector<4096x64xf32>
    %mul3A_50 = arith.mulf %sub3A_49, %sub3A_49 : vector<4096x64xf32>
    %concatenate3A = tpu.concatenate %mul3A_50, %mul3A_50 in 1 : vector<4096x64xf32>, vector<4096x64xf32> -> vector<4096x128xf32>
    %iota3A_51 = tpu.iota {dimensions = array<i32: 1>} : vector<1x128xi32>
    %lt3A = arith.constant 64 : i32
    %lt3A_52 = vector.broadcast %lt3A : i32 to vector<1x128xi32>
    %lt3A_53 = arith.cmpi slt, %iota3A_51, %lt3A_52 : vector<1x128xi32>
    %jit3A_54 = arith.constant -2.19729642E-7 : f32
    %jit3A_55 = arith.constant -2.03622452E-8 : f32
    %broadcast_in_dim3A = vector.broadcast %jit3A_54 : f32 to vector<1x128xf32>
    %broadcast_in_dim3A_56 = vector.broadcast %jit3A_55 : f32 to vector<1x128xf32>
    %select_n3A_57 = arith.select %lt3A_53, %broadcast_in_dim3A, %broadcast_in_dim3A_56 : vector<1x128xi1>, vector<1x128xf32>
    %jit3A_58 = arith.constant 2.42029419E-5 : f32
    %jit3A_59 = arith.constant 2.69971474E-6 : f32
    %broadcast_in_dim3A_60 = vector.broadcast %jit3A_58 : f32 to vector<1x128xf32>
    %broadcast_in_dim3A_61 = vector.broadcast %jit3A_59 : f32 to vector<1x128xf32>
    %select_n3A_62 = arith.select %lt3A_53, %broadcast_in_dim3A_60, %broadcast_in_dim3A_61 : vector<1x128xi1>, vector<1x128xf32>
    %mul3A_63 = vector.broadcast %select_n3A_57 : vector<1x128xf32> to vector<4096x128xf32>
    %mul3A_64 = arith.mulf %mul3A_63, %concatenate3A : vector<4096x128xf32>
    %add3A_65 = vector.broadcast %select_n3A_62 : vector<1x128xf32> to vector<4096x128xf32>
    %add3A_66 = arith.addf %mul3A_64, %add3A_65 : vector<4096x128xf32>
    %jit3A_67 = arith.constant -0.001385879 : f32
    %jit3A_68 = arith.constant -1.98086331E-4 : f32
    %broadcast_in_dim3A_69 = vector.broadcast %jit3A_67 : f32 to vector<1x128xf32>
    %broadcast_in_dim3A_70 = vector.broadcast %jit3A_68 : f32 to vector<1x128xf32>
    %select_n3A_71 = arith.select %lt3A_53, %broadcast_in_dim3A_69, %broadcast_in_dim3A_70 : vector<1x128xi1>, vector<1x128xf32>
    %mul3A_72 = arith.mulf %add3A_66, %concatenate3A : vector<4096x128xf32>
    %add3A_73 = vector.broadcast %select_n3A_71 : vector<1x128xf32> to vector<4096x128xf32>
    %add3A_74 = arith.addf %mul3A_72, %add3A_73 : vector<4096x128xf32>
    %jit3A_75 = arith.constant 0.0416597761 : f32
    %jit3A_76 = arith.constant 0.00833240337 : f32
    %broadcast_in_dim3A_77 = vector.broadcast %jit3A_75 : f32 to vector<1x128xf32>
    %broadcast_in_dim3A_78 = vector.broadcast %jit3A_76 : f32 to vector<1x128xf32>
    %select_n3A_79 = arith.select %lt3A_53, %broadcast_in_dim3A_77, %broadcast_in_dim3A_78 : vector<1x128xi1>, vector<1x128xf32>
    %mul3A_80 = arith.mulf %add3A_74, %concatenate3A : vector<4096x128xf32>
    %add3A_81 = vector.broadcast %select_n3A_79 : vector<1x128xf32> to vector<4096x128xf32>
    %add3A_82 = arith.addf %mul3A_80, %add3A_81 : vector<4096x128xf32>
    %jit3A_83 = arith.constant -0.499994218 : f32
    %jit3A_84 = arith.constant -0.166665524 : f32
    %broadcast_in_dim3A_85 = vector.broadcast %jit3A_83 : f32 to vector<1x128xf32>
    %broadcast_in_dim3A_86 = vector.broadcast %jit3A_84 : f32 to vector<1x128xf32>
    %select_n3A_87 = arith.select %lt3A_53, %broadcast_in_dim3A_85, %broadcast_in_dim3A_86 : vector<1x128xi1>, vector<1x128xf32>
    %mul3A_88 = arith.mulf %add3A_82, %concatenate3A : vector<4096x128xf32>
    %add3A_89 = vector.broadcast %select_n3A_87 : vector<1x128xf32> to vector<4096x128xf32>
    %add3A_90 = arith.addf %mul3A_88, %add3A_89 : vector<4096x128xf32>
    %jit3A_91 = arith.constant 0.999999225 : f32
    %jit3A_92 = arith.constant 0.999999582 : f32
    %broadcast_in_dim3A_93 = vector.broadcast %jit3A_91 : f32 to vector<1x128xf32>
    %broadcast_in_dim3A_94 = vector.broadcast %jit3A_92 : f32 to vector<1x128xf32>
    %select_n3A_95 = arith.select %lt3A_53, %broadcast_in_dim3A_93, %broadcast_in_dim3A_94 : vector<1x128xi1>, vector<1x128xf32>
    %mul3A_96 = arith.mulf %add3A_90, %concatenate3A : vector<4096x128xf32>
    %add3A_97 = vector.broadcast %select_n3A_95 : vector<1x128xf32> to vector<4096x128xf32>
    %add3A_98 = arith.addf %mul3A_96, %add3A_97 : vector<4096x128xf32>
    %mul3A_99 = arith.mulf %get3A_35, %sub3A_49 : vector<4096x64xf32>
    %concatenate3A_100 = tpu.concatenate %get3A_35, %mul3A_99 in 1 : vector<4096x64xf32>, vector<4096x64xf32> -> vector<4096x128xf32>
    %mul3A_101 = arith.mulf %concatenate3A_100, %add3A_98 : vector<4096x128xf32>
    %slice3A_102 = vector.extract_strided_slice %mul3A_101 {offsets = [0, 0], sizes = [4096, 64], strides = [1, 1]} : vector<4096x128xf32> to vector<4096x64xf32>
    %swap3A = arith.constant 0 : index
    %swap3A_103 = arith.constant 0 : index
    %swap3A_104 = vector.load %arg5[%swap3A, %swap3A_103] : memref<4096x64xf32, #tpu.memory_space<vmem>>, vector<4096x64xf32>
    tpu.vector_store %arg5[%swap3A, %swap3A_103], %slice3A_102 {strides = array<i32>} : memref<4096x64xf32, #tpu.memory_space<vmem>>, vector<4096x64xf32>,
    %slice3A_105 = vector.extract_strided_slice %mul3A_101 {offsets = [0, 64], sizes = [4096, 64], strides = [1, 1]} : vector<4096x128xf32> to vector<4096x64xf32>
    %swap3A_106 = arith.constant 0 : index
    %swap3A_107 = arith.constant 0 : index
    %swap3A_108 = vector.load %arg6[%swap3A_106, %swap3A_107] : memref<4096x64xf32, #tpu.memory_space<vmem>>, vector<4096x64xf32>
    tpu.vector_store %arg6[%swap3A_106, %swap3A_107], %slice3A_105 {strides = array<i32>} : memref<4096x64xf32, #tpu.memory_space<vmem>>, vector<4096x64xf32>,
    return
  }
  func.func @transform_2(%arg0: i32) -> (i32, i32) {
    %c0_i32 = arith.constant 0 : i32
    %c0_i32_0 = arith.constant 0 : i32
    return %arg0, %c0_i32 : i32, i32
  }
  func.func @transform_3(%arg0: i32) -> (i32, i32) {
    %add3A = arith.constant 30 : i32
    %add3A_0 = arith.addi %arg0, %add3A : i32
    %c0_i32 = arith.constant 0 : i32
    %c0_i32_1 = arith.constant 0 : i32
    return %add3A_0, %c0_i32 : i32, i32
  }
  func.func @transform_4(%arg0: i32) -> (i32, i32) {
    %add3A = arith.constant 30 : i32
    %add3A_0 = arith.addi %arg0, %add3A : i32
    %c0_i32 = arith.constant 0 : i32
    %c0_i32_1 = arith.constant 0 : i32
    return %add3A_0, %c0_i32 : i32, i32
  }
  func.func @transform_5(%arg0: i32) -> (i32, i32) {
    %add3A = arith.constant 30 : i32
    %add3A_0 = arith.addi %arg0, %add3A : i32
    %c0_i32 = arith.constant 0 : i32
    %c0_i32_1 = arith.constant 0 : i32
    return %add3A_0, %c0_i32 : i32, i32
  }
}

module attributes {stable_mosaic.version = 14 : i64} {
  func.func @_tc_body_chain(%arg0: i32, %arg1: memref<204800x64xf32, #tpu.memory_space<hbm>>, %arg2: memref<204800x64xf32, #tpu.memory_space<hbm>>, %arg3: memref<4096x128xf32, #tpu.memory_space<vmem>>, %arg4: memref<4096x64xf32, #tpu.memory_space<vmem>>, %arg5: memref<4096x64xf32, #tpu.memory_space<vmem>>, %arg6: memref<4096x64xf32, #tpu.memory_space<vmem>>) attributes {dimension_semantics = [#tpu.dimension_semantics<arbitrary>], iteration_bounds = array<i64: 10>, scalar_prefetch = 0 : i64, scratch_operands = 0 : i64, tpu.core_type = #tpu.core_type<tc>, window_params = [{}, {}, {transform_indices = @transform_2, window_bounds = array<i64: 4096, 128>}, {transform_indices = @transform_3, window_bounds = array<i64: 4096, 64>}, {transform_indices = @transform_4, window_bounds = array<i64: 4096, 64>}, {transform_indices = @transform_5, window_bounds = array<i64: 4096, 64>}]} {
    %iota3A = tpu.iota {dimensions = array<i32: 0>} : vector<4096x64xi32>
    %add3A = arith.constant 163840 : i32
    %add3A_0 = vector.broadcast %add3A : i32 to vector<4096x64xi32>
    %add3A_1 = arith.addi %iota3A, %add3A_0 : vector<4096x64xi32>
    %mul3A = arith.constant 4096 : i32
    %mul3A_2 = arith.muli %arg0, %mul3A : i32
    %add3A_3 = vector.broadcast %mul3A_2 : i32 to vector<4096x64xi32>
    %add3A_4 = arith.addi %add3A_1, %add3A_3 : vector<4096x64xi32>
    %jit3A = arith.constant 1024 : i32
    %div3A = vector.broadcast %jit3A : i32 to vector<4096x64xi32>
    %div3A_5 = arith.divsi %add3A_4, %div3A : vector<4096x64xi32>
    %sign3A = arith.constant 0 : i32
    %sign3A_6 = vector.broadcast %sign3A : i32 to vector<4096x64xi32>
    %sign3A_7 = arith.cmpi sgt, %add3A_4, %sign3A_6 : vector<4096x64xi32>
    %sign3A_8 = arith.extui %sign3A_7 : vector<4096x64xi1> to vector<4096x64xi32>
    %sign3A_9 = arith.constant 0 : i32
    %sign3A_10 = vector.broadcast %sign3A_9 : i32 to vector<4096x64xi32>
    %sign3A_11 = arith.cmpi slt, %add3A_4, %sign3A_10 : vector<4096x64xi32>
    %sign3A_12 = arith.extui %sign3A_11 : vector<4096x64xi1> to vector<4096x64xi32>
    %sign3A_13 = arith.subi %sign3A_8, %sign3A_12 : vector<4096x64xi32>
    %sign3A_14 = arith.constant 0 : i32
    %sign3A_15 = arith.cmpi sgt, %jit3A, %sign3A_14 : i32
    %sign3A_16 = arith.extui %sign3A_15 : i1 to i32
    %sign3A_17 = arith.constant 0 : i32
    %sign3A_18 = arith.cmpi slt, %jit3A, %sign3A_17 : i32
    %sign3A_19 = arith.extui %sign3A_18 : i1 to i32
    %sign3A_20 = arith.subi %sign3A_16, %sign3A_19 : i32
    %ne3A = vector.broadcast %sign3A_20 : i32 to vector<4096x64xi32>
    %ne3A_21 = arith.cmpi ne, %sign3A_13, %ne3A : vector<4096x64xi32>
    %rem3A = vector.broadcast %jit3A : i32 to vector<4096x64xi32>
    %rem3A_22 = arith.remsi %add3A_4, %rem3A : vector<4096x64xi32>
    %ne3A_23 = arith.constant 0 : i32
    %ne3A_24 = vector.broadcast %ne3A_23 : i32 to vector<4096x64xi32>
    %ne3A_25 = arith.cmpi ne, %rem3A_22, %ne3A_24 : vector<4096x64xi32>
    %and3A = arith.andi %ne3A_21, %ne3A_25 : vector<4096x64xi1>
    %sub3A = arith.constant 1 : i32
    %sub3A_26 = vector.broadcast %sub3A : i32 to vector<4096x64xi32>
    %sub3A_27 = arith.subi %div3A_5, %sub3A_26 : vector<4096x64xi32>
    %select_n3A = arith.select %and3A, %sub3A_27, %div3A_5 : vector<4096x64xi1>, vector<4096x64xi32>
    %add3A_28 = arith.constant 1 : i32
    %add3A_29 = vector.broadcast %add3A_28 : i32 to vector<4096x64xi32>
    %add3A_30 = arith.addi %select_n3A, %add3A_29 : vector<4096x64xi32>
    %convert_element_type3A = arith.sitofp %add3A_30 : vector<4096x64xi32> to vector<4096x64xf32>
    %get3A = arith.constant 0 : index
    %get3A_31 = arith.constant 0 : index
    %get3A_32 = vector.load %arg3[%get3A, %get3A_31] : memref<4096x128xf32, #tpu.memory_space<vmem>>, vector<4096x128xf32>
    %get3A_33 = arith.constant 0 : index
    %get3A_34 = arith.constant 0 : index
    %get3A_35 = vector.load %arg4[%get3A_33, %get3A_34] : memref<4096x64xf32, #tpu.memory_space<vmem>>, vector<4096x64xf32>
    %slice3A = vector.extract_strided_slice %get3A_32 {offsets = [0, 0], sizes = [4096, 64], strides = [1, 1]} : vector<4096x128xf32> to vector<4096x64xf32>
    %slice3A_36 = vector.extract_strided_slice %get3A_32 {offsets = [0, 64], sizes = [4096, 64], strides = [1, 1]} : vector<4096x128xf32> to vector<4096x64xf32>
    %mul3A_37 = arith.mulf %convert_element_type3A, %slice3A : vector<4096x64xf32>
    %add3A_38 = arith.addf %mul3A_37, %slice3A_36 : vector<4096x64xf32>
    %mul3A_39 = arith.constant 0.159154937 : f32
    %mul3A_40 = vector.broadcast %mul3A_39 : f32 to vector<4096x64xf32>
    %mul3A_41 = arith.mulf %add3A_38, %mul3A_40 : vector<4096x64xf32>
    %round3A = math.roundeven %mul3A_41 : vector<4096x64xf32>
    %mul3A_42 = arith.constant 6.28318548 : f32
    %mul3A_43 = vector.broadcast %mul3A_42 : f32 to vector<4096x64xf32>
    %mul3A_44 = arith.mulf %round3A, %mul3A_43 : vector<4096x64xf32>
    %sub3A_45 = arith.subf %add3A_38, %mul3A_44 : vector<4096x64xf32>
    %mul3A_46 = arith.constant -1.74845553E-7 : f32
    %mul3A_47 = vector.broadcast %mul3A_46 : f32 to vector<4096x64xf32>
    %mul3A_48 = arith.mulf %round3A, %mul3A_47 : vector<4096x64xf32>
    %sub3A_49 = arith.subf %sub3A_45, %mul3A_48 : vector<4096x64xf32>
    %mul3A_50 = arith.mulf %sub3A_49, %sub3A_49 : vector<4096x64xf32>
    %concatenate3A = tpu.concatenate %mul3A_50, %mul3A_50 in 1 : vector<4096x64xf32>, vector<4096x64xf32> -> vector<4096x128xf32>
    %iota3A_51 = tpu.iota {dimensions = array<i32: 1>} : vector<1x128xi32>
    %lt3A = arith.constant 64 : i32
    %lt3A_52 = vector.broadcast %lt3A : i32 to vector<1x128xi32>
    %lt3A_53 = arith.cmpi slt, %iota3A_51, %lt3A_52 : vector<1x128xi32>
    %jit3A_54 = arith.constant -2.19729642E-7 : f32
    %jit3A_55 = arith.constant -2.03622452E-8 : f32
    %broadcast_in_dim3A = vector.broadcast %jit3A_54 : f32 to vector<1x128xf32>
    %broadcast_in_dim3A_56 = vector.broadcast %jit3A_55 : f32 to vector<1x128xf32>
    %select_n3A_57 = arith.select %lt3A_53, %broadcast_in_dim3A, %broadcast_in_dim3A_56 : vector<1x128xi1>, vector<1x128xf32>
    %jit3A_58 = arith.constant 2.42029419E-5 : f32
    %jit3A_59 = arith.constant 2.69971474E-6 : f32
    %broadcast_in_dim3A_60 = vector.broadcast %jit3A_58 : f32 to vector<1x128xf32>
    %broadcast_in_dim3A_61 = vector.broadcast %jit3A_59 : f32 to vector<1x128xf32>
    %select_n3A_62 = arith.select %lt3A_53, %broadcast_in_dim3A_60, %broadcast_in_dim3A_61 : vector<1x128xi1>, vector<1x128xf32>
    %mul3A_63 = vector.broadcast %select_n3A_57 : vector<1x128xf32> to vector<4096x128xf32>
    %mul3A_64 = arith.mulf %mul3A_63, %concatenate3A : vector<4096x128xf32>
    %add3A_65 = vector.broadcast %select_n3A_62 : vector<1x128xf32> to vector<4096x128xf32>
    %add3A_66 = arith.addf %mul3A_64, %add3A_65 : vector<4096x128xf32>
    %jit3A_67 = arith.constant -0.001385879 : f32
    %jit3A_68 = arith.constant -1.98086331E-4 : f32
    %broadcast_in_dim3A_69 = vector.broadcast %jit3A_67 : f32 to vector<1x128xf32>
    %broadcast_in_dim3A_70 = vector.broadcast %jit3A_68 : f32 to vector<1x128xf32>
    %select_n3A_71 = arith.select %lt3A_53, %broadcast_in_dim3A_69, %broadcast_in_dim3A_70 : vector<1x128xi1>, vector<1x128xf32>
    %mul3A_72 = arith.mulf %add3A_66, %concatenate3A : vector<4096x128xf32>
    %add3A_73 = vector.broadcast %select_n3A_71 : vector<1x128xf32> to vector<4096x128xf32>
    %add3A_74 = arith.addf %mul3A_72, %add3A_73 : vector<4096x128xf32>
    %jit3A_75 = arith.constant 0.0416597761 : f32
    %jit3A_76 = arith.constant 0.00833240337 : f32
    %broadcast_in_dim3A_77 = vector.broadcast %jit3A_75 : f32 to vector<1x128xf32>
    %broadcast_in_dim3A_78 = vector.broadcast %jit3A_76 : f32 to vector<1x128xf32>
    %select_n3A_79 = arith.select %lt3A_53, %broadcast_in_dim3A_77, %broadcast_in_dim3A_78 : vector<1x128xi1>, vector<1x128xf32>
    %mul3A_80 = arith.mulf %add3A_74, %concatenate3A : vector<4096x128xf32>
    %add3A_81 = vector.broadcast %select_n3A_79 : vector<1x128xf32> to vector<4096x128xf32>
    %add3A_82 = arith.addf %mul3A_80, %add3A_81 : vector<4096x128xf32>
    %jit3A_83 = arith.constant -0.499994218 : f32
    %jit3A_84 = arith.constant -0.166665524 : f32
    %broadcast_in_dim3A_85 = vector.broadcast %jit3A_83 : f32 to vector<1x128xf32>
    %broadcast_in_dim3A_86 = vector.broadcast %jit3A_84 : f32 to vector<1x128xf32>
    %select_n3A_87 = arith.select %lt3A_53, %broadcast_in_dim3A_85, %broadcast_in_dim3A_86 : vector<1x128xi1>, vector<1x128xf32>
    %mul3A_88 = arith.mulf %add3A_82, %concatenate3A : vector<4096x128xf32>
    %add3A_89 = vector.broadcast %select_n3A_87 : vector<1x128xf32> to vector<4096x128xf32>
    %add3A_90 = arith.addf %mul3A_88, %add3A_89 : vector<4096x128xf32>
    %jit3A_91 = arith.constant 0.999999225 : f32
    %jit3A_92 = arith.constant 0.999999582 : f32
    %broadcast_in_dim3A_93 = vector.broadcast %jit3A_91 : f32 to vector<1x128xf32>
    %broadcast_in_dim3A_94 = vector.broadcast %jit3A_92 : f32 to vector<1x128xf32>
    %select_n3A_95 = arith.select %lt3A_53, %broadcast_in_dim3A_93, %broadcast_in_dim3A_94 : vector<1x128xi1>, vector<1x128xf32>
    %mul3A_96 = arith.mulf %add3A_90, %concatenate3A : vector<4096x128xf32>
    %add3A_97 = vector.broadcast %select_n3A_95 : vector<1x128xf32> to vector<4096x128xf32>
    %add3A_98 = arith.addf %mul3A_96, %add3A_97 : vector<4096x128xf32>
    %mul3A_99 = arith.mulf %get3A_35, %sub3A_49 : vector<4096x64xf32>
    %concatenate3A_100 = tpu.concatenate %get3A_35, %mul3A_99 in 1 : vector<4096x64xf32>, vector<4096x64xf32> -> vector<4096x128xf32>
    %mul3A_101 = arith.mulf %concatenate3A_100, %add3A_98 : vector<4096x128xf32>
    %slice3A_102 = vector.extract_strided_slice %mul3A_101 {offsets = [0, 0], sizes = [4096, 64], strides = [1, 1]} : vector<4096x128xf32> to vector<4096x64xf32>
    %swap3A = arith.constant 0 : index
    %swap3A_103 = arith.constant 0 : index
    %swap3A_104 = vector.load %arg5[%swap3A, %swap3A_103] : memref<4096x64xf32, #tpu.memory_space<vmem>>, vector<4096x64xf32>
    tpu.vector_store %arg5[%swap3A, %swap3A_103], %slice3A_102 {strides = array<i32>} : memref<4096x64xf32, #tpu.memory_space<vmem>>, vector<4096x64xf32>,
    %slice3A_105 = vector.extract_strided_slice %mul3A_101 {offsets = [0, 64], sizes = [4096, 64], strides = [1, 1]} : vector<4096x128xf32> to vector<4096x64xf32>
    %swap3A_106 = arith.constant 0 : index
    %swap3A_107 = arith.constant 0 : index
    %swap3A_108 = vector.load %arg6[%swap3A_106, %swap3A_107] : memref<4096x64xf32, #tpu.memory_space<vmem>>, vector<4096x64xf32>
    tpu.vector_store %arg6[%swap3A_106, %swap3A_107], %slice3A_105 {strides = array<i32>} : memref<4096x64xf32, #tpu.memory_space<vmem>>, vector<4096x64xf32>,
    return
  }
  func.func @transform_2(%arg0: i32) -> (i32, i32) {
    %c0_i32 = arith.constant 0 : i32
    %c0_i32_0 = arith.constant 0 : i32
    return %arg0, %c0_i32 : i32, i32
  }
  func.func @transform_3(%arg0: i32) -> (i32, i32) {
    %add3A = arith.constant 40 : i32
    %add3A_0 = arith.addi %arg0, %add3A : i32
    %c0_i32 = arith.constant 0 : i32
    %c0_i32_1 = arith.constant 0 : i32
    return %add3A_0, %c0_i32 : i32, i32
  }
  func.func @transform_4(%arg0: i32) -> (i32, i32) {
    %add3A = arith.constant 40 : i32
    %add3A_0 = arith.addi %arg0, %add3A : i32
    %c0_i32 = arith.constant 0 : i32
    %c0_i32_1 = arith.constant 0 : i32
    return %add3A_0, %c0_i32 : i32, i32
  }
  func.func @transform_5(%arg0: i32) -> (i32, i32) {
    %add3A = arith.constant 40 : i32
    %add3A_0 = arith.addi %arg0, %add3A : i32
    %c0_i32 = arith.constant 0 : i32
    %c0_i32_1 = arith.constant 0 : i32
    return %add3A_0, %c0_i32 : i32, i32
  }
}

</mosaic_0001>

<sc_bundles>
// kernel: kernel.12.cloned.1.call-start
scs
__scs_entry_jumppad:
0x0: {  	(pc) =	sbr.rel $0x88, $3  }
0x1: {  	(tag) =	ssettag $0x0;
	lr =	simm.s32 $0x1  }
0x2: {  	[smem:$0x3F9D] =	sst lr;
	_ =	strace $0xD0000000  }
0x3: {  	_ = 	snop  }
0x4: {  	_ = 	snop  }
0x5: {  	_ = 	snop  }
0x6: {  	_ = 	snop  }
0x7: {  	_ = 	snop  }
__scs_overlays_trampoline_lowered:
0x8: {  	[smem:$0x3FAC] =	sst s0  }
0x9: {  	[smem:$0x3FAD] =	sst s1  }
0xa: {  	[smem:$0x3FAE] =	sst s2  }
0xb: {  	[smem:$0x3FAF] =	sst s3  }
0xc: {  	[smem:$0x3FB0] =	sst s4  }
0xd: {  	[smem:$0x3FB1] =	sst s5  }
0xe: {  	[smem:$0x3FB2] =	sst s6  }
0xf: {  	[smem:$0x3FB3] =	sst s7  }
0x10: {  	[smem:$0x3FB4] =	sst s8  }
0x11: {  	[smem:$0x3FB5] =	sst s9;
	s0 =	simm.s32 @!p0 $0x0  }
0x12: {  	s1 =	sld [smem:$0x3F9B];
	s0 =	simm.s32 @p0 $0x1  }
0x13: {  	[smem:$0x3FB6] =	sst s0;
	s0 =	simm.s32 @!p1 $0x0  }
0x14: {  	s2 =	sld [smem:$0x3F9A];
	s0 =	simm.s32 @p1 $0x1  }
0x15: {  	[smem:$0x3FB7] =	sst s0;
	s0 =	simm.s32 @!p2 $0x0  }
0x16: {  	s3 =	sld [smem:$0x3FDB];
	s0 =	simm.s32 @p2 $0x1  }
0x17: {  	s4 =	simm.s32 $0x1BF5;
	[smem:$0x3FB9] =	sst s0  }
0x18: {  	s0 =	sld [smem:$0x3F9C];
	_ =	swait.ge [sflag:s4], $0x0  }
0x19: {  	s7 =	sld [smem:$0x3F9D]  }
0x1a: {  	s8 =	sadd.s32 $0xFFFFE003, lr  }
0x1b: {  	s9 =	sadd.s32 $0xFFFFFEF7, lr;
	s5 =	simm.s32 $0xFFFFFFFF;
	p2 =	slt.u32 s8, $0xFFFFF086  }
0x1c: {  	p1 =	slt.u32 s9, $0xF7A;
	s5 =	simm.s32 @!p2 $0x0  }
0x1d: {  	s5 =	simm.s32 @p1 $0x1;
	p0 =	seq.s32 s7, s2  }
0x1e: {  	s7 =	smul.u32 @!p0 $0xF7A, s2;
	p2 =	seq.s32 @!p0 s5, $0x0  }
0x1f: {  	s9 =	smul.u32 $0xF7A, s1;
	s8 =	simm.s32 @!p0 $0x1BF5;
	p2 =	por !p2, p0  }
0x20: {  	[sflag:s8] =	ssyncset.s32 @!p0 $0xFFFFF086;
	s6 =	sadd.s32 @!p0 s3, s7;
	s7 =	simm.s32 @!p0 $0x108  }
0x21: {  	s3 =	sadd.s32 s3, s9;
	s6 =	sadd.s32 @!p0 $0x88, s6;
	s7 =	simm.s32 @p2 $0x1082  }
0x22: {  	[simem:s7], [sflag:s8] =	dma.local @!p0 [hbm:s6], $0xF7A  }
0x23: {  	s9 =	sor.u32 $0xD0000000, s2;
	s6 =	simm.s32 $0x108;
	_ =	swait.ge @!p0 [sflag:s8], $0x0  }
0x24: {  	s3 =	sadd.s32 $0x88, s3;
	s6 =	simm.s32 @!p1 $0x1082;
	[sflag:s4] =	ssyncset.s32 $0xFFFFF086  }
0x25: {  	[simem:s6], [sflag:s4] =	dma.local [hbm:s3], $0xF7A  }
0x26: {  	[smem:$0x3F9D] =	sst s1;
	(tag) =	ssettag s2;
	_ =	strace s9  }
0x27: {  	s1 =	sld [smem:$0x3FAD]  }
0x28: {  	s2 =	sld [smem:$0x3FAE]  }
0x29: {  	s4 =	sld [smem:$0x3FB0]  }
0x2a: {  	p0 =	seq.s32 s5, $0x0;
	s5 =	sld [smem:$0x3FB1]  }
0x2b: {  	s6 =	sld [smem:$0x3FB2]  }
0x2c: {  	s7 =	sld [smem:$0x3FB3]  }
0x2d: {  	s3 =	simm.s32 $0x108;
	s8 =	sld [smem:$0x3FB4]  }
0x2e: {  	s3 =	simm.s32 @!p0 $0x1082;
	s9 =	sld [smem:$0x3FB5]  }
0x2f: {  	lr =	sadd.s32 s0, s3;
	s0 =	sld [smem:$0x3FAC]  }
0x30: {  	s3 =	sld [smem:$0x3FAF]  }
0x31: {  	[smem:$0x3FB8] =	sst s10  }
0x32: {  	s10 =	sld [smem:$0x3FB6];
	_ =	sdelay $0x3  }
0x33: {  	p0 =	seq.s32 s10, $0x1;
	s10 =	sld [smem:$0x3FB8];
	_ =	sdelay $0x3  }
0x34: {  	[smem:$0x3FB8] =	sst s10  }
0x35: {  	s10 =	sld [smem:$0x3FB7];
	_ =	sdelay $0x3  }
0x36: {  	p1 =	seq.s32 s10, $0x1;
	s10 =	sld [smem:$0x3FB8];
	_ =	sdelay $0x3  }
0x37: {  	[smem:$0x3FB8] =	sst s10  }
0x38: {  	s10 =	sld [smem:$0x3FB9]  }
0x39: {  	_ = 	snop;
	(pc) =	sbr.ind lr, $3  }
0x3a: {  	_ = 	snop  }
0x3b: {  	_ = 	snop  }
0x3c: {  	p2 =	seq.s32 s10, $0x1;
	s10 =	sld [smem:$0x3FB8]  }
0x3d: {  	_ =	shalt  }
0x3e: {  	_ =	shalt  }
0x3f: {  	_ =	shalt  }
0x40: {  	_ =	shalt  }
0x41: {  	_ =	shalt  }
0x42: {  	_ =	shalt  }
0x43: {  	_ =	shalt  }
0x44: {  	_ =	shalt  }
0x45: {  	_ =	shalt  }
0x46: {  	_ =	shalt  }
0x47: {  	_ =	shalt  }
0x48: {  	_ =	shalt  }
0x49: {  	_ =	shalt  }
0x4a: {  	_ =	shalt  }
0x4b: {  	_ =	shalt  }
0x4c: {  	_ =	shalt  }
0x4d: {  	_ =	shalt  }
0x4e: {  	_ =	shalt  }
0x4f: {  	_ =	shalt  }
0x50: {  	_ =	shalt  }
0x51: {  	_ =	shalt  }
0x52: {  	_ =	shalt  }
0x53: {  	_ =	shalt  }
0x54: {  	_ =	shalt  }
0x55: {  	_ =	shalt  }
0x56: {  	_ =	shalt  }
0x57: {  	_ =	shalt  }
0x58: {  	_ =	shalt  }
0x59: {  	_ =	shalt  }
0x5a: {  	_ =	shalt  }
0x5b: {  	_ =	shalt  }
0x5c: {  	_ =	shalt  }
0x5d: {  	_ =	shalt  }
0x5e: {  	_ =	shalt  }
0x5f: {  	_ =	shalt  }
0x60: {  	_ =	shalt  }
0x61: {  	_ =	shalt  }
0x62: {  	_ =	shalt  }
0x63: {  	_ =	shalt  }
0x64: {  	_ =	shalt  }
0x65: {  	_ =	shalt  }
0x66: {  	_ =	shalt  }
0x67: {  	_ =	shalt  }
0x68: {  	_ =	shalt  }
0x69: {  	_ =	shalt  }
0x6a: {  	_ =	shalt  }
0x6b: {  	_ =	shalt  }
0x6c: {  	_ =	shalt  }
0x6d: {  	_ =	shalt  }
0x6e: {  	_ =	shalt  }
0x6f: {  	_ =	shalt  }
0x70: {  	_ =	shalt  }
0x71: {  	_ =	shalt  }
0x72: {  	_ =	shalt  }
0x73: {  	_ =	shalt  }
0x74: {  	_ =	shalt  }
0x75: {  	_ =	shalt  }
0x76: {  	_ =	shalt  }
0x77: {  	_ =	shalt  }
0x78: {  	_ =	shalt  }
0x79: {  	_ =	shalt  }
0x7a: {  	_ =	shalt  }
0x7b: {  	_ =	shalt  }
0x7c: {  	_ =	shalt  }
0x7d: {  	_ =	shalt  }
0x7e: {  	_ =	shalt  }
0x7f: {  	_ =	shalt  }
0x80: {  	_ =	shalt  }
0x81: {  	_ =	shalt  }
0x82: {  	_ =	shalt  }
0x83: {  	_ =	shalt  }
0x84: {  	_ =	shalt  }
0x85: {  	_ =	shalt  }
0x86: {  	_ =	shalt  }
0x87: {  	_ =	shalt  }
.Lfunc_end0:
.L_simem_size_0:
called_computation.2_lowered:
.L_overlay_start_0:
0x88: {  	s2 =	sld [smem:$0x3FD9]  }
0x89: {  	s3 =	sld [smem:$0x3FFE];
	_ =	sdelay $0x1  }
0x8a: {  	s1 =	srdreg.scid  }
0x8b: {  	s0 =	sand.u32 $0x1, s1  }
0x8c: {  	s16 =	sshll.u32 s0, $0xA;
	s2 =	sadd.s32 s3, s2  }
0x8d: {  	s2 =	sadd.s32 s2, s16  }
0x8e: {  	[smem:$0x3FC4] =	sst s2  }
0x8f: {  	_ = 	snop  }
0x90: {  	(tm) =	ssettm $0x1  }
0x91: {  	s17 =	sld [smem:$0x3FFB];
	_ =	sdelay $0x3  }
0x92: {  	_ =	strace s17  }
0x93: {  	s2 =	sld [smem:$0x3FFC];
	_ =	sdelay $0x3  }
0x94: {  	_ =	strace s2  }
0x95: {  	s2 =	sld [smem:$0x3FFD];
	_ =	sdelay $0x3  }
0x96: {  	_ =	strace s2  }
0x97: {  	_ =	strace $0x8FFFFFFF  }
0x98: {  	s18 =	sld [smem:$0x3FDB];
	_ =	sdelay $0x1  }
0x99: {  	s19 =	simm.s32 $_scs_section_size  }
0x9a: {  	s4 =	simm.s32 $_size__tile_overlayer_lowered;
	s5 =	simm.s32 $_tile_overlayer_lowered  }
0x9b: {  	s22 =	simm.s32 $0x1BFF;
	s21 =	sshll.u32 s5, $0x1;
	s2 =	sadd.s32 s19, s18  }
0x9c: {  	s6 =	simm.s32 $0x0;
	s20 =	sshll.u32 s4, $0x1;
	s4 =	sadd.s32 s21, s2  }
0x9d: {  	[timem:s6], [sflag:s22] =	dma.local [hbm:s4], s20  }
0x9e: {  	_ =	swait.ge [sflag:s22], s20  }
0x9f: {  	s3 =	ssub.s32 $0x0, s20;
	[sflag:s22] =	ssyncset.done $0x0  }
0xa0: {  	[sflag:s22] =	ssyncadd.s32 s3;
	_ =	sdelay $0x1  }
0xa1: {  	s23 =	simm.s32 $0x1B8B  }
0xa2: {  	_ =	swait.ge [sflag:s23], $0x1  }
0xa3: {  	[sflag:s23] =	ssyncset.done $0x0  }
0xa4: {  	s25 =	simm.s32 $0x1B8E;
	s24 =	sld [smem:$0x3FFE];
	[sflag:s23] =	ssyncadd.s32 $0xFFFFFFFF  }
0xa5: {  	s26 =	simm.s32 $execute0_lowered;
	[smem:$0x3FD2] =	sst s25  }
0xa6: {  	s4 =	sshll.u32 s26, $0x1;
	_ =	strace $0x80000046;
	[dreg:$0x1] =	wrdreg $0xFFFFFFFF  }
0xa7: {  	s28 =	simm.s32 $_size_execute0_lowered;
	s2 =	sadd.s32 s2, s4;
	[dreg:$0x0] =	wrdreg $0x0  }
0xa8: {  	s4 =	sshll.u32 s28, $0x1;
	[dreg:$0x2] =	wrdreg s2  }
0xa9: {  	[dreg:$0x3] =	wrdreg s4  }
0xaa: {  	[dreg:$0x4] =	wrdreg $0xC0  }
0xab: {  	_ =	task [dreg:s6], $0x5FFFF  }
0xac: {  	[dreg:$0x1] =	wrdreg $0xFFFFFFFF  }
0xad: {  	[dreg:$0x0] =	wrdreg $0x60  }
0xae: {  	[dreg:$0x2] =	wrdreg s24  }
0xaf: {  	[dreg:$0x3] =	wrdreg $0x9  }
0xb0: {  	_ =	task.clear_ibuf [dreg:s6], $0x4FFFF;
	_ =	strace $0x90000046  }
0xb1: {  	s29 =	simm.s32 $0x9;
	_ =	strace $0x80000048  }
0xb2: {  	_ =	swait.ge [sflag:s29], $0x1  }
0xb3: {  	[sflag:s29] =	ssyncadd.s32 $0xFFFFFFFF  }
0xb4: {  	_ =	strace $0x90000048  }
0xb5: {  	_ =	sfence  }
0xb6: {  	s30 =	sld [smem:$0x0];
	_ =	sdelay $0x2  }
0xb7: {  	s31 =	sshll.u32 s1, $0xD;
	s1 =	sshrl.u32 s1, $0x2  }
0xb8: {  	s3 =	sand.u32 $0x4000, s31;
	s1 =	sadd.s32 s1, s30  }
0xb9: {  	s0 =	sor.u32 s3, s0;
	s1 =	sshll.u32 s1, $0x11  }
0xba: {  	s0 =	sor.u32 s1, s0  }
0xbb: {  	s0 =	sadd.s32 $0x8F2B, s0  }
0xbc: {  	[sflag:s0] =	ssyncadd.remote.s32 $0x1  }
0xbd: {  	_ =	sfence.sel $0xFFFF  }
0xbe: {  	[dreg:$0x0] =	wrdreg $0xFFFFFFFF;
	(pc) =	sbr.abs _section_cstart, $3  }
0xbf: {  	[dreg:$0x1] =	wrdreg $0xFFFFFFFF  }
0xc0: {  	_ =	task.clear_ibuf [dreg:s6], $0x2FFFF;
	_ =	strace $0x9FFFFFFF  }
0xc1: {  	(tm) =	ssettm $0x7FFFFFFF  }
tec
execute0_lowered:
.L_overlay_start_1:
0x0: {  	(tag) =	ssettag $0x1  }
0x1: {  	s1 =	srdreg.scid;
	s0 =	stileid.u32  }
0x2: {  	s15 =	sand.u32 $0x1, s1;
	s28 =	sshll.u32 s0, $0x1  }
0x3: {  	s9 =	sor.u32 s15, s28  }
0x4: {  	s10 =	rddreg [dreg:$0x0];
	s14 =	smul.u32 $0x500, s9  }
0x5: {  	s2 =	simm.s32 $0x0;
	s1 =	rddreg [dreg:$0x1]  }
0x6: {  	[smem:$0x7FF] =	sst s2;
	s16 =	sadd.s32 $0x5000, s10;
	s3 =	sshrl.u32 s14, $0x3  }
0x7: {  	_ =	strace $0x80000047;
	s4 =	sadd.s32 s16, s3;
	s3 =	simm.s32 $0x2  }
0x8: {  	[tilespmem:s2], [sflag:$0x2] =	stream.linear.gather [hbm4b:s4+s2], $0x140, $0x38;
	[tilespmem:$0xA180] =	vst v63  }
0x9: {  	_ =	swait.ge [sflag:s3], $0x140  }
0xa: {  	s6 =	simm.s32 $0x140;
	s7 =	simm.s32 $0x180;
	[sflag:s3] =	ssyncset.done $0x0  }
0xb: {  	s8 =	simm.s32 $0x1;
	s5 =	sadd.s32 $0xB400, s10;
	[sflag:s3] =	ssyncadd.s32 $0xFFFFFEC0  }
0xc: {  	[tilespmem:s7], [sflag:$0x1] =	stream.indirect.gather [hbm4b:s5+s6], $0x80, s2, s6, $0xb8;
	[tilespmem:$0xA180] =	vst v63  }
0xd: {  	s9 =	smul.u32 $0x5000, s9;
	_ =	swait.ge [sflag:s8], $0xA000  }
0xe: {  	s17 =	sadd.s32 $0x191E00, s10;
	[sflag:s8] =	ssyncset.done $0x0  }
0xf: {  	s9 =	sadd.s32 s17, s9;
	[sflag:s8] =	ssyncadd.s32 $0xFFFF6000  }
0x10: {  	[hbm4b:s9+s2] =	stream.linear.scatter [tilespmem:s7], [sflag:$0x2], $0xA000, $0x38;
	[tilespmem:$0xA180] =	vst v63  }
0x11: {  	s11 =	sadd.s32 $0x140, s14;
	_ =	swait.ge [sflag:s3], $0xA000  }
0x12: {  	s29 =	sshrl.u32 s11, $0x3;
	[sflag:s3] =	ssyncset.done $0x0  }
0x13: {  	s10 =	sadd.s32 s16, s29;
	[sflag:s3] =	ssyncadd.s32 $0xFFFF6000  }
0x14: {  	[tilespmem:s2], [sflag:$0x2] =	stream.linear.gather [hbm4b:s10+s2], $0x140, $0x38;
	[tilespmem:$0xA180] =	vst v63  }
0x15: {  	_ =	swait.ge [sflag:s3], $0x140  }
0x16: {  	[sflag:s3] =	ssyncset.done $0x0  }
0x17: {  	[sflag:s3] =	ssyncadd.s32 $0xFFFFFEC0  }
0x18: {  	[tilespmem:s7], [sflag:$0x1] =	stream.indirect.gather [hbm4b:s5+s6], $0x80, s2, s6, $0xb8;
	[tilespmem:$0xA180] =	vst v63  }
0x19: {  	_ =	swait.ge [sflag:s8], $0xA000  }
0x1a: {  	s11 =	sshll.u32 s11, $0x4;
	[sflag:s8] =	ssyncset.done $0x0  }
0x1b: {  	s11 =	sadd.s32 s17, s11;
	[sflag:s8] =	ssyncadd.s32 $0xFFFF6000  }
0x1c: {  	[hbm4b:s11+s2] =	stream.linear.scatter [tilespmem:s7], [sflag:$0x2], $0xA000, $0x38;
	[tilespmem:$0xA180] =	vst v63  }
0x1d: {  	s13 =	sadd.s32 $0x280, s14;
	_ =	swait.ge [sflag:s3], $0xA000  }
0x1e: {  	s12 =	sshrl.u32 s13, $0x3;
	[sflag:s3] =	ssyncset.done $0x0  }
0x1f: {  	s12 =	sadd.s32 s16, s12;
	[sflag:s3] =	ssyncadd.s32 $0xFFFF6000  }
0x20: {  	[tilespmem:s2], [sflag:$0x2] =	stream.linear.gather [hbm4b:s12+s2], $0x140, $0x38;
	[tilespmem:$0xA180] =	vst v63  }
0x21: {  	_ =	swait.ge [sflag:s3], $0x140  }
0x22: {  	[sflag:s3] =	ssyncset.done $0x0  }
0x23: {  	[sflag:s3] =	ssyncadd.s32 $0xFFFFFEC0  }
0x24: {  	[tilespmem:s7], [sflag:$0x1] =	stream.indirect.gather [hbm4b:s5+s6], $0x80, s2, s6, $0xb8;
	[tilespmem:$0xA180] =	vst v63  }
0x25: {  	_ =	swait.ge [sflag:s8], $0xA000  }
0x26: {  	s13 =	sshll.u32 s13, $0x4;
	[sflag:s8] =	ssyncset.done $0x0  }
0x27: {  	s13 =	sadd.s32 s17, s13;
	[sflag:s8] =	ssyncadd.s32 $0xFFFF6000  }
0x28: {  	[hbm4b:s13+s2] =	stream.linear.scatter [tilespmem:s7], [sflag:$0x2], $0xA000, $0x38;
	[tilespmem:$0xA180] =	vst v63  }
0x29: {  	s18 =	sadd.s32 $0x3C0, s14;
	_ =	swait.ge [sflag:s3], $0xA000  }
0x2a: {  	s14 =	sshrl.u32 s18, $0x3;
	[sflag:s3] =	ssyncset.done $0x0  }
0x2b: {  	s15 =	ssub.s32 $0x2, s15;
	s14 =	sadd.s32 s16, s14;
	[sflag:s3] =	ssyncadd.s32 $0xFFFF6000  }
0x2c: {  	[tilespmem:s2], [sflag:$0x2] =	stream.linear.gather [hbm4b:s14+s2], $0x140, $0x38;
	[tilespmem:$0xA180] =	vst v63  }
0x2d: {  	s30 =	sshrl.u32 s15, $0x1;
	_ =	swait.ge [sflag:s3], $0x140  }
0x2e: {  	s16 =	ssub.s32 s15, s30;
	[sflag:s3] =	ssyncset.done $0x0  }
0x2f: {  	s16 =	smax.u32 s16, $0x1;
	[sflag:s3] =	ssyncadd.s32 $0xFFFFFEC0  }
0x30: {  	[tilespmem:s7], [sflag:$0x1] =	stream.indirect.gather [hbm4b:s5+s6], $0x80, s2, s6, $0xb8;
	[tilespmem:$0xA180] =	vst v63  }
0x31: {  	p0 =	sne.s32 s16, $0x1;
	_ =	swait.ge [sflag:s8], $0xA000  }
.Ltmp0:
0x32: {  	s31 =	sshll.u32 s18, $0x4;
	[sflag:s8] =	ssyncset.done $0x0;
	(pc) =	sbr.rel @!p0 .LBB2_2-.Ltmp0, $4  }
0x33: {  	s15 =	sadd.s32 s17, s31;
	[sflag:s8] =	ssyncadd.s32 $0xFFFF6000  }
0x34: {  	[hbm4b:s15+s2] =	stream.linear.scatter [tilespmem:s7], [sflag:$0x2], $0xA000, $0x38;
	[tilespmem:$0xA180] =	vst v63  }
0x35: {  	_ =	swait.ge [sflag:s3], $0xA000  }
0x36: {  	s16 =	sadd.s32 $0xFFFFFFFF, s16;
	[sflag:s3] =	ssyncset.done $0x0  }
.LBB2_1:
0x37: {  	p0 =	sne.s32 s16, $0x1;
	s16 =	sadd.s32 $0xFFFFFFFF, s16;
	[sflag:s3] =	ssyncadd.s32 $0xFFFF6000  }
0x38: {  	[tilespmem:s2], [sflag:$0x2] =	stream.linear.gather [hbm4b:s4+s2], $0x140, $0x38;
	[tilespmem:$0xA180] =	vst v63  }
0x39: {  	_ =	swait.ge [sflag:s3], $0x140  }
0x3a: {  	[sflag:s3] =	ssyncset.done $0x0  }
0x3b: {  	[sflag:s3] =	ssyncadd.s32 $0xFFFFFEC0  }
0x3c: {  	[tilespmem:s7], [sflag:$0x1] =	stream.indirect.gather [hbm4b:s5+s6], $0x80, s2, s6, $0xb8;
	[tilespmem:$0xA180] =	vst v63  }
0x3d: {  	_ =	swait.ge [sflag:s8], $0xA000  }
0x3e: {  	[sflag:s8] =	ssyncset.done $0x0  }
0x3f: {  	[sflag:s8] =	ssyncadd.s32 $0xFFFF6000  }
0x40: {  	[hbm4b:s9+s2] =	stream.linear.scatter [tilespmem:s7], [sflag:$0x2], $0xA000, $0x38;
	[tilespmem:$0xA180] =	vst v63  }
0x41: {  	_ =	swait.ge [sflag:s3], $0xA000  }
0x42: {  	[sflag:s3] =	ssyncset.done $0x0  }
0x43: {  	[sflag:s3] =	ssyncadd.s32 $0xFFFF6000  }
0x44: {  	[tilespmem:s2], [sflag:$0x2] =	stream.linear.gather [hbm4b:s10+s2], $0x140, $0x38;
	[tilespmem:$0xA180] =	vst v63  }
0x45: {  	_ =	swait.ge [sflag:s3], $0x140  }
0x46: {  	[sflag:s3] =	ssyncset.done $0x0  }
0x47: {  	[sflag:s3] =	ssyncadd.s32 $0xFFFFFEC0  }
0x48: {  	[tilespmem:s7], [sflag:$0x1] =	stream.indirect.gather [hbm4b:s5+s6], $0x80, s2, s6, $0xb8;
	[tilespmem:$0xA180] =	vst v63  }
0x49: {  	_ =	swait.ge [sflag:s8], $0xA000  }
0x4a: {  	[sflag:s8] =	ssyncset.done $0x0  }
0x4b: {  	[sflag:s8] =	ssyncadd.s32 $0xFFFF6000  }
0x4c: {  	[hbm4b:s11+s2] =	stream.linear.scatter [tilespmem:s7], [sflag:$0x2], $0xA000, $0x38;
	[tilespmem:$0xA180] =	vst v63  }
0x4d: {  	_ =	swait.ge [sflag:s3], $0xA000  }
0x4e: {  	[sflag:s3] =	ssyncset.done $0x0  }
0x4f: {  	[sflag:s3] =	ssyncadd.s32 $0xFFFF6000  }
0x50: {  	[tilespmem:s2], [sflag:$0x2] =	stream.linear.gather [hbm4b:s12+s2], $0x140, $0x38;
	[tilespmem:$0xA180] =	vst v63  }
0x51: {  	_ =	swait.ge [sflag:s3], $0x140  }
0x52: {  	[sflag:s3] =	ssyncset.done $0x0  }
0x53: {  	[sflag:s3] =	ssyncadd.s32 $0xFFFFFEC0  }
0x54: {  	[tilespmem:s7], [sflag:$0x1] =	stream.indirect.gather [hbm4b:s5+s6], $0x80, s2, s6, $0xb8;
	[tilespmem:$0xA180] =	vst v63  }
0x55: {  	_ =	swait.ge [sflag:s8], $0xA000  }
0x56: {  	[sflag:s8] =	ssyncset.done $0x0  }
0x57: {  	[sflag:s8] =	ssyncadd.s32 $0xFFFF6000  }
0x58: {  	[hbm4b:s13+s2] =	stream.linear.scatter [tilespmem:s7], [sflag:$0x2], $0xA000, $0x38;
	[tilespmem:$0xA180] =	vst v63  }
0x59: {  	_ =	swait.ge [sflag:s3], $0xA000  }
0x5a: {  	[sflag:s3] =	ssyncset.done $0x0  }
0x5b: {  	[sflag:s3] =	ssyncadd.s32 $0xFFFF6000  }
0x5c: {  	[tilespmem:s2], [sflag:$0x2] =	stream.linear.gather [hbm4b:s14+s2], $0x140, $0x38;
	[tilespmem:$0xA180] =	vst v63  }
0x5d: {  	_ =	swait.ge [sflag:s3], $0x140  }
0x5e: {  	[sflag:s3] =	ssyncset.done $0x0  }
0x5f: {  	[sflag:s3] =	ssyncadd.s32 $0xFFFFFEC0  }
0x60: {  	[tilespmem:s7], [sflag:$0x1] =	stream.indirect.gather [hbm4b:s5+s6], $0x80, s2, s6, $0xb8;
	[tilespmem:$0xA180] =	vst v63  }
0x61: {  	_ =	swait.ge [sflag:s8], $0xA000  }
.Ltmp1:
0x62: {  	[sflag:s8] =	ssyncset.done $0x0;
	(pc) =	sbr.rel @p0 .LBB2_1-.Ltmp1, $4  }
0x63: {  	[sflag:s8] =	ssyncadd.s32 $0xFFFF6000  }
0x64: {  	[hbm4b:s15+s2] =	stream.linear.scatter [tilespmem:s7], [sflag:$0x2], $0xA000, $0x38;
	[tilespmem:$0xA180] =	vst v63  }
0x65: {  	_ =	swait.ge [sflag:s3], $0xA000  }
0x66: {  	[sflag:s3] =	ssyncset.done $0x0  }
.LBB2_2:
0x67: {  	[sflag:s3] =	ssyncadd.s32 $0xFFFF6000  }
0x68: {  	_ =	sfence.sel $0x180000  }
0x69: {  	[bflag:$0x0] =	sbarrier.arrive $0xFFFF  }
0x6a: {  	p0 =	sne.s32 s0, $0x0;
	_ =	strace $0x90000047  }
0x6b: {  	s0 =	sadd.s32 @!p0 $0x100000, s1;
	[bflag:$0x2] =	sbarrier.arrive $0xFFFF  }
0x6c: {  	[sflag:s0] =	ssyncadd.tile.s32 @!p0 $0x1;
	_ =	shalt  }
.Lfunc_end2:
_tile_overlayer_lowered:
.L_overlay_start_2:
0x6d: {  	(tag) =	ssettag $0x2  }
0x6e: {  	s0 =	rddreg [dreg:$0x0];
	s2 =	stileid.u32  }
0x6f: {  	s1 =	rddreg [dreg:$0x1];
	p0 =	sne.s32 s2, $0x0  }
0x70: {  	s3 =	rddreg [dreg:$0x2];
	[bflag:$0x3] =	sbarrier.arrive $0xFFFF;
	s2 =	simm.s32 @!p0 $0x1C02  }
0x71: {  	[timem:s3], [sflag:s2] =	dma.local @!p0 [hbm:s0], s1  }
0x72: {  	s0 =	simm.s32 @!p0 $0x2  }
0x73: {  	_ =	swait.ge @!p0 [sflag:s0], s1  }
0x74: {  	s1 =	ssub.s32 @!p0 $0x0, s1;
	[sflag:s0] =	ssyncset.done @!p0 $0x0  }
0x75: {  	[sflag:s0] =	ssyncadd.s32 @!p0 s1  }
0x76: {  	[bflag:$0x3] =	sbarrier.arrive $0xFFFF  }
0x77: {  	_ =	shalt  }

// kernel: kernel.15.cloned.1.call-start
scs
__scs_entry_jumppad:
0x0: {  	(pc) =	sbr.rel $0x88, $3  }
0x1: {  	(tag) =	ssettag $0x0;
	lr =	simm.s32 $0x1  }
0x2: {  	[smem:$0x3F9D] =	sst lr;
	_ =	strace $0xD0000000  }
0x3: {  	_ = 	snop  }
0x4: {  	_ = 	snop  }
0x5: {  	_ = 	snop  }
0x6: {  	_ = 	snop  }
0x7: {  	_ = 	snop  }
__scs_overlays_trampoline_lowered:
0x8: {  	[smem:$0x3FAC] =	sst s0  }
0x9: {  	[smem:$0x3FAD] =	sst s1  }
0xa: {  	[smem:$0x3FAE] =	sst s2  }
0xb: {  	[smem:$0x3FAF] =	sst s3  }
0xc: {  	[smem:$0x3FB0] =	sst s4  }
0xd: {  	[smem:$0x3FB1] =	sst s5  }
0xe: {  	[smem:$0x3FB2] =	sst s6  }
0xf: {  	[smem:$0x3FB3] =	sst s7  }
0x10: {  	[smem:$0x3FB4] =	sst s8  }
0x11: {  	[smem:$0x3FB5] =	sst s9;
	s0 =	simm.s32 @!p0 $0x0  }
0x12: {  	s1 =	sld [smem:$0x3F9B];
	s0 =	simm.s32 @p0 $0x1  }
0x13: {  	[smem:$0x3FB6] =	sst s0;
	s0 =	simm.s32 @!p1 $0x0  }
0x14: {  	s2 =	sld [smem:$0x3F9A];
	s0 =	simm.s32 @p1 $0x1  }
0x15: {  	[smem:$0x3FB7] =	sst s0;
	s0 =	simm.s32 @!p2 $0x0  }
0x16: {  	s3 =	sld [smem:$0x3FDB];
	s0 =	simm.s32 @p2 $0x1  }
0x17: {  	s4 =	simm.s32 $0x1BF5;
	[smem:$0x3FB9] =	sst s0  }
0x18: {  	s0 =	sld [smem:$0x3F9C];
	_ =	swait.ge [sflag:s4], $0x0  }
0x19: {  	s7 =	sld [smem:$0x3F9D]  }
0x1a: {  	s8 =	sadd.s32 $0xFFFFE003, lr  }
0x1b: {  	s9 =	sadd.s32 $0xFFFFFEF7, lr;
	s5 =	simm.s32 $0xFFFFFFFF;
	p2 =	slt.u32 s8, $0xFFFFF086  }
0x1c: {  	p1 =	slt.u32 s9, $0xF7A;
	s5 =	simm.s32 @!p2 $0x0  }
0x1d: {  	s5 =	simm.s32 @p1 $0x1;
	p0 =	seq.s32 s7, s2  }
0x1e: {  	s7 =	smul.u32 @!p0 $0xF7A, s2;
	p2 =	seq.s32 @!p0 s5, $0x0  }
0x1f: {  	s9 =	smul.u32 $0xF7A, s1;
	s8 =	simm.s32 @!p0 $0x1BF5;
	p2 =	por !p2, p0  }
0x20: {  	[sflag:s8] =	ssyncset.s32 @!p0 $0xFFFFF086;
	s6 =	sadd.s32 @!p0 s3, s7;
	s7 =	simm.s32 @!p0 $0x108  }
0x21: {  	s3 =	sadd.s32 s3, s9;
	s6 =	sadd.s32 @!p0 $0x88, s6;
	s7 =	simm.s32 @p2 $0x1082  }
0x22: {  	[simem:s7], [sflag:s8] =	dma.local @!p0 [hbm:s6], $0xF7A  }
0x23: {  	s9 =	sor.u32 $0xD0000000, s2;
	s6 =	simm.s32 $0x108;
	_ =	swait.ge @!p0 [sflag:s8], $0x0  }
0x24: {  	s3 =	sadd.s32 $0x88, s3;
	s6 =	simm.s32 @!p1 $0x1082;
	[sflag:s4] =	ssyncset.s32 $0xFFFFF086  }
0x25: {  	[simem:s6], [sflag:s4] =	dma.local [hbm:s3], $0xF7A  }
0x26: {  	[smem:$0x3F9D] =	sst s1;
	(tag) =	ssettag s2;
	_ =	strace s9  }
0x27: {  	s1 =	sld [smem:$0x3FAD]  }
0x28: {  	s2 =	sld [smem:$0x3FAE]  }
0x29: {  	s4 =	sld [smem:$0x3FB0]  }
0x2a: {  	p0 =	seq.s32 s5, $0x0;
	s5 =	sld [smem:$0x3FB1]  }
0x2b: {  	s6 =	sld [smem:$0x3FB2]  }
0x2c: {  	s7 =	sld [smem:$0x3FB3]  }
0x2d: {  	s3 =	simm.s32 $0x108;
	s8 =	sld [smem:$0x3FB4]  }
0x2e: {  	s3 =	simm.s32 @!p0 $0x1082;
	s9 =	sld [smem:$0x3FB5]  }
0x2f: {  	lr =	sadd.s32 s0, s3;
	s0 =	sld [smem:$0x3FAC]  }
0x30: {  	s3 =	sld [smem:$0x3FAF]  }
0x31: {  	[smem:$0x3FB8] =	sst s10  }
0x32: {  	s10 =	sld [smem:$0x3FB6];
	_ =	sdelay $0x3  }
0x33: {  	p0 =	seq.s32 s10, $0x1;
	s10 =	sld [smem:$0x3FB8];
	_ =	sdelay $0x3  }
0x34: {  	[smem:$0x3FB8] =	sst s10  }
0x35: {  	s10 =	sld [smem:$0x3FB7];
	_ =	sdelay $0x3  }
0x36: {  	p1 =	seq.s32 s10, $0x1;
	s10 =	sld [smem:$0x3FB8];
	_ =	sdelay $0x3  }
0x37: {  	[smem:$0x3FB8] =	sst s10  }
0x38: {  	s10 =	sld [smem:$0x3FB9]  }
0x39: {  	_ = 	snop;
	(pc) =	sbr.ind lr, $3  }
0x3a: {  	_ = 	snop  }
0x3b: {  	_ = 	snop  }
0x3c: {  	p2 =	seq.s32 s10, $0x1;
	s10 =	sld [smem:$0x3FB8]  }
0x3d: {  	_ =	shalt  }
0x3e: {  	_ =	shalt  }
0x3f: {  	_ =	shalt  }
0x40: {  	_ =	shalt  }
0x41: {  	_ =	shalt  }
0x42: {  	_ =	shalt  }
0x43: {  	_ =	shalt  }
0x44: {  	_ =	shalt  }
0x45: {  	_ =	shalt  }
0x46: {  	_ =	shalt  }
0x47: {  	_ =	shalt  }
0x48: {  	_ =	shalt  }
0x49: {  	_ =	shalt  }
0x4a: {  	_ =	shalt  }
0x4b: {  	_ =	shalt  }
0x4c: {  	_ =	shalt  }
0x4d: {  	_ =	shalt  }
0x4e: {  	_ =	shalt  }
0x4f: {  	_ =	shalt  }
0x50: {  	_ =	shalt  }
0x51: {  	_ =	shalt  }
0x52: {  	_ =	shalt  }
0x53: {  	_ =	shalt  }
0x54: {  	_ =	shalt  }
0x55: {  	_ =	shalt  }
0x56: {  	_ =	shalt  }
0x57: {  	_ =	shalt  }
0x58: {  	_ =	shalt  }
0x59: {  	_ =	shalt  }
0x5a: {  	_ =	shalt  }
0x5b: {  	_ =	shalt  }
0x5c: {  	_ =	shalt  }
0x5d: {  	_ =	shalt  }
0x5e: {  	_ =	shalt  }
0x5f: {  	_ =	shalt  }
0x60: {  	_ =	shalt  }
0x61: {  	_ =	shalt  }
0x62: {  	_ =	shalt  }
0x63: {  	_ =	shalt  }
0x64: {  	_ =	shalt  }
0x65: {  	_ =	shalt  }
0x66: {  	_ =	shalt  }
0x67: {  	_ =	shalt  }
0x68: {  	_ =	shalt  }
0x69: {  	_ =	shalt  }
0x6a: {  	_ =	shalt  }
0x6b: {  	_ =	shalt  }
0x6c: {  	_ =	shalt  }
0x6d: {  	_ =	shalt  }
0x6e: {  	_ =	shalt  }
0x6f: {  	_ =	shalt  }
0x70: {  	_ =	shalt  }
0x71: {  	_ =	shalt  }
0x72: {  	_ =	shalt  }
0x73: {  	_ =	shalt  }
0x74: {  	_ =	shalt  }
0x75: {  	_ =	shalt  }
0x76: {  	_ =	shalt  }
0x77: {  	_ =	shalt  }
0x78: {  	_ =	shalt  }
0x79: {  	_ =	shalt  }
0x7a: {  	_ =	shalt  }
0x7b: {  	_ =	shalt  }
0x7c: {  	_ =	shalt  }
0x7d: {  	_ =	shalt  }
0x7e: {  	_ =	shalt  }
0x7f: {  	_ =	shalt  }
0x80: {  	_ =	shalt  }
0x81: {  	_ =	shalt  }
0x82: {  	_ =	shalt  }
0x83: {  	_ =	shalt  }
0x84: {  	_ =	shalt  }
0x85: {  	_ =	shalt  }
0x86: {  	_ =	shalt  }
0x87: {  	_ =	shalt  }
.Lfunc_end0:
.L_simem_size_0:
called_computation.3_lowered:
.L_overlay_start_0:
0x88: {  	s2 =	sld [smem:$0x3FD9]  }
0x89: {  	s3 =	sld [smem:$0x3FFE];
	_ =	sdelay $0x1  }
0x8a: {  	s1 =	srdreg.scid  }
0x8b: {  	s0 =	sand.u32 $0x1, s1  }
0x8c: {  	s17 =	sshll.u32 s0, $0xA;
	s2 =	sadd.s32 s3, s2  }
0x8d: {  	s2 =	sadd.s32 s2, s17  }
0x8e: {  	[smem:$0x3FC4] =	sst s2  }
0x8f: {  	_ = 	snop  }
0x90: {  	(tm) =	ssettm $0x1  }
0x91: {  	s18 =	sld [smem:$0x3FFB];
	_ =	sdelay $0x3  }
0x92: {  	_ =	strace s18  }
0x93: {  	s2 =	sld [smem:$0x3FFC];
	_ =	sdelay $0x3  }
0x94: {  	_ =	strace s2  }
0x95: {  	s2 =	sld [smem:$0x3FFD];
	_ =	sdelay $0x3  }
0x96: {  	_ =	strace s2  }
0x97: {  	_ =	strace $0x8FFFFFFF  }
0x98: {  	s19 =	sld [smem:$0x3FDB];
	_ =	sdelay $0x1  }
0x99: {  	s20 =	simm.s32 $_scs_section_size  }
0x9a: {  	s4 =	simm.s32 $_size__tile_overlayer_lowered;
	s5 =	simm.s32 $_tile_overlayer_lowered  }
0x9b: {  	s6 =	simm.s32 $0x1BFF;
	s21 =	sshll.u32 s5, $0x1;
	s3 =	sadd.s32 s20, s19  }
0x9c: {  	s22 =	simm.s32 $0x0;
	s4 =	sshll.u32 s4, $0x1;
	s5 =	sadd.s32 s21, s3  }
0x9d: {  	[timem:s22], [sflag:s6] =	dma.local [hbm:s5], s4  }
0x9e: {  	_ =	swait.ge [sflag:s6], s4  }
0x9f: {  	s4 =	ssub.s32 $0x0, s4;
	[sflag:s6] =	ssyncset.done $0x0  }
0xa0: {  	[sflag:s6] =	ssyncadd.s32 s4;
	_ =	sdelay $0x1  }
0xa1: {  	s23 =	simm.s32 $0x1B8B  }
0xa2: {  	_ =	swait.ge [sflag:s23], $0x1  }
0xa3: {  	[sflag:s23] =	ssyncset.done $0x0  }
0xa4: {  	[sflag:s23] =	ssyncadd.s32 $0xFFFFFFFF  }
0xa5: {  	s4 =	sld [smem:$0x0]  }
0xa6: {  	s5 =	sand.u32 $0xFFFFFFFE, s1  }
0xa7: {  	p0 =	sne.s32 s1, s5  }
0xa8: {  	s5 =	sshll.u32 @p0 s5, $0xE  }
0xa9: {  	s5 =	sadd.s32 @p0 $0x11B8D, s5;
	s6 =	sshll.u32 @p0 s4, $0x11  }
0xaa: {  	s5 =	sor.u32 @p0 s6, s5  }
0xab: {  	[sflag:s5] =	ssyncadd.remote.s32 @p0 $0x1;
	_ =	sdelay $0x1  }
0xac: {  	s5 =	simm.s32 @p0 $0x1B8D  }
0xad: {  	_ =	swait.eq @p0 [sflag:s5], $0x1  }
0xae: {  	[sflag:s5] =	ssyncadd.s32 @p0 $0xFFFFFFFF  }
0xaf: {  	s6 =	sshll.u32 @!p0 s1, $0xE  }
0xb0: {  	s6 =	sor.u32 @!p0 $0x4000, s6;
	s5 =	simm.s32 @!p0 $0x1B8D  }
0xb1: {  	s4 =	sshll.u32 @!p0 s4, $0x11;
	s6 =	sadd.s32 @!p0 $0x11B8D, s6;
	_ =	swait.eq @!p0 [sflag:s5], $0x1  }
0xb2: {  	s4 =	sor.u32 @!p0 s4, s6;
	[sflag:s5] =	ssyncadd.s32 @!p0 $0xFFFFFFFF  }
0xb3: {  	s25 =	simm.s32 $0x1B8E;
	s24 =	sld [smem:$0x3FFE];
	[sflag:s4] =	ssyncadd.remote.s32 @!p0 $0x1  }
0xb4: {  	s26 =	simm.s32 $execute0_lowered;
	[smem:$0x3FD2] =	sst s25  }
0xb5: {  	s5 =	sshll.u32 s26, $0x1;
	_ =	strace $0x80000049;
	[dreg:$0x1] =	wrdreg $0xFFFFFFFF  }
0xb6: {  	s28 =	simm.s32 $_size_execute0_lowered;
	s3 =	sadd.s32 s3, s5;
	[dreg:$0x0] =	wrdreg $0x0  }
0xb7: {  	s5 =	sshll.u32 s28, $0x1;
	[dreg:$0x2] =	wrdreg s3  }
0xb8: {  	[dreg:$0x3] =	wrdreg s5  }
0xb9: {  	[dreg:$0x4] =	wrdreg $0xC0  }
0xba: {  	_ =	task [dreg:s22], $0x5FFFF  }
0xbb: {  	[dreg:$0x1] =	wrdreg $0xFFFFFFFF  }
0xbc: {  	[dreg:$0x0] =	wrdreg $0x60  }
0xbd: {  	[dreg:$0x2] =	wrdreg s24  }
0xbe: {  	[dreg:$0x3] =	wrdreg $0xA  }
0xbf: {  	_ =	task.clear_ibuf [dreg:s22], $0x4FFFF;
	_ =	strace $0x90000049  }
0xc0: {  	s29 =	simm.s32 $0xA;
	_ =	strace $0x8000004B  }
0xc1: {  	_ =	swait.ge [sflag:s29], $0x1  }
0xc2: {  	[sflag:s29] =	ssyncadd.s32 $0xFFFFFFFF  }
0xc3: {  	_ =	strace $0x9000004B  }
0xc4: {  	_ =	sfence  }
0xc5: {  	s30 =	sld [smem:$0x0];
	_ =	sdelay $0x2  }
0xc6: {  	s31 =	sshll.u32 s1, $0xD;
	s1 =	sshrl.u32 s1, $0x2  }
0xc7: {  	s4 =	sand.u32 $0x4000, s31;
	s1 =	sadd.s32 s1, s30  }
0xc8: {  	s0 =	sor.u32 s4, s0;
	s1 =	sshll.u32 s1, $0x11  }
0xc9: {  	s0 =	sor.u32 s1, s0  }
0xca: {  	s0 =	sadd.s32 $0x8F2B, s0  }
0xcb: {  	[sflag:s0] =	ssyncadd.remote.s32 $0x1  }
0xcc: {  	_ =	sfence.sel $0xFFFF  }
0xcd: {  	[dreg:$0x0] =	wrdreg $0xFFFFFFFF;
	(pc) =	sbr.abs _section_cstart, $3  }
0xce: {  	[dreg:$0x1] =	wrdreg $0xFFFFFFFF  }
0xcf: {  	_ =	task.clear_ibuf [dreg:s22], $0x2FFFF;
	_ =	strace $0x9FFFFFFF  }
0xd0: {  	(tm) =	ssettm $0x7FFFFFFF  }
0xd1: {  	_ =	shalt  }
tec
execute0_lowered:
.L_overlay_start_1:
0x0: {  	(tag) =	ssettag $0x1  }
0x1: {  	s1 =	srdreg.scid;
	s0 =	stileid.u32  }
0x2: {  	s15 =	sand.u32 $0x1, s1;
	s28 =	sshll.u32 s0, $0x1  }
0x3: {  	s9 =	sor.u32 s15, s28  }
0x4: {  	s10 =	rddreg [dreg:$0x0];
	s14 =	smul.u32 $0x500, s9  }
0x5: {  	s2 =	simm.s32 $0x0;
	s1 =	rddreg [dreg:$0x1]  }
0x6: {  	[smem:$0x7FF] =	sst s2;
	s16 =	sadd.s32 $0x6400, s10;
	s3 =	sshrl.u32 s14, $0x3  }
0x7: {  	_ =	strace $0x8000004A;
	s4 =	sadd.s32 s16, s3;
	s3 =	simm.s32 $0x2  }
0x8: {  	[tilespmem:s2], [sflag:$0x2] =	stream.linear.gather [hbm4b:s4+s2], $0x140, $0x38;
	[tilespmem:$0xA180] =	vst v63  }
0x9: {  	_ =	swait.ge [sflag:s3], $0x140  }
0xa: {  	s6 =	simm.s32 $0x140;
	s7 =	simm.s32 $0x180;
	[sflag:s3] =	ssyncset.done $0x0  }
0xb: {  	s8 =	simm.s32 $0x1;
	s5 =	sadd.s32 $0xB400, s10;
	[sflag:s3] =	ssyncadd.s32 $0xFFFFFEC0  }
0xc: {  	[tilespmem:s7], [sflag:$0x1] =	stream.indirect.gather [hbm4b:s5+s6], $0x80, s2, s6, $0xb8;
	[tilespmem:$0xA180] =	vst v63  }
0xd: {  	s9 =	smul.u32 $0x5000, s9;
	_ =	swait.ge [sflag:s8], $0xA000  }
0xe: {  	s17 =	sadd.s32 $0x231E00, s10;
	[sflag:s8] =	ssyncset.done $0x0  }
0xf: {  	s9 =	sadd.s32 s17, s9;
	[sflag:s8] =	ssyncadd.s32 $0xFFFF6000  }
0x10: {  	[hbm4b:s9+s2] =	stream.linear.scatter [tilespmem:s7], [sflag:$0x2], $0xA000, $0x38;
	[tilespmem:$0xA180] =	vst v63  }
0x11: {  	s11 =	sadd.s32 $0x140, s14;
	_ =	swait.ge [sflag:s3], $0xA000  }
0x12: {  	s29 =	sshrl.u32 s11, $0x3;
	[sflag:s3] =	ssyncset.done $0x0  }
0x13: {  	s10 =	sadd.s32 s16, s29;
	[sflag:s3] =	ssyncadd.s32 $0xFFFF6000  }
0x14: {  	[tilespmem:s2], [sflag:$0x2] =	stream.linear.gather [hbm4b:s10+s2], $0x140, $0x38;
	[tilespmem:$0xA180] =	vst v63  }
0x15: {  	_ =	swait.ge [sflag:s3], $0x140  }
0x16: {  	[sflag:s3] =	ssyncset.done $0x0  }
0x17: {  	[sflag:s3] =	ssyncadd.s32 $0xFFFFFEC0  }
0x18: {  	[tilespmem:s7], [sflag:$0x1] =	stream.indirect.gather [hbm4b:s5+s6], $0x80, s2, s6, $0xb8;
	[tilespmem:$0xA180] =	vst v63  }
0x19: {  	_ =	swait.ge [sflag:s8], $0xA000  }
0x1a: {  	s11 =	sshll.u32 s11, $0x4;
	[sflag:s8] =	ssyncset.done $0x0  }
0x1b: {  	s11 =	sadd.s32 s17, s11;
	[sflag:s8] =	ssyncadd.s32 $0xFFFF6000  }
0x1c: {  	[hbm4b:s11+s2] =	stream.linear.scatter [tilespmem:s7], [sflag:$0x2], $0xA000, $0x38;
	[tilespmem:$0xA180] =	vst v63  }
0x1d: {  	s13 =	sadd.s32 $0x280, s14;
	_ =	swait.ge [sflag:s3], $0xA000  }
0x1e: {  	s12 =	sshrl.u32 s13, $0x3;
	[sflag:s3] =	ssyncset.done $0x0  }
0x1f: {  	s12 =	sadd.s32 s16, s12;
	[sflag:s3] =	ssyncadd.s32 $0xFFFF6000  }
0x20: {  	[tilespmem:s2], [sflag:$0x2] =	stream.linear.gather [hbm4b:s12+s2], $0x140, $0x38;
	[tilespmem:$0xA180] =	vst v63  }
0x21: {  	_ =	swait.ge [sflag:s3], $0x140  }
0x22: {  	[sflag:s3] =	ssyncset.done $0x0  }
0x23: {  	[sflag:s3] =	ssyncadd.s32 $0xFFFFFEC0  }
0x24: {  	[tilespmem:s7], [sflag:$0x1] =	stream.indirect.gather [hbm4b:s5+s6], $0x80, s2, s6, $0xb8;
	[tilespmem:$0xA180] =	vst v63  }
0x25: {  	_ =	swait.ge [sflag:s8], $0xA000  }
0x26: {  	s13 =	sshll.u32 s13, $0x4;
	[sflag:s8] =	ssyncset.done $0x0  }
0x27: {  	s13 =	sadd.s32 s17, s13;
	[sflag:s8] =	ssyncadd.s32 $0xFFFF6000  }
0x28: {  	[hbm4b:s13+s2] =	stream.linear.scatter [tilespmem:s7], [sflag:$0x2], $0xA000, $0x38;
	[tilespmem:$0xA180] =	vst v63  }
0x29: {  	s18 =	sadd.s32 $0x3C0, s14;
	_ =	swait.ge [sflag:s3], $0xA000  }
0x2a: {  	s14 =	sshrl.u32 s18, $0x3;
	[sflag:s3] =	ssyncset.done $0x0  }
0x2b: {  	s15 =	ssub.s32 $0x2, s15;
	s14 =	sadd.s32 s16, s14;
	[sflag:s3] =	ssyncadd.s32 $0xFFFF6000  }
0x2c: {  	[tilespmem:s2], [sflag:$0x2] =	stream.linear.gather [hbm4b:s14+s2], $0x140, $0x38;
	[tilespmem:$0xA180] =	vst v63  }
0x2d: {  	s30 =	sshrl.u32 s15, $0x1;
	_ =	swait.ge [sflag:s3], $0x140  }
0x2e: {  	s16 =	ssub.s32 s15, s30;
	[sflag:s3] =	ssyncset.done $0x0  }
0x2f: {  	s16 =	smax.u32 s16, $0x1;
	[sflag:s3] =	ssyncadd.s32 $0xFFFFFEC0  }
0x30: {  	[tilespmem:s7], [sflag:$0x1] =	stream.indirect.gather [hbm4b:s5+s6], $0x80, s2, s6, $0xb8;
	[tilespmem:$0xA180] =	vst v63  }
0x31: {  	p0 =	sne.s32 s16, $0x1;
	_ =	swait.ge [sflag:s8], $0xA000  }
.Ltmp0:
0x32: {  	s31 =	sshll.u32 s18, $0x4;
	[sflag:s8] =	ssyncset.done $0x0;
	(pc) =	sbr.rel @!p0 .LBB2_2-.Ltmp0, $4  }
0x33: {  	s15 =	sadd.s32 s17, s31;
	[sflag:s8] =	ssyncadd.s32 $0xFFFF6000  }
0x34: {  	[hbm4b:s15+s2] =	stream.linear.scatter [tilespmem:s7], [sflag:$0x2], $0xA000, $0x38;
	[tilespmem:$0xA180] =	vst v63  }
0x35: {  	_ =	swait.ge [sflag:s3], $0xA000  }
0x36: {  	s16 =	sadd.s32 $0xFFFFFFFF, s16;
	[sflag:s3] =	ssyncset.done $0x0  }
.LBB2_1:
0x37: {  	p0 =	sne.s32 s16, $0x1;
	s16 =	sadd.s32 $0xFFFFFFFF, s16;
	[sflag:s3] =	ssyncadd.s32 $0xFFFF6000  }
0x38: {  	[tilespmem:s2], [sflag:$0x2] =	stream.linear.gather [hbm4b:s4+s2], $0x140, $0x38;
	[tilespmem:$0xA180] =	vst v63  }
0x39: {  	_ =	swait.ge [sflag:s3], $0x140  }
0x3a: {  	[sflag:s3] =	ssyncset.done $0x0  }
0x3b: {  	[sflag:s3] =	ssyncadd.s32 $0xFFFFFEC0  }
0x3c: {  	[tilespmem:s7], [sflag:$0x1] =	stream.indirect.gather [hbm4b:s5+s6], $0x80, s2, s6, $0xb8;
	[tilespmem:$0xA180] =	vst v63  }
0x3d: {  	_ =	swait.ge [sflag:s8], $0xA000  }
0x3e: {  	[sflag:s8] =	ssyncset.done $0x0  }
0x3f: {  	[sflag:s8] =	ssyncadd.s32 $0xFFFF6000  }
0x40: {  	[hbm4b:s9+s2] =	stream.linear.scatter [tilespmem:s7], [sflag:$0x2], $0xA000, $0x38;
	[tilespmem:$0xA180] =	vst v63  }
0x41: {  	_ =	swait.ge [sflag:s3], $0xA000  }
0x42: {  	[sflag:s3] =	ssyncset.done $0x0  }
0x43: {  	[sflag:s3] =	ssyncadd.s32 $0xFFFF6000  }
0x44: {  	[tilespmem:s2], [sflag:$0x2] =	stream.linear.gather [hbm4b:s10+s2], $0x140, $0x38;
	[tilespmem:$0xA180] =	vst v63  }
0x45: {  	_ =	swait.ge [sflag:s3], $0x140  }
0x46: {  	[sflag:s3] =	ssyncset.done $0x0  }
0x47: {  	[sflag:s3] =	ssyncadd.s32 $0xFFFFFEC0  }
0x48: {  	[tilespmem:s7], [sflag:$0x1] =	stream.indirect.gather [hbm4b:s5+s6], $0x80, s2, s6, $0xb8;
	[tilespmem:$0xA180] =	vst v63  }
0x49: {  	_ =	swait.ge [sflag:s8], $0xA000  }
0x4a: {  	[sflag:s8] =	ssyncset.done $0x0  }
0x4b: {  	[sflag:s8] =	ssyncadd.s32 $0xFFFF6000  }
0x4c: {  	[hbm4b:s11+s2] =	stream.linear.scatter [tilespmem:s7], [sflag:$0x2], $0xA000, $0x38;
	[tilespmem:$0xA180] =	vst v63  }
0x4d: {  	_ =	swait.ge [sflag:s3], $0xA000  }
0x4e: {  	[sflag:s3] =	ssyncset.done $0x0  }
0x4f: {  	[sflag:s3] =	ssyncadd.s32 $0xFFFF6000  }
0x50: {  	[tilespmem:s2], [sflag:$0x2] =	stream.linear.gather [hbm4b:s12+s2], $0x140, $0x38;
	[tilespmem:$0xA180] =	vst v63  }
0x51: {  	_ =	swait.ge [sflag:s3], $0x140  }
0x52: {  	[sflag:s3] =	ssyncset.done $0x0  }
0x53: {  	[sflag:s3] =	ssyncadd.s32 $0xFFFFFEC0  }
0x54: {  	[tilespmem:s7], [sflag:$0x1] =	stream.indirect.gather [hbm4b:s5+s6], $0x80, s2, s6, $0xb8;
	[tilespmem:$0xA180] =	vst v63  }
0x55: {  	_ =	swait.ge [sflag:s8], $0xA000  }
0x56: {  	[sflag:s8] =	ssyncset.done $0x0  }
0x57: {  	[sflag:s8] =	ssyncadd.s32 $0xFFFF6000  }
0x58: {  	[hbm4b:s13+s2] =	stream.linear.scatter [tilespmem:s7], [sflag:$0x2], $0xA000, $0x38;
	[tilespmem:$0xA180] =	vst v63  }
0x59: {  	_ =	swait.ge [sflag:s3], $0xA000  }
0x5a: {  	[sflag:s3] =	ssyncset.done $0x0  }
0x5b: {  	[sflag:s3] =	ssyncadd.s32 $0xFFFF6000  }
0x5c: {  	[tilespmem:s2], [sflag:$0x2] =	stream.linear.gather [hbm4b:s14+s2], $0x140, $0x38;
	[tilespmem:$0xA180] =	vst v63  }
0x5d: {  	_ =	swait.ge [sflag:s3], $0x140  }
0x5e: {  	[sflag:s3] =	ssyncset.done $0x0  }
0x5f: {  	[sflag:s3] =	ssyncadd.s32 $0xFFFFFEC0  }
0x60: {  	[tilespmem:s7], [sflag:$0x1] =	stream.indirect.gather [hbm4b:s5+s6], $0x80, s2, s6, $0xb8;
	[tilespmem:$0xA180] =	vst v63  }
0x61: {  	_ =	swait.ge [sflag:s8], $0xA000  }
.Ltmp1:
0x62: {  	[sflag:s8] =	ssyncset.done $0x0;
	(pc) =	sbr.rel @p0 .LBB2_1-.Ltmp1, $4  }
0x63: {  	[sflag:s8] =	ssyncadd.s32 $0xFFFF6000  }
0x64: {  	[hbm4b:s15+s2] =	stream.linear.scatter [tilespmem:s7], [sflag:$0x2], $0xA000, $0x38;
	[tilespmem:$0xA180] =	vst v63  }
0x65: {  	_ =	swait.ge [sflag:s3], $0xA000  }
0x66: {  	[sflag:s3] =	ssyncset.done $0x0  }
.LBB2_2:
0x67: {  	[sflag:s3] =	ssyncadd.s32 $0xFFFF6000  }
0x68: {  	_ =	sfence.sel $0x180000  }
0x69: {  	[bflag:$0x0] =	sbarrier.arrive $0xFFFF  }
0x6a: {  	p0 =	sne.s32 s0, $0x0;
	_ =	strace $0x9000004A  }
0x6b: {  	s0 =	sadd.s32 @!p0 $0x100000, s1;
	[bflag:$0x2] =	sbarrier.arrive $0xFFFF  }
0x6c: {  	[sflag:s0] =	ssyncadd.tile.s32 @!p0 $0x1;
	_ =	shalt  }
.Lfunc_end2:
_tile_overlayer_lowered:
.L_overlay_start_2:
0x6d: {  	(tag) =	ssettag $0x2  }
0x6e: {  	s0 =	rddreg [dreg:$0x0];
	s2 =	stileid.u32  }
0x6f: {  	s1 =	rddreg [dreg:$0x1];
	p0 =	sne.s32 s2, $0x0  }
0x70: {  	s3 =	rddreg [dreg:$0x2];
	[bflag:$0x3] =	sbarrier.arrive $0xFFFF;
	s2 =	simm.s32 @!p0 $0x1C02  }
0x71: {  	[timem:s3], [sflag:s2] =	dma.local @!p0 [hbm:s0], s1  }
0x72: {  	s0 =	simm.s32 @!p0 $0x2  }
0x73: {  	_ =	swait.ge @!p0 [sflag:s0], s1  }
0x74: {  	s1 =	ssub.s32 @!p0 $0x0, s1;
	[sflag:s0] =	ssyncset.done @!p0 $0x0  }
0x75: {  	[sflag:s0] =	ssyncadd.s32 @!p0 s1  }
0x76: {  	[bflag:$0x3] =	sbarrier.arrive $0xFFFF  }
0x77: {  	_ =	shalt  }

// kernel: kernel.18.cloned.1.call-start
scs
__scs_entry_jumppad:
0x0: {  	(pc) =	sbr.rel $0x88, $3  }
0x1: {  	(tag) =	ssettag $0x0;
	lr =	simm.s32 $0x1  }
0x2: {  	[smem:$0x3F9D] =	sst lr;
	_ =	strace $0xD0000000  }
0x3: {  	_ = 	snop  }
0x4: {  	_ = 	snop  }
0x5: {  	_ = 	snop  }
0x6: {  	_ = 	snop  }
0x7: {  	_ = 	snop  }
__scs_overlays_trampoline_lowered:
0x8: {  	[smem:$0x3FAC] =	sst s0  }
0x9: {  	[smem:$0x3FAD] =	sst s1  }
0xa: {  	[smem:$0x3FAE] =	sst s2  }
0xb: {  	[smem:$0x3FAF] =	sst s3  }
0xc: {  	[smem:$0x3FB0] =	sst s4  }
0xd: {  	[smem:$0x3FB1] =	sst s5  }
0xe: {  	[smem:$0x3FB2] =	sst s6  }
0xf: {  	[smem:$0x3FB3] =	sst s7  }
0x10: {  	[smem:$0x3FB4] =	sst s8  }
0x11: {  	[smem:$0x3FB5] =	sst s9;
	s0 =	simm.s32 @!p0 $0x0  }
0x12: {  	s1 =	sld [smem:$0x3F9B];
	s0 =	simm.s32 @p0 $0x1  }
0x13: {  	[smem:$0x3FB6] =	sst s0;
	s0 =	simm.s32 @!p1 $0x0  }
0x14: {  	s2 =	sld [smem:$0x3F9A];
	s0 =	simm.s32 @p1 $0x1  }
0x15: {  	[smem:$0x3FB7] =	sst s0;
	s0 =	simm.s32 @!p2 $0x0  }
0x16: {  	s3 =	sld [smem:$0x3FDB];
	s0 =	simm.s32 @p2 $0x1  }
0x17: {  	s4 =	simm.s32 $0x1BF5;
	[smem:$0x3FB9] =	sst s0  }
0x18: {  	s0 =	sld [smem:$0x3F9C];
	_ =	swait.ge [sflag:s4], $0x0  }
0x19: {  	s7 =	sld [smem:$0x3F9D]  }
0x1a: {  	s8 =	sadd.s32 $0xFFFFE003, lr  }
0x1b: {  	s9 =	sadd.s32 $0xFFFFFEF7, lr;
	s5 =	simm.s32 $0xFFFFFFFF;
	p2 =	slt.u32 s8, $0xFFFFF086  }
0x1c: {  	p1 =	slt.u32 s9, $0xF7A;
	s5 =	simm.s32 @!p2 $0x0  }
0x1d: {  	s5 =	simm.s32 @p1 $0x1;
	p0 =	seq.s32 s7, s2  }
0x1e: {  	s7 =	smul.u32 @!p0 $0xF7A, s2;
	p2 =	seq.s32 @!p0 s5, $0x0  }
0x1f: {  	s9 =	smul.u32 $0xF7A, s1;
	s8 =	simm.s32 @!p0 $0x1BF5;
	p2 =	por !p2, p0  }
0x20: {  	[sflag:s8] =	ssyncset.s32 @!p0 $0xFFFFF086;
	s6 =	sadd.s32 @!p0 s3, s7;
	s7 =	simm.s32 @!p0 $0x108  }
0x21: {  	s3 =	sadd.s32 s3, s9;
	s6 =	sadd.s32 @!p0 $0x88, s6;
	s7 =	simm.s32 @p2 $0x1082  }
0x22: {  	[simem:s7], [sflag:s8] =	dma.local @!p0 [hbm:s6], $0xF7A  }
0x23: {  	s9 =	sor.u32 $0xD0000000, s2;
	s6 =	simm.s32 $0x108;
	_ =	swait.ge @!p0 [sflag:s8], $0x0  }
0x24: {  	s3 =	sadd.s32 $0x88, s3;
	s6 =	simm.s32 @!p1 $0x1082;
	[sflag:s4] =	ssyncset.s32 $0xFFFFF086  }
0x25: {  	[simem:s6], [sflag:s4] =	dma.local [hbm:s3], $0xF7A  }
0x26: {  	[smem:$0x3F9D] =	sst s1;
	(tag) =	ssettag s2;
	_ =	strace s9  }
0x27: {  	s1 =	sld [smem:$0x3FAD]  }
0x28: {  	s2 =	sld [smem:$0x3FAE]  }
0x29: {  	s4 =	sld [smem:$0x3FB0]  }
0x2a: {  	p0 =	seq.s32 s5, $0x0;
	s5 =	sld [smem:$0x3FB1]  }
0x2b: {  	s6 =	sld [smem:$0x3FB2]  }
0x2c: {  	s7 =	sld [smem:$0x3FB3]  }
0x2d: {  	s3 =	simm.s32 $0x108;
	s8 =	sld [smem:$0x3FB4]  }
0x2e: {  	s3 =	simm.s32 @!p0 $0x1082;
	s9 =	sld [smem:$0x3FB5]  }
0x2f: {  	lr =	sadd.s32 s0, s3;
	s0 =	sld [smem:$0x3FAC]  }
0x30: {  	s3 =	sld [smem:$0x3FAF]  }
0x31: {  	[smem:$0x3FB8] =	sst s10  }
0x32: {  	s10 =	sld [smem:$0x3FB6];
	_ =	sdelay $0x3  }
0x33: {  	p0 =	seq.s32 s10, $0x1;
	s10 =	sld [smem:$0x3FB8];
	_ =	sdelay $0x3  }
0x34: {  	[smem:$0x3FB8] =	sst s10  }
0x35: {  	s10 =	sld [smem:$0x3FB7];
	_ =	sdelay $0x3  }
0x36: {  	p1 =	seq.s32 s10, $0x1;
	s10 =	sld [smem:$0x3FB8];
	_ =	sdelay $0x3  }
0x37: {  	[smem:$0x3FB8] =	sst s10  }
0x38: {  	s10 =	sld [smem:$0x3FB9]  }
0x39: {  	_ = 	snop;
	(pc) =	sbr.ind lr, $3  }
0x3a: {  	_ = 	snop  }
0x3b: {  	_ = 	snop  }
0x3c: {  	p2 =	seq.s32 s10, $0x1;
	s10 =	sld [smem:$0x3FB8]  }
0x3d: {  	_ =	shalt  }
0x3e: {  	_ =	shalt  }
0x3f: {  	_ =	shalt  }
0x40: {  	_ =	shalt  }
0x41: {  	_ =	shalt  }
0x42: {  	_ =	shalt  }
0x43: {  	_ =	shalt  }
0x44: {  	_ =	shalt  }
0x45: {  	_ =	shalt  }
0x46: {  	_ =	shalt  }
0x47: {  	_ =	shalt  }
0x48: {  	_ =	shalt  }
0x49: {  	_ =	shalt  }
0x4a: {  	_ =	shalt  }
0x4b: {  	_ =	shalt  }
0x4c: {  	_ =	shalt  }
0x4d: {  	_ =	shalt  }
0x4e: {  	_ =	shalt  }
0x4f: {  	_ =	shalt  }
0x50: {  	_ =	shalt  }
0x51: {  	_ =	shalt  }
0x52: {  	_ =	shalt  }
0x53: {  	_ =	shalt  }
0x54: {  	_ =	shalt  }
0x55: {  	_ =	shalt  }
0x56: {  	_ =	shalt  }
0x57: {  	_ =	shalt  }
0x58: {  	_ =	shalt  }
0x59: {  	_ =	shalt  }
0x5a: {  	_ =	shalt  }
0x5b: {  	_ =	shalt  }
0x5c: {  	_ =	shalt  }
0x5d: {  	_ =	shalt  }
0x5e: {  	_ =	shalt  }
0x5f: {  	_ =	shalt  }
0x60: {  	_ =	shalt  }
0x61: {  	_ =	shalt  }
0x62: {  	_ =	shalt  }
0x63: {  	_ =	shalt  }
0x64: {  	_ =	shalt  }
0x65: {  	_ =	shalt  }
0x66: {  	_ =	shalt  }
0x67: {  	_ =	shalt  }
0x68: {  	_ =	shalt  }
0x69: {  	_ =	shalt  }
0x6a: {  	_ =	shalt  }
0x6b: {  	_ =	shalt  }
0x6c: {  	_ =	shalt  }
0x6d: {  	_ =	shalt  }
0x6e: {  	_ =	shalt  }
0x6f: {  	_ =	shalt  }
0x70: {  	_ =	shalt  }
0x71: {  	_ =	shalt  }
0x72: {  	_ =	shalt  }
0x73: {  	_ =	shalt  }
0x74: {  	_ =	shalt  }
0x75: {  	_ =	shalt  }
0x76: {  	_ =	shalt  }
0x77: {  	_ =	shalt  }
0x78: {  	_ =	shalt  }
0x79: {  	_ =	shalt  }
0x7a: {  	_ =	shalt  }
0x7b: {  	_ =	shalt  }
0x7c: {  	_ =	shalt  }
0x7d: {  	_ =	shalt  }
0x7e: {  	_ =	shalt  }
0x7f: {  	_ =	shalt  }
0x80: {  	_ =	shalt  }
0x81: {  	_ =	shalt  }
0x82: {  	_ =	shalt  }
0x83: {  	_ =	shalt  }
0x84: {  	_ =	shalt  }
0x85: {  	_ =	shalt  }
0x86: {  	_ =	shalt  }
0x87: {  	_ =	shalt  }
.Lfunc_end0:
.L_simem_size_0:
called_computation.4_lowered:
.L_overlay_start_0:
0x88: {  	s2 =	sld [smem:$0x3FD9]  }
0x89: {  	s3 =	sld [smem:$0x3FFE];
	_ =	sdelay $0x1  }
0x8a: {  	s1 =	srdreg.scid  }
0x8b: {  	s0 =	sand.u32 $0x1, s1  }
0x8c: {  	s17 =	sshll.u32 s0, $0xA;
	s2 =	sadd.s32 s3, s2  }
0x8d: {  	s2 =	sadd.s32 s2, s17  }
0x8e: {  	[smem:$0x3FC4] =	sst s2  }
0x8f: {  	_ = 	snop  }
0x90: {  	(tm) =	ssettm $0x1  }
0x91: {  	s18 =	sld [smem:$0x3FFB];
	_ =	sdelay $0x3  }
0x92: {  	_ =	strace s18  }
0x93: {  	s2 =	sld [smem:$0x3FFC];
	_ =	sdelay $0x3  }
0x94: {  	_ =	strace s2  }
0x95: {  	s2 =	sld [smem:$0x3FFD];
	_ =	sdelay $0x3  }
0x96: {  	_ =	strace s2  }
0x97: {  	_ =	strace $0x8FFFFFFF  }
0x98: {  	s19 =	sld [smem:$0x3FDB];
	_ =	sdelay $0x1  }
0x99: {  	s20 =	simm.s32 $_scs_section_size  }
0x9a: {  	s4 =	simm.s32 $_size__tile_overlayer_lowered;
	s5 =	simm.s32 $_tile_overlayer_lowered  }
0x9b: {  	s6 =	simm.s32 $0x1BFF;
	s21 =	sshll.u32 s5, $0x1;
	s3 =	sadd.s32 s20, s19  }
0x9c: {  	s22 =	simm.s32 $0x0;
	s4 =	sshll.u32 s4, $0x1;
	s5 =	sadd.s32 s21, s3  }
0x9d: {  	[timem:s22], [sflag:s6] =	dma.local [hbm:s5], s4  }
0x9e: {  	_ =	swait.ge [sflag:s6], s4  }
0x9f: {  	s4 =	ssub.s32 $0x0, s4;
	[sflag:s6] =	ssyncset.done $0x0  }
0xa0: {  	[sflag:s6] =	ssyncadd.s32 s4;
	_ =	sdelay $0x1  }
0xa1: {  	s23 =	simm.s32 $0x1B8B  }
0xa2: {  	_ =	swait.ge [sflag:s23], $0x1  }
0xa3: {  	[sflag:s23] =	ssyncset.done $0x0  }
0xa4: {  	[sflag:s23] =	ssyncadd.s32 $0xFFFFFFFF  }
0xa5: {  	s4 =	sld [smem:$0x0]  }
0xa6: {  	s5 =	sand.u32 $0xFFFFFFFE, s1  }
0xa7: {  	p0 =	sne.s32 s1, s5  }
0xa8: {  	s5 =	sshll.u32 @p0 s5, $0xE  }
0xa9: {  	s5 =	sadd.s32 @p0 $0x11B8D, s5;
	s6 =	sshll.u32 @p0 s4, $0x11  }
0xaa: {  	s5 =	sor.u32 @p0 s6, s5  }
0xab: {  	[sflag:s5] =	ssyncadd.remote.s32 @p0 $0x1;
	_ =	sdelay $0x1  }
0xac: {  	s5 =	simm.s32 @p0 $0x1B8D  }
0xad: {  	_ =	swait.eq @p0 [sflag:s5], $0x1  }
0xae: {  	[sflag:s5] =	ssyncadd.s32 @p0 $0xFFFFFFFF  }
0xaf: {  	s6 =	sshll.u32 @!p0 s1, $0xE  }
0xb0: {  	s6 =	sor.u32 @!p0 $0x4000, s6;
	s5 =	simm.s32 @!p0 $0x1B8D  }
0xb1: {  	s4 =	sshll.u32 @!p0 s4, $0x11;
	s6 =	sadd.s32 @!p0 $0x11B8D, s6;
	_ =	swait.eq @!p0 [sflag:s5], $0x1  }
0xb2: {  	s4 =	sor.u32 @!p0 s4, s6;
	[sflag:s5] =	ssyncadd.s32 @!p0 $0xFFFFFFFF  }
0xb3: {  	s25 =	simm.s32 $0x1B8E;
	s24 =	sld [smem:$0x3FFE];
	[sflag:s4] =	ssyncadd.remote.s32 @!p0 $0x1  }
0xb4: {  	s26 =	simm.s32 $execute0_lowered;
	[smem:$0x3FD2] =	sst s25  }
0xb5: {  	s5 =	sshll.u32 s26, $0x1;
	_ =	strace $0x8000004C;
	[dreg:$0x1] =	wrdreg $0xFFFFFFFF  }
0xb6: {  	s28 =	simm.s32 $_size_execute0_lowered;
	s3 =	sadd.s32 s3, s5;
	[dreg:$0x0] =	wrdreg $0x0  }
0xb7: {  	s5 =	sshll.u32 s28, $0x1;
	[dreg:$0x2] =	wrdreg s3  }
0xb8: {  	[dreg:$0x3] =	wrdreg s5  }
0xb9: {  	[dreg:$0x4] =	wrdreg $0xC0  }
0xba: {  	_ =	task [dreg:s22], $0x5FFFF  }
0xbb: {  	[dreg:$0x1] =	wrdreg $0xFFFFFFFF  }
0xbc: {  	[dreg:$0x0] =	wrdreg $0x60  }
0xbd: {  	[dreg:$0x2] =	wrdreg s24  }
0xbe: {  	[dreg:$0x3] =	wrdreg $0xB  }
0xbf: {  	_ =	task.clear_ibuf [dreg:s22], $0x4FFFF;
	_ =	strace $0x9000004C  }
0xc0: {  	s29 =	simm.s32 $0xB;
	_ =	strace $0x8000004E  }
0xc1: {  	_ =	swait.ge [sflag:s29], $0x1  }
0xc2: {  	[sflag:s29] =	ssyncadd.s32 $0xFFFFFFFF  }
0xc3: {  	_ =	strace $0x9000004E  }
0xc4: {  	_ =	sfence  }
0xc5: {  	s30 =	sld [smem:$0x0];
	_ =	sdelay $0x2  }
0xc6: {  	s31 =	sshll.u32 s1, $0xD;
	s1 =	sshrl.u32 s1, $0x2  }
0xc7: {  	s4 =	sand.u32 $0x4000, s31;
	s1 =	sadd.s32 s1, s30  }
0xc8: {  	s0 =	sor.u32 s4, s0;
	s1 =	sshll.u32 s1, $0x11  }
0xc9: {  	s0 =	sor.u32 s1, s0  }
0xca: {  	s0 =	sadd.s32 $0x8F2B, s0  }
0xcb: {  	[sflag:s0] =	ssyncadd.remote.s32 $0x1  }
0xcc: {  	_ =	sfence.sel $0xFFFF  }
0xcd: {  	[dreg:$0x0] =	wrdreg $0xFFFFFFFF;
	(pc) =	sbr.abs _section_cstart, $3  }
0xce: {  	[dreg:$0x1] =	wrdreg $0xFFFFFFFF  }
0xcf: {  	_ =	task.clear_ibuf [dreg:s22], $0x2FFFF;
	_ =	strace $0x9FFFFFFF  }
0xd0: {  	(tm) =	ssettm $0x7FFFFFFF  }
0xd1: {  	_ =	shalt  }
tec
execute0_lowered:
.L_overlay_start_1:
0x0: {  	(tag) =	ssettag $0x1  }
0x1: {  	s1 =	srdreg.scid;
	s0 =	stileid.u32  }
0x2: {  	s15 =	sand.u32 $0x1, s1;
	s28 =	sshll.u32 s0, $0x1  }
0x3: {  	s9 =	sor.u32 s15, s28  }
0x4: {  	s10 =	rddreg [dreg:$0x0];
	s14 =	smul.u32 $0x500, s9  }
0x5: {  	s2 =	simm.s32 $0x0;
	s1 =	rddreg [dreg:$0x1]  }
0x6: {  	[smem:$0x7FF] =	sst s2;
	s16 =	sadd.s32 $0x7800, s10;
	s3 =	sshrl.u32 s14, $0x3  }
0x7: {  	_ =	strace $0x8000004D;
	s4 =	sadd.s32 s16, s3;
	s3 =	simm.s32 $0x2  }
0x8: {  	[tilespmem:s2], [sflag:$0x2] =	stream.linear.gather [hbm4b:s4+s2], $0x140, $0x38;
	[tilespmem:$0xA180] =	vst v63  }
0x9: {  	_ =	swait.ge [sflag:s3], $0x140  }
0xa: {  	s6 =	simm.s32 $0x140;
	s7 =	simm.s32 $0x180;
	[sflag:s3] =	ssyncset.done $0x0  }
0xb: {  	s8 =	simm.s32 $0x1;
	s5 =	sadd.s32 $0xB400, s10;
	[sflag:s3] =	ssyncadd.s32 $0xFFFFFEC0  }
0xc: {  	[tilespmem:s7], [sflag:$0x1] =	stream.indirect.gather [hbm4b:s5+s6], $0x80, s2, s6, $0xb8;
	[tilespmem:$0xA180] =	vst v63  }
0xd: {  	s9 =	smul.u32 $0x5000, s9;
	_ =	swait.ge [sflag:s8], $0xA000  }
0xe: {  	s17 =	sadd.s32 $0x2D1E00, s10;
	[sflag:s8] =	ssyncset.done $0x0  }
0xf: {  	s9 =	sadd.s32 s17, s9;
	[sflag:s8] =	ssyncadd.s32 $0xFFFF6000  }
0x10: {  	[hbm4b:s9+s2] =	stream.linear.scatter [tilespmem:s7], [sflag:$0x2], $0xA000, $0x38;
	[tilespmem:$0xA180] =	vst v63  }
0x11: {  	s11 =	sadd.s32 $0x140, s14;
	_ =	swait.ge [sflag:s3], $0xA000  }
0x12: {  	s29 =	sshrl.u32 s11, $0x3;
	[sflag:s3] =	ssyncset.done $0x0  }
0x13: {  	s10 =	sadd.s32 s16, s29;
	[sflag:s3] =	ssyncadd.s32 $0xFFFF6000  }
0x14: {  	[tilespmem:s2], [sflag:$0x2] =	stream.linear.gather [hbm4b:s10+s2], $0x140, $0x38;
	[tilespmem:$0xA180] =	vst v63  }
0x15: {  	_ =	swait.ge [sflag:s3], $0x140  }
0x16: {  	[sflag:s3] =	ssyncset.done $0x0  }
0x17: {  	[sflag:s3] =	ssyncadd.s32 $0xFFFFFEC0  }
0x18: {  	[tilespmem:s7], [sflag:$0x1] =	stream.indirect.gather [hbm4b:s5+s6], $0x80, s2, s6, $0xb8;
	[tilespmem:$0xA180] =	vst v63  }
0x19: {  	_ =	swait.ge [sflag:s8], $0xA000  }
0x1a: {  	s11 =	sshll.u32 s11, $0x4;
	[sflag:s8] =	ssyncset.done $0x0  }
0x1b: {  	s11 =	sadd.s32 s17, s11;
	[sflag:s8] =	ssyncadd.s32 $0xFFFF6000  }
0x1c: {  	[hbm4b:s11+s2] =	stream.linear.scatter [tilespmem:s7], [sflag:$0x2], $0xA000, $0x38;
	[tilespmem:$0xA180] =	vst v63  }
0x1d: {  	s13 =	sadd.s32 $0x280, s14;
	_ =	swait.ge [sflag:s3], $0xA000  }
0x1e: {  	s12 =	sshrl.u32 s13, $0x3;
	[sflag:s3] =	ssyncset.done $0x0  }
0x1f: {  	s12 =	sadd.s32 s16, s12;
	[sflag:s3] =	ssyncadd.s32 $0xFFFF6000  }
0x20: {  	[tilespmem:s2], [sflag:$0x2] =	stream.linear.gather [hbm4b:s12+s2], $0x140, $0x38;
	[tilespmem:$0xA180] =	vst v63  }
0x21: {  	_ =	swait.ge [sflag:s3], $0x140  }
0x22: {  	[sflag:s3] =	ssyncset.done $0x0  }
0x23: {  	[sflag:s3] =	ssyncadd.s32 $0xFFFFFEC0  }
0x24: {  	[tilespmem:s7], [sflag:$0x1] =	stream.indirect.gather [hbm4b:s5+s6], $0x80, s2, s6, $0xb8;
	[tilespmem:$0xA180] =	vst v63  }
0x25: {  	_ =	swait.ge [sflag:s8], $0xA000  }
0x26: {  	s13 =	sshll.u32 s13, $0x4;
	[sflag:s8] =	ssyncset.done $0x0  }
0x27: {  	s13 =	sadd.s32 s17, s13;
	[sflag:s8] =	ssyncadd.s32 $0xFFFF6000  }
0x28: {  	[hbm4b:s13+s2] =	stream.linear.scatter [tilespmem:s7], [sflag:$0x2], $0xA000, $0x38;
	[tilespmem:$0xA180] =	vst v63  }
0x29: {  	s18 =	sadd.s32 $0x3C0, s14;
	_ =	swait.ge [sflag:s3], $0xA000  }
0x2a: {  	s14 =	sshrl.u32 s18, $0x3;
	[sflag:s3] =	ssyncset.done $0x0  }
0x2b: {  	s15 =	ssub.s32 $0x2, s15;
	s14 =	sadd.s32 s16, s14;
	[sflag:s3] =	ssyncadd.s32 $0xFFFF6000  }
0x2c: {  	[tilespmem:s2], [sflag:$0x2] =	stream.linear.gather [hbm4b:s14+s2], $0x140, $0x38;
	[tilespmem:$0xA180] =	vst v63  }
0x2d: {  	s30 =	sshrl.u32 s15, $0x1;
	_ =	swait.ge [sflag:s3], $0x140  }
0x2e: {  	s16 =	ssub.s32 s15, s30;
	[sflag:s3] =	ssyncset.done $0x0  }
0x2f: {  	s16 =	smax.u32 s16, $0x1;
	[sflag:s3] =	ssyncadd.s32 $0xFFFFFEC0  }
0x30: {  	[tilespmem:s7], [sflag:$0x1] =	stream.indirect.gather [hbm4b:s5+s6], $0x80, s2, s6, $0xb8;
	[tilespmem:$0xA180] =	vst v63  }
0x31: {  	p0 =	sne.s32 s16, $0x1;
	_ =	swait.ge [sflag:s8], $0xA000  }
.Ltmp0:
0x32: {  	s31 =	sshll.u32 s18, $0x4;
	[sflag:s8] =	ssyncset.done $0x0;
	(pc) =	sbr.rel @!p0 .LBB2_2-.Ltmp0, $4  }
0x33: {  	s15 =	sadd.s32 s17, s31;
	[sflag:s8] =	ssyncadd.s32 $0xFFFF6000  }
0x34: {  	[hbm4b:s15+s2] =	stream.linear.scatter [tilespmem:s7], [sflag:$0x2], $0xA000, $0x38;
	[tilespmem:$0xA180] =	vst v63  }
0x35: {  	_ =	swait.ge [sflag:s3], $0xA000  }
0x36: {  	s16 =	sadd.s32 $0xFFFFFFFF, s16;
	[sflag:s3] =	ssyncset.done $0x0  }
.LBB2_1:
0x37: {  	p0 =	sne.s32 s16, $0x1;
	s16 =	sadd.s32 $0xFFFFFFFF, s16;
	[sflag:s3] =	ssyncadd.s32 $0xFFFF6000  }
0x38: {  	[tilespmem:s2], [sflag:$0x2] =	stream.linear.gather [hbm4b:s4+s2], $0x140, $0x38;
	[tilespmem:$0xA180] =	vst v63  }
0x39: {  	_ =	swait.ge [sflag:s3], $0x140  }
0x3a: {  	[sflag:s3] =	ssyncset.done $0x0  }
0x3b: {  	[sflag:s3] =	ssyncadd.s32 $0xFFFFFEC0  }
0x3c: {  	[tilespmem:s7], [sflag:$0x1] =	stream.indirect.gather [hbm4b:s5+s6], $0x80, s2, s6, $0xb8;
	[tilespmem:$0xA180] =	vst v63  }
0x3d: {  	_ =	swait.ge [sflag:s8], $0xA000  }
0x3e: {  	[sflag:s8] =	ssyncset.done $0x0  }
0x3f: {  	[sflag:s8] =	ssyncadd.s32 $0xFFFF6000  }
0x40: {  	[hbm4b:s9+s2] =	stream.linear.scatter [tilespmem:s7], [sflag:$0x2], $0xA000, $0x38;
	[tilespmem:$0xA180] =	vst v63  }
0x41: {  	_ =	swait.ge [sflag:s3], $0xA000  }
0x42: {  	[sflag:s3] =	ssyncset.done $0x0  }
0x43: {  	[sflag:s3] =	ssyncadd.s32 $0xFFFF6000  }
0x44: {  	[tilespmem:s2], [sflag:$0x2] =	stream.linear.gather [hbm4b:s10+s2], $0x140, $0x38;
	[tilespmem:$0xA180] =	vst v63  }
0x45: {  	_ =	swait.ge [sflag:s3], $0x140  }
0x46: {  	[sflag:s3] =	ssyncset.done $0x0  }
0x47: {  	[sflag:s3] =	ssyncadd.s32 $0xFFFFFEC0  }
0x48: {  	[tilespmem:s7], [sflag:$0x1] =	stream.indirect.gather [hbm4b:s5+s6], $0x80, s2, s6, $0xb8;
	[tilespmem:$0xA180] =	vst v63  }
0x49: {  	_ =	swait.ge [sflag:s8], $0xA000  }
0x4a: {  	[sflag:s8] =	ssyncset.done $0x0  }
0x4b: {  	[sflag:s8] =	ssyncadd.s32 $0xFFFF6000  }
0x4c: {  	[hbm4b:s11+s2] =	stream.linear.scatter [tilespmem:s7], [sflag:$0x2], $0xA000, $0x38;
	[tilespmem:$0xA180] =	vst v63  }
0x4d: {  	_ =	swait.ge [sflag:s3], $0xA000  }
0x4e: {  	[sflag:s3] =	ssyncset.done $0x0  }
0x4f: {  	[sflag:s3] =	ssyncadd.s32 $0xFFFF6000  }
0x50: {  	[tilespmem:s2], [sflag:$0x2] =	stream.linear.gather [hbm4b:s12+s2], $0x140, $0x38;
	[tilespmem:$0xA180] =	vst v63  }
0x51: {  	_ =	swait.ge [sflag:s3], $0x140  }
0x52: {  	[sflag:s3] =	ssyncset.done $0x0  }
0x53: {  	[sflag:s3] =	ssyncadd.s32 $0xFFFFFEC0  }
0x54: {  	[tilespmem:s7], [sflag:$0x1] =	stream.indirect.gather [hbm4b:s5+s6], $0x80, s2, s6, $0xb8;
	[tilespmem:$0xA180] =	vst v63  }
0x55: {  	_ =	swait.ge [sflag:s8], $0xA000  }
0x56: {  	[sflag:s8] =	ssyncset.done $0x0  }
0x57: {  	[sflag:s8] =	ssyncadd.s32 $0xFFFF6000  }
0x58: {  	[hbm4b:s13+s2] =	stream.linear.scatter [tilespmem:s7], [sflag:$0x2], $0xA000, $0x38;
	[tilespmem:$0xA180] =	vst v63  }
0x59: {  	_ =	swait.ge [sflag:s3], $0xA000  }
0x5a: {  	[sflag:s3] =	ssyncset.done $0x0  }
0x5b: {  	[sflag:s3] =	ssyncadd.s32 $0xFFFF6000  }
0x5c: {  	[tilespmem:s2], [sflag:$0x2] =	stream.linear.gather [hbm4b:s14+s2], $0x140, $0x38;
	[tilespmem:$0xA180] =	vst v63  }
0x5d: {  	_ =	swait.ge [sflag:s3], $0x140  }
0x5e: {  	[sflag:s3] =	ssyncset.done $0x0  }
0x5f: {  	[sflag:s3] =	ssyncadd.s32 $0xFFFFFEC0  }
0x60: {  	[tilespmem:s7], [sflag:$0x1] =	stream.indirect.gather [hbm4b:s5+s6], $0x80, s2, s6, $0xb8;
	[tilespmem:$0xA180] =	vst v63  }
0x61: {  	_ =	swait.ge [sflag:s8], $0xA000  }
.Ltmp1:
0x62: {  	[sflag:s8] =	ssyncset.done $0x0;
	(pc) =	sbr.rel @p0 .LBB2_1-.Ltmp1, $4  }
0x63: {  	[sflag:s8] =	ssyncadd.s32 $0xFFFF6000  }
0x64: {  	[hbm4b:s15+s2] =	stream.linear.scatter [tilespmem:s7], [sflag:$0x2], $0xA000, $0x38;
	[tilespmem:$0xA180] =	vst v63  }
0x65: {  	_ =	swait.ge [sflag:s3], $0xA000  }
0x66: {  	[sflag:s3] =	ssyncset.done $0x0  }
.LBB2_2:
0x67: {  	[sflag:s3] =	ssyncadd.s32 $0xFFFF6000  }
0x68: {  	_ =	sfence.sel $0x180000  }
0x69: {  	[bflag:$0x0] =	sbarrier.arrive $0xFFFF  }
0x6a: {  	p0 =	sne.s32 s0, $0x0;
	_ =	strace $0x9000004D  }
0x6b: {  	s0 =	sadd.s32 @!p0 $0x100000, s1;
	[bflag:$0x2] =	sbarrier.arrive $0xFFFF  }
0x6c: {  	[sflag:s0] =	ssyncadd.tile.s32 @!p0 $0x1;
	_ =	shalt  }
.Lfunc_end2:
_tile_overlayer_lowered:
.L_overlay_start_2:
0x6d: {  	(tag) =	ssettag $0x2  }
0x6e: {  	s0 =	rddreg [dreg:$0x0];
	s2 =	stileid.u32  }
0x6f: {  	s1 =	rddreg [dreg:$0x1];
	p0 =	sne.s32 s2, $0x0  }
0x70: {  	s3 =	rddreg [dreg:$0x2];
	[bflag:$0x3] =	sbarrier.arrive $0xFFFF;
	s2 =	simm.s32 @!p0 $0x1C02  }
0x71: {  	[timem:s3], [sflag:s2] =	dma.local @!p0 [hbm:s0], s1  }
0x72: {  	s0 =	simm.s32 @!p0 $0x2  }
0x73: {  	_ =	swait.ge @!p0 [sflag:s0], s1  }
0x74: {  	s1 =	ssub.s32 @!p0 $0x0, s1;
	[sflag:s0] =	ssyncset.done @!p0 $0x0  }
0x75: {  	[sflag:s0] =	ssyncadd.s32 @!p0 s1  }
0x76: {  	[bflag:$0x3] =	sbarrier.arrive $0xFFFF  }
0x77: {  	_ =	shalt  }

// kernel: kernel.21.cloned.1.call-start
scs
__scs_entry_jumppad:
0x0: {  	(pc) =	sbr.rel $0x88, $3  }
0x1: {  	(tag) =	ssettag $0x0;
	lr =	simm.s32 $0x1  }
0x2: {  	[smem:$0x3F9D] =	sst lr;
	_ =	strace $0xD0000000  }
0x3: {  	_ = 	snop  }
0x4: {  	_ = 	snop  }
0x5: {  	_ = 	snop  }
0x6: {  	_ = 	snop  }
0x7: {  	_ = 	snop  }
__scs_overlays_trampoline_lowered:
0x8: {  	[smem:$0x3FAC] =	sst s0  }
0x9: {  	[smem:$0x3FAD] =	sst s1  }
0xa: {  	[smem:$0x3FAE] =	sst s2  }
0xb: {  	[smem:$0x3FAF] =	sst s3  }
0xc: {  	[smem:$0x3FB0] =	sst s4  }
0xd: {  	[smem:$0x3FB1] =	sst s5  }
0xe: {  	[smem:$0x3FB2] =	sst s6  }
0xf: {  	[smem:$0x3FB3] =	sst s7  }
0x10: {  	[smem:$0x3FB4] =	sst s8  }
0x11: {  	[smem:$0x3FB5] =	sst s9;
	s0 =	simm.s32 @!p0 $0x0  }
0x12: {  	s1 =	sld [smem:$0x3F9B];
	s0 =	simm.s32 @p0 $0x1  }
0x13: {  	[smem:$0x3FB6] =	sst s0;
	s0 =	simm.s32 @!p1 $0x0  }
0x14: {  	s2 =	sld [smem:$0x3F9A];
	s0 =	simm.s32 @p1 $0x1  }
0x15: {  	[smem:$0x3FB7] =	sst s0;
	s0 =	simm.s32 @!p2 $0x0  }
0x16: {  	s3 =	sld [smem:$0x3FDB];
	s0 =	simm.s32 @p2 $0x1  }
0x17: {  	s4 =	simm.s32 $0x1BF5;
	[smem:$0x3FB9] =	sst s0  }
0x18: {  	s0 =	sld [smem:$0x3F9C];
	_ =	swait.ge [sflag:s4], $0x0  }
0x19: {  	s7 =	sld [smem:$0x3F9D]  }
0x1a: {  	s8 =	sadd.s32 $0xFFFFE003, lr  }
0x1b: {  	s9 =	sadd.s32 $0xFFFFFEF7, lr;
	s5 =	simm.s32 $0xFFFFFFFF;
	p2 =	slt.u32 s8, $0xFFFFF086  }
0x1c: {  	p1 =	slt.u32 s9, $0xF7A;
	s5 =	simm.s32 @!p2 $0x0  }
0x1d: {  	s5 =	simm.s32 @p1 $0x1;
	p0 =	seq.s32 s7, s2  }
0x1e: {  	s7 =	smul.u32 @!p0 $0xF7A, s2;
	p2 =	seq.s32 @!p0 s5, $0x0  }
0x1f: {  	s9 =	smul.u32 $0xF7A, s1;
	s8 =	simm.s32 @!p0 $0x1BF5;
	p2 =	por !p2, p0  }
0x20: {  	[sflag:s8] =	ssyncset.s32 @!p0 $0xFFFFF086;
	s6 =	sadd.s32 @!p0 s3, s7;
	s7 =	simm.s32 @!p0 $0x108  }
0x21: {  	s3 =	sadd.s32 s3, s9;
	s6 =	sadd.s32 @!p0 $0x88, s6;
	s7 =	simm.s32 @p2 $0x1082  }
0x22: {  	[simem:s7], [sflag:s8] =	dma.local @!p0 [hbm:s6], $0xF7A  }
0x23: {  	s9 =	sor.u32 $0xD0000000, s2;
	s6 =	simm.s32 $0x108;
	_ =	swait.ge @!p0 [sflag:s8], $0x0  }
0x24: {  	s3 =	sadd.s32 $0x88, s3;
	s6 =	simm.s32 @!p1 $0x1082;
	[sflag:s4] =	ssyncset.s32 $0xFFFFF086  }
0x25: {  	[simem:s6], [sflag:s4] =	dma.local [hbm:s3], $0xF7A  }
0x26: {  	[smem:$0x3F9D] =	sst s1;
	(tag) =	ssettag s2;
	_ =	strace s9  }
0x27: {  	s1 =	sld [smem:$0x3FAD]  }
0x28: {  	s2 =	sld [smem:$0x3FAE]  }
0x29: {  	s4 =	sld [smem:$0x3FB0]  }
0x2a: {  	p0 =	seq.s32 s5, $0x0;
	s5 =	sld [smem:$0x3FB1]  }
0x2b: {  	s6 =	sld [smem:$0x3FB2]  }
0x2c: {  	s7 =	sld [smem:$0x3FB3]  }
0x2d: {  	s3 =	simm.s32 $0x108;
	s8 =	sld [smem:$0x3FB4]  }
0x2e: {  	s3 =	simm.s32 @!p0 $0x1082;
	s9 =	sld [smem:$0x3FB5]  }
0x2f: {  	lr =	sadd.s32 s0, s3;
	s0 =	sld [smem:$0x3FAC]  }
0x30: {  	s3 =	sld [smem:$0x3FAF]  }
0x31: {  	[smem:$0x3FB8] =	sst s10  }
0x32: {  	s10 =	sld [smem:$0x3FB6];
	_ =	sdelay $0x3  }
0x33: {  	p0 =	seq.s32 s10, $0x1;
	s10 =	sld [smem:$0x3FB8];
	_ =	sdelay $0x3  }
0x34: {  	[smem:$0x3FB8] =	sst s10  }
0x35: {  	s10 =	sld [smem:$0x3FB7];
	_ =	sdelay $0x3  }
0x36: {  	p1 =	seq.s32 s10, $0x1;
	s10 =	sld [smem:$0x3FB8];
	_ =	sdelay $0x3  }
0x37: {  	[smem:$0x3FB8] =	sst s10  }
0x38: {  	s10 =	sld [smem:$0x3FB9]  }
0x39: {  	_ = 	snop;
	(pc) =	sbr.ind lr, $3  }
0x3a: {  	_ = 	snop  }
0x3b: {  	_ = 	snop  }
0x3c: {  	p2 =	seq.s32 s10, $0x1;
	s10 =	sld [smem:$0x3FB8]  }
0x3d: {  	_ =	shalt  }
0x3e: {  	_ =	shalt  }
0x3f: {  	_ =	shalt  }
0x40: {  	_ =	shalt  }
0x41: {  	_ =	shalt  }
0x42: {  	_ =	shalt  }
0x43: {  	_ =	shalt  }
0x44: {  	_ =	shalt  }
0x45: {  	_ =	shalt  }
0x46: {  	_ =	shalt  }
0x47: {  	_ =	shalt  }
0x48: {  	_ =	shalt  }
0x49: {  	_ =	shalt  }
0x4a: {  	_ =	shalt  }
0x4b: {  	_ =	shalt  }
0x4c: {  	_ =	shalt  }
0x4d: {  	_ =	shalt  }
0x4e: {  	_ =	shalt  }
0x4f: {  	_ =	shalt  }
0x50: {  	_ =	shalt  }
0x51: {  	_ =	shalt  }
0x52: {  	_ =	shalt  }
0x53: {  	_ =	shalt  }
0x54: {  	_ =	shalt  }
0x55: {  	_ =	shalt  }
0x56: {  	_ =	shalt  }
0x57: {  	_ =	shalt  }
0x58: {  	_ =	shalt  }
0x59: {  	_ =	shalt  }
0x5a: {  	_ =	shalt  }
0x5b: {  	_ =	shalt  }
0x5c: {  	_ =	shalt  }
0x5d: {  	_ =	shalt  }
0x5e: {  	_ =	shalt  }
0x5f: {  	_ =	shalt  }
0x60: {  	_ =	shalt  }
0x61: {  	_ =	shalt  }
0x62: {  	_ =	shalt  }
0x63: {  	_ =	shalt  }
0x64: {  	_ =	shalt  }
0x65: {  	_ =	shalt  }
0x66: {  	_ =	shalt  }
0x67: {  	_ =	shalt  }
0x68: {  	_ =	shalt  }
0x69: {  	_ =	shalt  }
0x6a: {  	_ =	shalt  }
0x6b: {  	_ =	shalt  }
0x6c: {  	_ =	shalt  }
0x6d: {  	_ =	shalt  }
0x6e: {  	_ =	shalt  }
0x6f: {  	_ =	shalt  }
0x70: {  	_ =	shalt  }
0x71: {  	_ =	shalt  }
0x72: {  	_ =	shalt  }
0x73: {  	_ =	shalt  }
0x74: {  	_ =	shalt  }
0x75: {  	_ =	shalt  }
0x76: {  	_ =	shalt  }
0x77: {  	_ =	shalt  }
0x78: {  	_ =	shalt  }
0x79: {  	_ =	shalt  }
0x7a: {  	_ =	shalt  }
0x7b: {  	_ =	shalt  }
0x7c: {  	_ =	shalt  }
0x7d: {  	_ =	shalt  }
0x7e: {  	_ =	shalt  }
0x7f: {  	_ =	shalt  }
0x80: {  	_ =	shalt  }
0x81: {  	_ =	shalt  }
0x82: {  	_ =	shalt  }
0x83: {  	_ =	shalt  }
0x84: {  	_ =	shalt  }
0x85: {  	_ =	shalt  }
0x86: {  	_ =	shalt  }
0x87: {  	_ =	shalt  }
.Lfunc_end0:
.L_simem_size_0:
called_computation.5_lowered:
.L_overlay_start_0:
0x88: {  	s2 =	sld [smem:$0x3FD9]  }
0x89: {  	s3 =	sld [smem:$0x3FFE];
	_ =	sdelay $0x1  }
0x8a: {  	s1 =	srdreg.scid  }
0x8b: {  	s0 =	sand.u32 $0x1, s1  }
0x8c: {  	s15 =	sshll.u32 s0, $0xA;
	s2 =	sadd.s32 s3, s2  }
0x8d: {  	s2 =	sadd.s32 s2, s15  }
0x8e: {  	[smem:$0x3FC4] =	sst s2  }
0x8f: {  	_ = 	snop  }
0x90: {  	s2 =	sld [smem:$0x3FD0];
	_ =	sdelay $0x2  }
0x91: {  	s16 =	simm.s32 $0xE;
	s4 =	simm.s32 $0x10  }
0x92: {  	[smem:s4], [sflag:s16] =	dma.local [hbm:s2], $0x1  }
0x93: {  	_ =	swait.eq [sflag:s16], $0x1  }
0x94: {  	[sflag:s16] =	ssyncset.done $0x0  }
0x95: {  	[sflag:s16] =	ssyncadd.s32 $0xFFFFFFFF  }
0x96: {  	s17 =	sld [smem:$0x11];
	(tm) =	ssettm $0x1  }
0x97: {  	s18 =	sld [smem:$0x3FFB];
	_ =	sdelay $0x3  }
0x98: {  	_ =	strace s18  }
0x99: {  	s2 =	sld [smem:$0x3FFC];
	_ =	sdelay $0x3  }
0x9a: {  	_ =	strace s2  }
0x9b: {  	s2 =	sld [smem:$0x3FFD];
	_ =	sdelay $0x3  }
0x9c: {  	_ =	strace s2  }
0x9d: {  	_ =	strace $0x8FFFFFFF  }
0x9e: {  	s19 =	sld [smem:$0x3FDB];
	_ =	sdelay $0x1  }
0x9f: {  	s20 =	simm.s32 $_scs_section_size  }
0xa0: {  	s5 =	simm.s32 $_size__tile_overlayer_lowered;
	s6 =	simm.s32 $_tile_overlayer_lowered  }
0xa1: {  	s7 =	simm.s32 $0x1BFF;
	s21 =	sshll.u32 s6, $0x1;
	s4 =	sadd.s32 s20, s19  }
0xa2: {  	s22 =	simm.s32 $0x0;
	s5 =	sshll.u32 s5, $0x1;
	s6 =	sadd.s32 s21, s4  }
0xa3: {  	[timem:s22], [sflag:s7] =	dma.local [hbm:s6], s5  }
0xa4: {  	_ =	swait.ge [sflag:s7], s5  }
0xa5: {  	s5 =	ssub.s32 $0x0, s5;
	[sflag:s7] =	ssyncset.done $0x0  }
0xa6: {  	[sflag:s7] =	ssyncadd.s32 s5;
	_ =	sdelay $0x1  }
0xa7: {  	s23 =	simm.s32 $0x1B8B  }
0xa8: {  	_ =	swait.ge [sflag:s23], $0x1  }
0xa9: {  	[sflag:s23] =	ssyncset.done $0x0  }
0xaa: {  	[sflag:s23] =	ssyncadd.s32 $0xFFFFFFFF  }
0xab: {  	s5 =	sld [smem:$0x0]  }
0xac: {  	s6 =	sand.u32 $0xFFFFFFFE, s1  }
0xad: {  	p0 =	sne.s32 s1, s6  }
0xae: {  	s6 =	sshll.u32 @p0 s6, $0xE  }
0xaf: {  	s6 =	sadd.s32 @p0 $0x11B8D, s6;
	s7 =	sshll.u32 @p0 s5, $0x11  }
0xb0: {  	s6 =	sor.u32 @p0 s7, s6  }
0xb1: {  	[sflag:s6] =	ssyncadd.remote.s32 @p0 $0x1;
	_ =	sdelay $0x1  }
0xb2: {  	s6 =	simm.s32 @p0 $0x1B8D  }
0xb3: {  	_ =	swait.eq @p0 [sflag:s6], $0x1  }
0xb4: {  	[sflag:s6] =	ssyncadd.s32 @p0 $0xFFFFFFFF  }
0xb5: {  	s7 =	sshll.u32 @!p0 s1, $0xE  }
0xb6: {  	s7 =	sor.u32 @!p0 $0x4000, s7;
	s6 =	simm.s32 @!p0 $0x1B8D  }
0xb7: {  	s5 =	sshll.u32 @!p0 s5, $0x11;
	s7 =	sadd.s32 @!p0 $0x11B8D, s7;
	_ =	swait.eq @!p0 [sflag:s6], $0x1  }
0xb8: {  	s5 =	sor.u32 @!p0 s5, s7;
	[sflag:s6] =	ssyncadd.s32 @!p0 $0xFFFFFFFF  }
0xb9: {  	s25 =	simm.s32 $0x1B8E;
	s24 =	sld [smem:$0x3FFE];
	[sflag:s5] =	ssyncadd.remote.s32 @!p0 $0x1  }
0xba: {  	s26 =	simm.s32 $execute0_lowered;
	[smem:$0x3FD2] =	sst s25  }
0xbb: {  	s6 =	sshll.u32 s26, $0x1;
	_ =	strace $0x8000004F;
	[dreg:$0x1] =	wrdreg $0xFFFFFFFF  }
0xbc: {  	s28 =	simm.s32 $_size_execute0_lowered;
	s4 =	sadd.s32 s4, s6;
	[dreg:$0x0] =	wrdreg $0x0  }
0xbd: {  	s6 =	sshll.u32 s28, $0x1;
	[dreg:$0x2] =	wrdreg s4  }
0xbe: {  	[dreg:$0x3] =	wrdreg s6  }
0xbf: {  	[dreg:$0x4] =	wrdreg $0xC0  }
0xc0: {  	_ =	task [dreg:s22], $0x5FFFF  }
0xc1: {  	[dreg:$0x1] =	wrdreg $0xFFFFFFFF  }
0xc2: {  	[dreg:$0x0] =	wrdreg $0x60  }
0xc3: {  	[dreg:$0x2] =	wrdreg s24  }
0xc4: {  	[dreg:$0x3] =	wrdreg s17  }
0xc5: {  	[dreg:$0x4] =	wrdreg $0xC  }
0xc6: {  	_ =	task.clear_ibuf [dreg:s22], $0x5FFFF;
	_ =	strace $0x9000004F  }
0xc7: {  	s29 =	simm.s32 $0xC;
	_ =	strace $0x80000051  }
0xc8: {  	_ =	swait.ge [sflag:s29], $0x1  }
0xc9: {  	[sflag:s29] =	ssyncadd.s32 $0xFFFFFFFF  }
0xca: {  	_ =	strace $0x90000051  }
0xcb: {  	_ =	sfence  }
0xcc: {  	s30 =	sld [smem:$0x0];
	_ =	sdelay $0x2  }
0xcd: {  	s31 =	sshll.u32 s1, $0xD;
	s1 =	sshrl.u32 s1, $0x2  }
0xce: {  	s4 =	sand.u32 $0x4000, s31;
	s1 =	sadd.s32 s1, s30  }
0xcf: {  	s0 =	sor.u32 s4, s0;
	s1 =	sshll.u32 s1, $0x11  }
0xd0: {  	s0 =	sor.u32 s1, s0  }
0xd1: {  	s0 =	sadd.s32 $0x8F2B, s0  }
0xd2: {  	[sflag:s0] =	ssyncadd.remote.s32 $0x1  }
0xd3: {  	_ =	sfence.sel $0xFFFF  }
0xd4: {  	[dreg:$0x0] =	wrdreg $0xFFFFFFFF;
	(pc) =	sbr.abs _section_cstart, $3  }
0xd5: {  	[dreg:$0x1] =	wrdreg $0xFFFFFFFF  }
0xd6: {  	_ =	task.clear_ibuf [dreg:s22], $0x2FFFF;
	_ =	strace $0x9FFFFFFF  }
0xd7: {  	(tm) =	ssettm $0x7FFFFFFF  }
tec
execute0_lowered:
.L_overlay_start_1:
0x0: {  	(tag) =	ssettag $0x1  }
0x1: {  	s1 =	srdreg.scid;
	s0 =	stileid.u32  }
0x2: {  	s16 =	sand.u32 $0x1, s1;
	s29 =	sshll.u32 s0, $0x1  }
0x3: {  	s5 =	rddreg [dreg:$0x0];
	s9 =	sor.u32 s16, s29  }
0x4: {  	s15 =	rddreg [dreg:$0x1];
	s14 =	smul.u32 $0x500, s9  }
0x5: {  	s2 =	simm.s32 $0x0;
	s1 =	rddreg [dreg:$0x2]  }
0x6: {  	[smem:$0x7FF] =	sst s2;
	s17 =	sadd.s32 $0x8C00, s5;
	s3 =	sshrl.u32 s14, $0x3  }
0x7: {  	_ =	strace $0x80000050;
	s4 =	sadd.s32 s17, s3;
	s3 =	simm.s32 $0x2  }
0x8: {  	[tilespmem:s2], [sflag:$0x2] =	stream.linear.gather [hbm4b:s4+s2], $0x140, $0x38;
	[tilespmem:$0xA180] =	vst v63  }
0x9: {  	_ =	swait.ge [sflag:s3], $0x140  }
0xa: {  	s6 =	simm.s32 $0x140;
	s7 =	simm.s32 $0x180;
	[sflag:s3] =	ssyncset.done $0x0  }
0xb: {  	s8 =	simm.s32 $0x1;
	s5 =	sadd.s32 $0xB400, s5;
	[sflag:s3] =	ssyncadd.s32 $0xFFFFFEC0  }
0xc: {  	[tilespmem:s7], [sflag:$0x1] =	stream.indirect.gather [hbm4b:s5+s6], $0x80, s2, s6, $0xb8;
	[tilespmem:$0xA180] =	vst v63  }
0xd: {  	s9 =	smul.u32 $0x5000, s9;
	_ =	swait.ge [sflag:s8], $0xA000  }
0xe: {  	[sflag:s8] =	ssyncset.done $0x0  }
0xf: {  	s9 =	sadd.s32 s15, s9;
	[sflag:s8] =	ssyncadd.s32 $0xFFFF6000  }
0x10: {  	[hbm4b:s9+s2] =	stream.linear.scatter [tilespmem:s7], [sflag:$0x2], $0xA000, $0x38;
	[tilespmem:$0xA180] =	vst v63  }
0x11: {  	s11 =	sadd.s32 $0x140, s14;
	_ =	swait.ge [sflag:s3], $0xA000  }
0x12: {  	s10 =	sshrl.u32 s11, $0x3;
	[sflag:s3] =	ssyncset.done $0x0  }
0x13: {  	s10 =	sadd.s32 s17, s10;
	[sflag:s3] =	ssyncadd.s32 $0xFFFF6000  }
0x14: {  	[tilespmem:s2], [sflag:$0x2] =	stream.linear.gather [hbm4b:s10+s2], $0x140, $0x38;
	[tilespmem:$0xA180] =	vst v63  }
0x15: {  	_ =	swait.ge [sflag:s3], $0x140  }
0x16: {  	[sflag:s3] =	ssyncset.done $0x0  }
0x17: {  	[sflag:s3] =	ssyncadd.s32 $0xFFFFFEC0  }
0x18: {  	[tilespmem:s7], [sflag:$0x1] =	stream.indirect.gather [hbm4b:s5+s6], $0x80, s2, s6, $0xb8;
	[tilespmem:$0xA180] =	vst v63  }
0x19: {  	_ =	swait.ge [sflag:s8], $0xA000  }
0x1a: {  	s11 =	sshll.u32 s11, $0x4;
	[sflag:s8] =	ssyncset.done $0x0  }
0x1b: {  	s11 =	sadd.s32 s15, s11;
	[sflag:s8] =	ssyncadd.s32 $0xFFFF6000  }
0x1c: {  	[hbm4b:s11+s2] =	stream.linear.scatter [tilespmem:s7], [sflag:$0x2], $0xA000, $0x38;
	[tilespmem:$0xA180] =	vst v63  }
0x1d: {  	s13 =	sadd.s32 $0x280, s14;
	_ =	swait.ge [sflag:s3], $0xA000  }
0x1e: {  	s12 =	sshrl.u32 s13, $0x3;
	[sflag:s3] =	ssyncset.done $0x0  }
0x1f: {  	s12 =	sadd.s32 s17, s12;
	[sflag:s3] =	ssyncadd.s32 $0xFFFF6000  }
0x20: {  	[tilespmem:s2], [sflag:$0x2] =	stream.linear.gather [hbm4b:s12+s2], $0x140, $0x38;
	[tilespmem:$0xA180] =	vst v63  }
0x21: {  	_ =	swait.ge [sflag:s3], $0x140  }
0x22: {  	[sflag:s3] =	ssyncset.done $0x0  }
0x23: {  	[sflag:s3] =	ssyncadd.s32 $0xFFFFFEC0  }
0x24: {  	[tilespmem:s7], [sflag:$0x1] =	stream.indirect.gather [hbm4b:s5+s6], $0x80, s2, s6, $0xb8;
	[tilespmem:$0xA180] =	vst v63  }
0x25: {  	_ =	swait.ge [sflag:s8], $0xA000  }
0x26: {  	s13 =	sshll.u32 s13, $0x4;
	[sflag:s8] =	ssyncset.done $0x0  }
0x27: {  	s13 =	sadd.s32 s15, s13;
	[sflag:s8] =	ssyncadd.s32 $0xFFFF6000  }
0x28: {  	[hbm4b:s13+s2] =	stream.linear.scatter [tilespmem:s7], [sflag:$0x2], $0xA000, $0x38;
	[tilespmem:$0xA180] =	vst v63  }
0x29: {  	s18 =	sadd.s32 $0x3C0, s14;
	_ =	swait.ge [sflag:s3], $0xA000  }
0x2a: {  	s14 =	sshrl.u32 s18, $0x3;
	[sflag:s3] =	ssyncset.done $0x0  }
0x2b: {  	s16 =	ssub.s32 $0x2, s16;
	s14 =	sadd.s32 s17, s14;
	[sflag:s3] =	ssyncadd.s32 $0xFFFF6000  }
0x2c: {  	[tilespmem:s2], [sflag:$0x2] =	stream.linear.gather [hbm4b:s14+s2], $0x140, $0x38;
	[tilespmem:$0xA180] =	vst v63  }
0x2d: {  	s30 =	sshrl.u32 s16, $0x1;
	_ =	swait.ge [sflag:s3], $0x140  }
0x2e: {  	s16 =	ssub.s32 s16, s30;
	[sflag:s3] =	ssyncset.done $0x0  }
0x2f: {  	s16 =	smax.u32 s16, $0x1;
	[sflag:s3] =	ssyncadd.s32 $0xFFFFFEC0  }
0x30: {  	[tilespmem:s7], [sflag:$0x1] =	stream.indirect.gather [hbm4b:s5+s6], $0x80, s2, s6, $0xb8;
	[tilespmem:$0xA180] =	vst v63  }
0x31: {  	p0 =	sne.s32 s16, $0x1;
	_ =	swait.ge [sflag:s8], $0xA000  }
.Ltmp0:
0x32: {  	s31 =	sshll.u32 s18, $0x4;
	[sflag:s8] =	ssyncset.done $0x0;
	(pc) =	sbr.rel @!p0 .LBB2_2-.Ltmp0, $4  }
0x33: {  	s15 =	sadd.s32 s15, s31;
	[sflag:s8] =	ssyncadd.s32 $0xFFFF6000  }
0x34: {  	[hbm4b:s15+s2] =	stream.linear.scatter [tilespmem:s7], [sflag:$0x2], $0xA000, $0x38;
	[tilespmem:$0xA180] =	vst v63  }
0x35: {  	_ =	swait.ge [sflag:s3], $0xA000  }
0x36: {  	s16 =	sadd.s32 $0xFFFFFFFF, s16;
	[sflag:s3] =	ssyncset.done $0x0  }
.LBB2_1:
0x37: {  	p0 =	sne.s32 s16, $0x1;
	s16 =	sadd.s32 $0xFFFFFFFF, s16;
	[sflag:s3] =	ssyncadd.s32 $0xFFFF6000  }
0x38: {  	[tilespmem:s2], [sflag:$0x2] =	stream.linear.gather [hbm4b:s4+s2], $0x140, $0x38;
	[tilespmem:$0xA180] =	vst v63  }
0x39: {  	_ =	swait.ge [sflag:s3], $0x140  }
0x3a: {  	[sflag:s3] =	ssyncset.done $0x0  }
0x3b: {  	[sflag:s3] =	ssyncadd.s32 $0xFFFFFEC0  }
0x3c: {  	[tilespmem:s7], [sflag:$0x1] =	stream.indirect.gather [hbm4b:s5+s6], $0x80, s2, s6, $0xb8;
	[tilespmem:$0xA180] =	vst v63  }
0x3d: {  	_ =	swait.ge [sflag:s8], $0xA000  }
0x3e: {  	[sflag:s8] =	ssyncset.done $0x0  }
0x3f: {  	[sflag:s8] =	ssyncadd.s32 $0xFFFF6000  }
0x40: {  	[hbm4b:s9+s2] =	stream.linear.scatter [tilespmem:s7], [sflag:$0x2], $0xA000, $0x38;
	[tilespmem:$0xA180] =	vst v63  }
0x41: {  	_ =	swait.ge [sflag:s3], $0xA000  }
0x42: {  	[sflag:s3] =	ssyncset.done $0x0  }
0x43: {  	[sflag:s3] =	ssyncadd.s32 $0xFFFF6000  }
0x44: {  	[tilespmem:s2], [sflag:$0x2] =	stream.linear.gather [hbm4b:s10+s2], $0x140, $0x38;
	[tilespmem:$0xA180] =	vst v63  }
0x45: {  	_ =	swait.ge [sflag:s3], $0x140  }
0x46: {  	[sflag:s3] =	ssyncset.done $0x0  }
0x47: {  	[sflag:s3] =	ssyncadd.s32 $0xFFFFFEC0  }
0x48: {  	[tilespmem:s7], [sflag:$0x1] =	stream.indirect.gather [hbm4b:s5+s6], $0x80, s2, s6, $0xb8;
	[tilespmem:$0xA180] =	vst v63  }
0x49: {  	_ =	swait.ge [sflag:s8], $0xA000  }
0x4a: {  	[sflag:s8] =	ssyncset.done $0x0  }
0x4b: {  	[sflag:s8] =	ssyncadd.s32 $0xFFFF6000  }
0x4c: {  	[hbm4b:s11+s2] =	stream.linear.scatter [tilespmem:s7], [sflag:$0x2], $0xA000, $0x38;
	[tilespmem:$0xA180] =	vst v63  }
0x4d: {  	_ =	swait.ge [sflag:s3], $0xA000  }
0x4e: {  	[sflag:s3] =	ssyncset.done $0x0  }
0x4f: {  	[sflag:s3] =	ssyncadd.s32 $0xFFFF6000  }
0x50: {  	[tilespmem:s2], [sflag:$0x2] =	stream.linear.gather [hbm4b:s12+s2], $0x140, $0x38;
	[tilespmem:$0xA180] =	vst v63  }
0x51: {  	_ =	swait.ge [sflag:s3], $0x140  }
0x52: {  	[sflag:s3] =	ssyncset.done $0x0  }
0x53: {  	[sflag:s3] =	ssyncadd.s32 $0xFFFFFEC0  }
0x54: {  	[tilespmem:s7], [sflag:$0x1] =	stream.indirect.gather [hbm4b:s5+s6], $0x80, s2, s6, $0xb8;
	[tilespmem:$0xA180] =	vst v63  }
0x55: {  	_ =	swait.ge [sflag:s8], $0xA000  }
0x56: {  	[sflag:s8] =	ssyncset.done $0x0  }
0x57: {  	[sflag:s8] =	ssyncadd.s32 $0xFFFF6000  }
0x58: {  	[hbm4b:s13+s2] =	stream.linear.scatter [tilespmem:s7], [sflag:$0x2], $0xA000, $0x38;
	[tilespmem:$0xA180] =	vst v63  }
0x59: {  	_ =	swait.ge [sflag:s3], $0xA000  }
0x5a: {  	[sflag:s3] =	ssyncset.done $0x0  }
0x5b: {  	[sflag:s3] =	ssyncadd.s32 $0xFFFF6000  }
0x5c: {  	[tilespmem:s2], [sflag:$0x2] =	stream.linear.gather [hbm4b:s14+s2], $0x140, $0x38;
	[tilespmem:$0xA180] =	vst v63  }
0x5d: {  	_ =	swait.ge [sflag:s3], $0x140  }
0x5e: {  	[sflag:s3] =	ssyncset.done $0x0  }
0x5f: {  	[sflag:s3] =	ssyncadd.s32 $0xFFFFFEC0  }
0x60: {  	[tilespmem:s7], [sflag:$0x1] =	stream.indirect.gather [hbm4b:s5+s6], $0x80, s2, s6, $0xb8;
	[tilespmem:$0xA180] =	vst v63  }
0x61: {  	_ =	swait.ge [sflag:s8], $0xA000  }
.Ltmp1:
0x62: {  	[sflag:s8] =	ssyncset.done $0x0;
	(pc) =	sbr.rel @p0 .LBB2_1-.Ltmp1, $4  }
0x63: {  	[sflag:s8] =	ssyncadd.s32 $0xFFFF6000  }
0x64: {  	[hbm4b:s15+s2] =	stream.linear.scatter [tilespmem:s7], [sflag:$0x2], $0xA000, $0x38;
	[tilespmem:$0xA180] =	vst v63  }
0x65: {  	_ =	swait.ge [sflag:s3], $0xA000  }
0x66: {  	[sflag:s3] =	ssyncset.done $0x0  }
.LBB2_2:
0x67: {  	[sflag:s3] =	ssyncadd.s32 $0xFFFF6000  }
0x68: {  	_ =	sfence.sel $0x180000  }
0x69: {  	[bflag:$0x0] =	sbarrier.arrive $0xFFFF  }
0x6a: {  	p0 =	sne.s32 s0, $0x0;
	_ =	strace $0x90000050  }
0x6b: {  	s0 =	sadd.s32 @!p0 $0x100000, s1;
	[bflag:$0x2] =	sbarrier.arrive $0xFFFF  }
0x6c: {  	[sflag:s0] =	ssyncadd.tile.s32 @!p0 $0x1;
	_ =	shalt  }
.Lfunc_end2:
_tile_overlayer_lowered:
.L_overlay_start_2:
0x6d: {  	(tag) =	ssettag $0x2  }
0x6e: {  	s0 =	rddreg [dreg:$0x0];
	s2 =	stileid.u32  }
0x6f: {  	s1 =	rddreg [dreg:$0x1];
	p0 =	sne.s32 s2, $0x0  }
0x70: {  	s3 =	rddreg [dreg:$0x2];
	[bflag:$0x3] =	sbarrier.arrive $0xFFFF;
	s2 =	simm.s32 @!p0 $0x1C02  }
0x71: {  	[timem:s3], [sflag:s2] =	dma.local @!p0 [hbm:s0], s1  }
0x72: {  	s0 =	simm.s32 @!p0 $0x2  }
0x73: {  	_ =	swait.ge @!p0 [sflag:s0], s1  }
0x74: {  	s1 =	ssub.s32 @!p0 $0x0, s1;
	[sflag:s0] =	ssyncset.done @!p0 $0x0  }
0x75: {  	[sflag:s0] =	ssyncadd.s32 @!p0 s1  }
0x76: {  	[bflag:$0x3] =	sbarrier.arrive $0xFFFF  }
0x77: {  	_ =	shalt  }

// kernel: kernel.24.cloned.1.call-start
scs
__scs_entry_jumppad:
0x0: {  	(pc) =	sbr.rel $0x88, $3  }
0x1: {  	(tag) =	ssettag $0x0;
	lr =	simm.s32 $0x1  }
0x2: {  	[smem:$0x3F9D] =	sst lr;
	_ =	strace $0xD0000000  }
0x3: {  	_ = 	snop  }
0x4: {  	_ = 	snop  }
0x5: {  	_ = 	snop  }
0x6: {  	_ = 	snop  }
0x7: {  	_ = 	snop  }
__scs_overlays_trampoline_lowered:
0x8: {  	[smem:$0x3FAC] =	sst s0  }
0x9: {  	[smem:$0x3FAD] =	sst s1  }
0xa: {  	[smem:$0x3FAE] =	sst s2  }
0xb: {  	[smem:$0x3FAF] =	sst s3  }
0xc: {  	[smem:$0x3FB0] =	sst s4  }
0xd: {  	[smem:$0x3FB1] =	sst s5  }
0xe: {  	[smem:$0x3FB2] =	sst s6  }
0xf: {  	[smem:$0x3FB3] =	sst s7  }
0x10: {  	[smem:$0x3FB4] =	sst s8  }
0x11: {  	[smem:$0x3FB5] =	sst s9;
	s0 =	simm.s32 @!p0 $0x0  }
0x12: {  	s1 =	sld [smem:$0x3F9B];
	s0 =	simm.s32 @p0 $0x1  }
0x13: {  	[smem:$0x3FB6] =	sst s0;
	s0 =	simm.s32 @!p1 $0x0  }
0x14: {  	s2 =	sld [smem:$0x3F9A];
	s0 =	simm.s32 @p1 $0x1  }
0x15: {  	[smem:$0x3FB7] =	sst s0;
	s0 =	simm.s32 @!p2 $0x0  }
0x16: {  	s3 =	sld [smem:$0x3FDB];
	s0 =	simm.s32 @p2 $0x1  }
0x17: {  	s4 =	simm.s32 $0x1BF5;
	[smem:$0x3FB9] =	sst s0  }
0x18: {  	s0 =	sld [smem:$0x3F9C];
	_ =	swait.ge [sflag:s4], $0x0  }
0x19: {  	s7 =	sld [smem:$0x3F9D]  }
0x1a: {  	s8 =	sadd.s32 $0xFFFFE003, lr  }
0x1b: {  	s9 =	sadd.s32 $0xFFFFFEF7, lr;
	s5 =	simm.s32 $0xFFFFFFFF;
	p2 =	slt.u32 s8, $0xFFFFF086  }
0x1c: {  	p1 =	slt.u32 s9, $0xF7A;
	s5 =	simm.s32 @!p2 $0x0  }
0x1d: {  	s5 =	simm.s32 @p1 $0x1;
	p0 =	seq.s32 s7, s2  }
0x1e: {  	s7 =	smul.u32 @!p0 $0xF7A, s2;
	p2 =	seq.s32 @!p0 s5, $0x0  }
0x1f: {  	s9 =	smul.u32 $0xF7A, s1;
	s8 =	simm.s32 @!p0 $0x1BF5;
	p2 =	por !p2, p0  }
0x20: {  	[sflag:s8] =	ssyncset.s32 @!p0 $0xFFFFF086;
	s6 =	sadd.s32 @!p0 s3, s7;
	s7 =	simm.s32 @!p0 $0x108  }
0x21: {  	s3 =	sadd.s32 s3, s9;
	s6 =	sadd.s32 @!p0 $0x88, s6;
	s7 =	simm.s32 @p2 $0x1082  }
0x22: {  	[simem:s7], [sflag:s8] =	dma.local @!p0 [hbm:s6], $0xF7A  }
0x23: {  	s9 =	sor.u32 $0xD0000000, s2;
	s6 =	simm.s32 $0x108;
	_ =	swait.ge @!p0 [sflag:s8], $0x0  }
0x24: {  	s3 =	sadd.s32 $0x88, s3;
	s6 =	simm.s32 @!p1 $0x1082;
	[sflag:s4] =	ssyncset.s32 $0xFFFFF086  }
0x25: {  	[simem:s6], [sflag:s4] =	dma.local [hbm:s3], $0xF7A  }
0x26: {  	[smem:$0x3F9D] =	sst s1;
	(tag) =	ssettag s2;
	_ =	strace s9  }
0x27: {  	s1 =	sld [smem:$0x3FAD]  }
0x28: {  	s2 =	sld [smem:$0x3FAE]  }
0x29: {  	s4 =	sld [smem:$0x3FB0]  }
0x2a: {  	p0 =	seq.s32 s5, $0x0;
	s5 =	sld [smem:$0x3FB1]  }
0x2b: {  	s6 =	sld [smem:$0x3FB2]  }
0x2c: {  	s7 =	sld [smem:$0x3FB3]  }
0x2d: {  	s3 =	simm.s32 $0x108;
	s8 =	sld [smem:$0x3FB4]  }
0x2e: {  	s3 =	simm.s32 @!p0 $0x1082;
	s9 =	sld [smem:$0x3FB5]  }
0x2f: {  	lr =	sadd.s32 s0, s3;
	s0 =	sld [smem:$0x3FAC]  }
0x30: {  	s3 =	sld [smem:$0x3FAF]  }
0x31: {  	[smem:$0x3FB8] =	sst s10  }
0x32: {  	s10 =	sld [smem:$0x3FB6];
	_ =	sdelay $0x3  }
0x33: {  	p0 =	seq.s32 s10, $0x1;
	s10 =	sld [smem:$0x3FB8];
	_ =	sdelay $0x3  }
0x34: {  	[smem:$0x3FB8] =	sst s10  }
0x35: {  	s10 =	sld [smem:$0x3FB7];
	_ =	sdelay $0x3  }
0x36: {  	p1 =	seq.s32 s10, $0x1;
	s10 =	sld [smem:$0x3FB8];
	_ =	sdelay $0x3  }
0x37: {  	[smem:$0x3FB8] =	sst s10  }
0x38: {  	s10 =	sld [smem:$0x3FB9]  }
0x39: {  	_ = 	snop;
	(pc) =	sbr.ind lr, $3  }
0x3a: {  	_ = 	snop  }
0x3b: {  	_ = 	snop  }
0x3c: {  	p2 =	seq.s32 s10, $0x1;
	s10 =	sld [smem:$0x3FB8]  }
0x3d: {  	_ =	shalt  }
0x3e: {  	_ =	shalt  }
0x3f: {  	_ =	shalt  }
0x40: {  	_ =	shalt  }
0x41: {  	_ =	shalt  }
0x42: {  	_ =	shalt  }
0x43: {  	_ =	shalt  }
0x44: {  	_ =	shalt  }
0x45: {  	_ =	shalt  }
0x46: {  	_ =	shalt  }
0x47: {  	_ =	shalt  }
0x48: {  	_ =	shalt  }
0x49: {  	_ =	shalt  }
0x4a: {  	_ =	shalt  }
0x4b: {  	_ =	shalt  }
0x4c: {  	_ =	shalt  }
0x4d: {  	_ =	shalt  }
0x4e: {  	_ =	shalt  }
0x4f: {  	_ =	shalt  }
0x50: {  	_ =	shalt  }
0x51: {  	_ =	shalt  }
0x52: {  	_ =	shalt  }
0x53: {  	_ =	shalt  }
0x54: {  	_ =	shalt  }
0x55: {  	_ =	shalt  }
0x56: {  	_ =	shalt  }
0x57: {  	_ =	shalt  }
0x58: {  	_ =	shalt  }
0x59: {  	_ =	shalt  }
0x5a: {  	_ =	shalt  }
0x5b: {  	_ =	shalt  }
0x5c: {  	_ =	shalt  }
0x5d: {  	_ =	shalt  }
0x5e: {  	_ =	shalt  }
0x5f: {  	_ =	shalt  }
0x60: {  	_ =	shalt  }
0x61: {  	_ =	shalt  }
0x62: {  	_ =	shalt  }
0x63: {  	_ =	shalt  }
0x64: {  	_ =	shalt  }
0x65: {  	_ =	shalt  }
0x66: {  	_ =	shalt  }
0x67: {  	_ =	shalt  }
0x68: {  	_ =	shalt  }
0x69: {  	_ =	shalt  }
0x6a: {  	_ =	shalt  }
0x6b: {  	_ =	shalt  }
0x6c: {  	_ =	shalt  }
0x6d: {  	_ =	shalt  }
0x6e: {  	_ =	shalt  }
0x6f: {  	_ =	shalt  }
0x70: {  	_ =	shalt  }
0x71: {  	_ =	shalt  }
0x72: {  	_ =	shalt  }
0x73: {  	_ =	shalt  }
0x74: {  	_ =	shalt  }
0x75: {  	_ =	shalt  }
0x76: {  	_ =	shalt  }
0x77: {  	_ =	shalt  }
0x78: {  	_ =	shalt  }
0x79: {  	_ =	shalt  }
0x7a: {  	_ =	shalt  }
0x7b: {  	_ =	shalt  }
0x7c: {  	_ =	shalt  }
0x7d: {  	_ =	shalt  }
0x7e: {  	_ =	shalt  }
0x7f: {  	_ =	shalt  }
0x80: {  	_ =	shalt  }
0x81: {  	_ =	shalt  }
0x82: {  	_ =	shalt  }
0x83: {  	_ =	shalt  }
0x84: {  	_ =	shalt  }
0x85: {  	_ =	shalt  }
0x86: {  	_ =	shalt  }
0x87: {  	_ =	shalt  }
.Lfunc_end0:
.L_simem_size_0:
called_computation.6_lowered:
.L_overlay_start_0:
0x88: {  	s2 =	sld [smem:$0x3FD9]  }
0x89: {  	s3 =	sld [smem:$0x3FFE];
	_ =	sdelay $0x1  }
0x8a: {  	s1 =	srdreg.scid  }
0x8b: {  	s0 =	sand.u32 $0x1, s1  }
0x8c: {  	s15 =	sshll.u32 s0, $0xA;
	s2 =	sadd.s32 s3, s2  }
0x8d: {  	s2 =	sadd.s32 s2, s15  }
0x8e: {  	[smem:$0x3FC4] =	sst s2  }
0x8f: {  	_ = 	snop  }
0x90: {  	s2 =	sld [smem:$0x3FD0];
	_ =	sdelay $0x2  }
0x91: {  	s16 =	simm.s32 $0xE;
	s4 =	simm.s32 $0x10  }
0x92: {  	[smem:s4], [sflag:s16] =	dma.local [hbm:s2], $0x1  }
0x93: {  	_ =	swait.eq [sflag:s16], $0x1  }
0x94: {  	[sflag:s16] =	ssyncset.done $0x0  }
0x95: {  	[sflag:s16] =	ssyncadd.s32 $0xFFFFFFFF  }
0x96: {  	s17 =	sld [smem:$0x10];
	(tm) =	ssettm $0x1  }
0x97: {  	s18 =	sld [smem:$0x3FFB];
	_ =	sdelay $0x3  }
0x98: {  	_ =	strace s18  }
0x99: {  	s2 =	sld [smem:$0x3FFC];
	_ =	sdelay $0x3  }
0x9a: {  	_ =	strace s2  }
0x9b: {  	s2 =	sld [smem:$0x3FFD];
	_ =	sdelay $0x3  }
0x9c: {  	_ =	strace s2  }
0x9d: {  	_ =	strace $0x8FFFFFFF  }
0x9e: {  	s19 =	sld [smem:$0x3FDB];
	_ =	sdelay $0x1  }
0x9f: {  	s20 =	simm.s32 $_scs_section_size  }
0xa0: {  	s5 =	simm.s32 $_size__tile_overlayer_lowered;
	s6 =	simm.s32 $_tile_overlayer_lowered  }
0xa1: {  	s7 =	simm.s32 $0x1BFF;
	s21 =	sshll.u32 s6, $0x1;
	s4 =	sadd.s32 s20, s19  }
0xa2: {  	s22 =	simm.s32 $0x0;
	s5 =	sshll.u32 s5, $0x1;
	s6 =	sadd.s32 s21, s4  }
0xa3: {  	[timem:s22], [sflag:s7] =	dma.local [hbm:s6], s5  }
0xa4: {  	_ =	swait.ge [sflag:s7], s5  }
0xa5: {  	s5 =	ssub.s32 $0x0, s5;
	[sflag:s7] =	ssyncset.done $0x0  }
0xa6: {  	[sflag:s7] =	ssyncadd.s32 s5;
	_ =	sdelay $0x1  }
0xa7: {  	s23 =	simm.s32 $0x1B8B  }
0xa8: {  	_ =	swait.ge [sflag:s23], $0x1  }
0xa9: {  	[sflag:s23] =	ssyncset.done $0x0  }
0xaa: {  	[sflag:s23] =	ssyncadd.s32 $0xFFFFFFFF  }
0xab: {  	s5 =	sld [smem:$0x0]  }
0xac: {  	s6 =	sand.u32 $0xFFFFFFFE, s1  }
0xad: {  	p0 =	sne.s32 s1, s6  }
0xae: {  	s6 =	sshll.u32 @p0 s6, $0xE  }
0xaf: {  	s6 =	sadd.s32 @p0 $0x11B8D, s6;
	s7 =	sshll.u32 @p0 s5, $0x11  }
0xb0: {  	s6 =	sor.u32 @p0 s7, s6  }
0xb1: {  	[sflag:s6] =	ssyncadd.remote.s32 @p0 $0x1;
	_ =	sdelay $0x1  }
0xb2: {  	s6 =	simm.s32 @p0 $0x1B8D  }
0xb3: {  	_ =	swait.eq @p0 [sflag:s6], $0x1  }
0xb4: {  	[sflag:s6] =	ssyncadd.s32 @p0 $0xFFFFFFFF  }
0xb5: {  	s7 =	sshll.u32 @!p0 s1, $0xE  }
0xb6: {  	s7 =	sor.u32 @!p0 $0x4000, s7;
	s6 =	simm.s32 @!p0 $0x1B8D  }
0xb7: {  	s5 =	sshll.u32 @!p0 s5, $0x11;
	s7 =	sadd.s32 @!p0 $0x11B8D, s7;
	_ =	swait.eq @!p0 [sflag:s6], $0x1  }
0xb8: {  	s5 =	sor.u32 @!p0 s5, s7;
	[sflag:s6] =	ssyncadd.s32 @!p0 $0xFFFFFFFF  }
0xb9: {  	s25 =	simm.s32 $0x1B8E;
	s24 =	sld [smem:$0x3FFE];
	[sflag:s5] =	ssyncadd.remote.s32 @!p0 $0x1  }
0xba: {  	s26 =	simm.s32 $execute0_lowered;
	[smem:$0x3FD2] =	sst s25  }
0xbb: {  	s6 =	sshll.u32 s26, $0x1;
	_ =	strace $0x80000052;
	[dreg:$0x1] =	wrdreg $0xFFFFFFFF  }
0xbc: {  	s28 =	simm.s32 $_size_execute0_lowered;
	s4 =	sadd.s32 s4, s6;
	[dreg:$0x0] =	wrdreg $0x0  }
0xbd: {  	s6 =	sshll.u32 s28, $0x1;
	[dreg:$0x2] =	wrdreg s4  }
0xbe: {  	[dreg:$0x3] =	wrdreg s6  }
0xbf: {  	[dreg:$0x4] =	wrdreg $0xC0  }
0xc0: {  	_ =	task [dreg:s22], $0x5FFFF  }
0xc1: {  	[dreg:$0x1] =	wrdreg $0xFFFFFFFF  }
0xc2: {  	[dreg:$0x0] =	wrdreg $0x60  }
0xc3: {  	[dreg:$0x2] =	wrdreg s24  }
0xc4: {  	[dreg:$0x3] =	wrdreg s17  }
0xc5: {  	[dreg:$0x4] =	wrdreg $0xD  }
0xc6: {  	_ =	task.clear_ibuf [dreg:s22], $0x5FFFF;
	_ =	strace $0x90000052  }
0xc7: {  	s29 =	simm.s32 $0xD;
	_ =	strace $0x80000054  }
0xc8: {  	_ =	swait.ge [sflag:s29], $0x1  }
0xc9: {  	[sflag:s29] =	ssyncadd.s32 $0xFFFFFFFF  }
0xca: {  	_ =	strace $0x90000054  }
0xcb: {  	_ =	sfence  }
0xcc: {  	s30 =	sld [smem:$0x0];
	_ =	sdelay $0x2  }
0xcd: {  	s31 =	sshll.u32 s1, $0xD;
	s1 =	sshrl.u32 s1, $0x2  }
0xce: {  	s4 =	sand.u32 $0x4000, s31;
	s1 =	sadd.s32 s1, s30  }
0xcf: {  	s0 =	sor.u32 s4, s0;
	s1 =	sshll.u32 s1, $0x11  }
0xd0: {  	s0 =	sor.u32 s1, s0  }
0xd1: {  	s0 =	sadd.s32 $0x8F2B, s0  }
0xd2: {  	[sflag:s0] =	ssyncadd.remote.s32 $0x1  }
0xd3: {  	_ =	sfence.sel $0xFFFF  }
0xd4: {  	[dreg:$0x0] =	wrdreg $0xFFFFFFFF;
	(pc) =	sbr.abs _section_cstart, $3  }
0xd5: {  	[dreg:$0x1] =	wrdreg $0xFFFFFFFF  }
0xd6: {  	_ =	task.clear_ibuf [dreg:s22], $0x2FFFF;
	_ =	strace $0x9FFFFFFF  }
0xd7: {  	(tm) =	ssettm $0x7FFFFFFF  }
tec
execute0_lowered:
.L_overlay_start_1:
0x0: {  	(tag) =	ssettag $0x1  }
0x1: {  	s1 =	srdreg.scid;
	s0 =	stileid.u32  }
0x2: {  	s16 =	sand.u32 $0x1, s1;
	s29 =	sshll.u32 s0, $0x1  }
0x3: {  	s5 =	rddreg [dreg:$0x0];
	s9 =	sor.u32 s16, s29  }
0x4: {  	s15 =	rddreg [dreg:$0x1];
	s14 =	smul.u32 $0x500, s9  }
0x5: {  	s2 =	simm.s32 $0x0;
	s1 =	rddreg [dreg:$0x2]  }
0x6: {  	[smem:$0x7FF] =	sst s2;
	s17 =	sadd.s32 $0xA000, s5;
	s3 =	sshrl.u32 s14, $0x3  }
0x7: {  	_ =	strace $0x80000053;
	s4 =	sadd.s32 s17, s3;
	s3 =	simm.s32 $0x2  }
0x8: {  	[tilespmem:s2], [sflag:$0x2] =	stream.linear.gather [hbm4b:s4+s2], $0x140, $0x38;
	[tilespmem:$0xA180] =	vst v63  }
0x9: {  	_ =	swait.ge [sflag:s3], $0x140  }
0xa: {  	s6 =	simm.s32 $0x140;
	s7 =	simm.s32 $0x180;
	[sflag:s3] =	ssyncset.done $0x0  }
0xb: {  	s8 =	simm.s32 $0x1;
	s5 =	sadd.s32 $0xB400, s5;
	[sflag:s3] =	ssyncadd.s32 $0xFFFFFEC0  }
0xc: {  	[tilespmem:s7], [sflag:$0x1] =	stream.indirect.gather [hbm4b:s5+s6], $0x80, s2, s6, $0xb8;
	[tilespmem:$0xA180] =	vst v63  }
0xd: {  	s9 =	smul.u32 $0x5000, s9;
	_ =	swait.ge [sflag:s8], $0xA000  }
0xe: {  	[sflag:s8] =	ssyncset.done $0x0  }
0xf: {  	s9 =	sadd.s32 s15, s9;
	[sflag:s8] =	ssyncadd.s32 $0xFFFF6000  }
0x10: {  	[hbm4b:s9+s2] =	stream.linear.scatter [tilespmem:s7], [sflag:$0x2], $0xA000, $0x38;
	[tilespmem:$0xA180] =	vst v63  }
0x11: {  	s11 =	sadd.s32 $0x140, s14;
	_ =	swait.ge [sflag:s3], $0xA000  }
0x12: {  	s10 =	sshrl.u32 s11, $0x3;
	[sflag:s3] =	ssyncset.done $0x0  }
0x13: {  	s10 =	sadd.s32 s17, s10;
	[sflag:s3] =	ssyncadd.s32 $0xFFFF6000  }
0x14: {  	[tilespmem:s2], [sflag:$0x2] =	stream.linear.gather [hbm4b:s10+s2], $0x140, $0x38;
	[tilespmem:$0xA180] =	vst v63  }
0x15: {  	_ =	swait.ge [sflag:s3], $0x140  }
0x16: {  	[sflag:s3] =	ssyncset.done $0x0  }
0x17: {  	[sflag:s3] =	ssyncadd.s32 $0xFFFFFEC0  }
0x18: {  	[tilespmem:s7], [sflag:$0x1] =	stream.indirect.gather [hbm4b:s5+s6], $0x80, s2, s6, $0xb8;
	[tilespmem:$0xA180] =	vst v63  }
0x19: {  	_ =	swait.ge [sflag:s8], $0xA000  }
0x1a: {  	s11 =	sshll.u32 s11, $0x4;
	[sflag:s8] =	ssyncset.done $0x0  }
0x1b: {  	s11 =	sadd.s32 s15, s11;
	[sflag:s8] =	ssyncadd.s32 $0xFFFF6000  }
0x1c: {  	[hbm4b:s11+s2] =	stream.linear.scatter [tilespmem:s7], [sflag:$0x2], $0xA000, $0x38;
	[tilespmem:$0xA180] =	vst v63  }
0x1d: {  	s13 =	sadd.s32 $0x280, s14;
	_ =	swait.ge [sflag:s3], $0xA000  }
0x1e: {  	s12 =	sshrl.u32 s13, $0x3;
	[sflag:s3] =	ssyncset.done $0x0  }
0x1f: {  	s12 =	sadd.s32 s17, s12;
	[sflag:s3] =	ssyncadd.s32 $0xFFFF6000  }
0x20: {  	[tilespmem:s2], [sflag:$0x2] =	stream.linear.gather [hbm4b:s12+s2], $0x140, $0x38;
	[tilespmem:$0xA180] =	vst v63  }
0x21: {  	_ =	swait.ge [sflag:s3], $0x140  }
0x22: {  	[sflag:s3] =	ssyncset.done $0x0  }
0x23: {  	[sflag:s3] =	ssyncadd.s32 $0xFFFFFEC0  }
0x24: {  	[tilespmem:s7], [sflag:$0x1] =	stream.indirect.gather [hbm4b:s5+s6], $0x80, s2, s6, $0xb8;
	[tilespmem:$0xA180] =	vst v63  }
0x25: {  	_ =	swait.ge [sflag:s8], $0xA000  }
0x26: {  	s13 =	sshll.u32 s13, $0x4;
	[sflag:s8] =	ssyncset.done $0x0  }
0x27: {  	s13 =	sadd.s32 s15, s13;
	[sflag:s8] =	ssyncadd.s32 $0xFFFF6000  }
0x28: {  	[hbm4b:s13+s2] =	stream.linear.scatter [tilespmem:s7], [sflag:$0x2], $0xA000, $0x38;
	[tilespmem:$0xA180] =	vst v63  }
0x29: {  	s18 =	sadd.s32 $0x3C0, s14;
	_ =	swait.ge [sflag:s3], $0xA000  }
0x2a: {  	s14 =	sshrl.u32 s18, $0x3;
	[sflag:s3] =	ssyncset.done $0x0  }
0x2b: {  	s16 =	ssub.s32 $0x2, s16;
	s14 =	sadd.s32 s17, s14;
	[sflag:s3] =	ssyncadd.s32 $0xFFFF6000  }
0x2c: {  	[tilespmem:s2], [sflag:$0x2] =	stream.linear.gather [hbm4b:s14+s2], $0x140, $0x38;
	[tilespmem:$0xA180] =	vst v63  }
0x2d: {  	s30 =	sshrl.u32 s16, $0x1;
	_ =	swait.ge [sflag:s3], $0x140  }
0x2e: {  	s16 =	ssub.s32 s16, s30;
	[sflag:s3] =	ssyncset.done $0x0  }
0x2f: {  	s16 =	smax.u32 s16, $0x1;
	[sflag:s3] =	ssyncadd.s32 $0xFFFFFEC0  }
0x30: {  	[tilespmem:s7], [sflag:$0x1] =	stream.indirect.gather [hbm4b:s5+s6], $0x80, s2, s6, $0xb8;
	[tilespmem:$0xA180] =	vst v63  }
0x31: {  	p0 =	sne.s32 s16, $0x1;
	_ =	swait.ge [sflag:s8], $0xA000  }
.Ltmp0:
0x32: {  	s31 =	sshll.u32 s18, $0x4;
	[sflag:s8] =	ssyncset.done $0x0;
	(pc) =	sbr.rel @!p0 .LBB2_2-.Ltmp0, $4  }
0x33: {  	s15 =	sadd.s32 s15, s31;
	[sflag:s8] =	ssyncadd.s32 $0xFFFF6000  }
0x34: {  	[hbm4b:s15+s2] =	stream.linear.scatter [tilespmem:s7], [sflag:$0x2], $0xA000, $0x38;
	[tilespmem:$0xA180] =	vst v63  }
0x35: {  	_ =	swait.ge [sflag:s3], $0xA000  }
0x36: {  	s16 =	sadd.s32 $0xFFFFFFFF, s16;
	[sflag:s3] =	ssyncset.done $0x0  }
.LBB2_1:
0x37: {  	p0 =	sne.s32 s16, $0x1;
	s16 =	sadd.s32 $0xFFFFFFFF, s16;
	[sflag:s3] =	ssyncadd.s32 $0xFFFF6000  }
0x38: {  	[tilespmem:s2], [sflag:$0x2] =	stream.linear.gather [hbm4b:s4+s2], $0x140, $0x38;
	[tilespmem:$0xA180] =	vst v63  }
0x39: {  	_ =	swait.ge [sflag:s3], $0x140  }
0x3a: {  	[sflag:s3] =	ssyncset.done $0x0  }
0x3b: {  	[sflag:s3] =	ssyncadd.s32 $0xFFFFFEC0  }
0x3c: {  	[tilespmem:s7], [sflag:$0x1] =	stream.indirect.gather [hbm4b:s5+s6], $0x80, s2, s6, $0xb8;
	[tilespmem:$0xA180] =	vst v63  }
0x3d: {  	_ =	swait.ge [sflag:s8], $0xA000  }
0x3e: {  	[sflag:s8] =	ssyncset.done $0x0  }
0x3f: {  	[sflag:s8] =	ssyncadd.s32 $0xFFFF6000  }
0x40: {  	[hbm4b:s9+s2] =	stream.linear.scatter [tilespmem:s7], [sflag:$0x2], $0xA000, $0x38;
	[tilespmem:$0xA180] =	vst v63  }
0x41: {  	_ =	swait.ge [sflag:s3], $0xA000  }
0x42: {  	[sflag:s3] =	ssyncset.done $0x0  }
0x43: {  	[sflag:s3] =	ssyncadd.s32 $0xFFFF6000  }
0x44: {  	[tilespmem:s2], [sflag:$0x2] =	stream.linear.gather [hbm4b:s10+s2], $0x140, $0x38;
	[tilespmem:$0xA180] =	vst v63  }
0x45: {  	_ =	swait.ge [sflag:s3], $0x140  }
0x46: {  	[sflag:s3] =	ssyncset.done $0x0  }
0x47: {  	[sflag:s3] =	ssyncadd.s32 $0xFFFFFEC0  }
0x48: {  	[tilespmem:s7], [sflag:$0x1] =	stream.indirect.gather [hbm4b:s5+s6], $0x80, s2, s6, $0xb8;
	[tilespmem:$0xA180] =	vst v63  }
0x49: {  	_ =	swait.ge [sflag:s8], $0xA000  }
0x4a: {  	[sflag:s8] =	ssyncset.done $0x0  }
0x4b: {  	[sflag:s8] =	ssyncadd.s32 $0xFFFF6000  }
0x4c: {  	[hbm4b:s11+s2] =	stream.linear.scatter [tilespmem:s7], [sflag:$0x2], $0xA000, $0x38;
	[tilespmem:$0xA180] =	vst v63  }
0x4d: {  	_ =	swait.ge [sflag:s3], $0xA000  }
0x4e: {  	[sflag:s3] =	ssyncset.done $0x0  }
0x4f: {  	[sflag:s3] =	ssyncadd.s32 $0xFFFF6000  }
0x50: {  	[tilespmem:s2], [sflag:$0x2] =	stream.linear.gather [hbm4b:s12+s2], $0x140, $0x38;
	[tilespmem:$0xA180] =	vst v63  }
0x51: {  	_ =	swait.ge [sflag:s3], $0x140  }
0x52: {  	[sflag:s3] =	ssyncset.done $0x0  }
0x53: {  	[sflag:s3] =	ssyncadd.s32 $0xFFFFFEC0  }
0x54: {  	[tilespmem:s7], [sflag:$0x1] =	stream.indirect.gather [hbm4b:s5+s6], $0x80, s2, s6, $0xb8;
	[tilespmem:$0xA180] =	vst v63  }
0x55: {  	_ =	swait.ge [sflag:s8], $0xA000  }
0x56: {  	[sflag:s8] =	ssyncset.done $0x0  }
0x57: {  	[sflag:s8] =	ssyncadd.s32 $0xFFFF6000  }
0x58: {  	[hbm4b:s13+s2] =	stream.linear.scatter [tilespmem:s7], [sflag:$0x2], $0xA000, $0x38;
	[tilespmem:$0xA180] =	vst v63  }
0x59: {  	_ =	swait.ge [sflag:s3], $0xA000  }
0x5a: {  	[sflag:s3] =	ssyncset.done $0x0  }
0x5b: {  	[sflag:s3] =	ssyncadd.s32 $0xFFFF6000  }
0x5c: {  	[tilespmem:s2], [sflag:$0x2] =	stream.linear.gather [hbm4b:s14+s2], $0x140, $0x38;
	[tilespmem:$0xA180] =	vst v63  }
0x5d: {  	_ =	swait.ge [sflag:s3], $0x140  }
0x5e: {  	[sflag:s3] =	ssyncset.done $0x0  }
0x5f: {  	[sflag:s3] =	ssyncadd.s32 $0xFFFFFEC0  }
0x60: {  	[tilespmem:s7], [sflag:$0x1] =	stream.indirect.gather [hbm4b:s5+s6], $0x80, s2, s6, $0xb8;
	[tilespmem:$0xA180] =	vst v63  }
0x61: {  	_ =	swait.ge [sflag:s8], $0xA000  }
.Ltmp1:
0x62: {  	[sflag:s8] =	ssyncset.done $0x0;
	(pc) =	sbr.rel @p0 .LBB2_1-.Ltmp1, $4  }
0x63: {  	[sflag:s8] =	ssyncadd.s32 $0xFFFF6000  }
0x64: {  	[hbm4b:s15+s2] =	stream.linear.scatter [tilespmem:s7], [sflag:$0x2], $0xA000, $0x38;
	[tilespmem:$0xA180] =	vst v63  }
0x65: {  	_ =	swait.ge [sflag:s3], $0xA000  }
0x66: {  	[sflag:s3] =	ssyncset.done $0x0  }
.LBB2_2:
0x67: {  	[sflag:s3] =	ssyncadd.s32 $0xFFFF6000  }
0x68: {  	_ =	sfence.sel $0x180000  }
0x69: {  	[bflag:$0x0] =	sbarrier.arrive $0xFFFF  }
0x6a: {  	p0 =	sne.s32 s0, $0x0;
	_ =	strace $0x90000053  }
0x6b: {  	s0 =	sadd.s32 @!p0 $0x100000, s1;
	[bflag:$0x2] =	sbarrier.arrive $0xFFFF  }
0x6c: {  	[sflag:s0] =	ssyncadd.tile.s32 @!p0 $0x1;
	_ =	shalt  }
.Lfunc_end2:
_tile_overlayer_lowered:
.L_overlay_start_2:
0x6d: {  	(tag) =	ssettag $0x2  }
0x6e: {  	s0 =	rddreg [dreg:$0x0];
	s2 =	stileid.u32  }
0x6f: {  	s1 =	rddreg [dreg:$0x1];
	p0 =	sne.s32 s2, $0x0  }
0x70: {  	s3 =	rddreg [dreg:$0x2];
	[bflag:$0x3] =	sbarrier.arrive $0xFFFF;
	s2 =	simm.s32 @!p0 $0x1C02  }
0x71: {  	[timem:s3], [sflag:s2] =	dma.local @!p0 [hbm:s0], s1  }
0x72: {  	s0 =	simm.s32 @!p0 $0x2  }
0x73: {  	_ =	swait.ge @!p0 [sflag:s0], s1  }
0x74: {  	s1 =	ssub.s32 @!p0 $0x0, s1;
	[sflag:s0] =	ssyncset.done @!p0 $0x0  }
0x75: {  	[sflag:s0] =	ssyncadd.s32 @!p0 s1  }
0x76: {  	[bflag:$0x3] =	sbarrier.arrive $0xFFFF  }
0x77: {  	_ =	shalt  }

// kernel: sparse-core-data-format-call.1.cloned.1.call-start
scs
called_computation.1_lowered:
.L_overlay_start_0:
0x0: {  	s2 =	sld [smem:$0x3FD9]  }
0x1: {  	s3 =	sld [smem:$0x3FFE];
	_ =	sdelay $0x1  }
0x2: {  	s1 =	srdreg.scid  }
0x3: {  	s0 =	sand.u32 $0x1, s1  }
0x4: {  	s15 =	sshll.u32 s0, $0xA;
	s2 =	sadd.s32 s3, s2  }
0x5: {  	s2 =	sadd.s32 s2, s15  }
0x6: {  	[smem:$0x3FC4] =	sst s2  }
0x7: {  	_ = 	snop  }
0x8: {  	s2 =	sld [smem:$0x3FD0];
	_ =	sdelay $0x2  }
0x9: {  	s16 =	simm.s32 $0xE;
	s4 =	simm.s32 $0x10  }
0xa: {  	[smem:s4], [sflag:s16] =	dma.local [hbm:s2], $0x1  }
0xb: {  	_ =	swait.eq [sflag:s16], $0x1  }
0xc: {  	[sflag:s16] =	ssyncset.done $0x0  }
0xd: {  	[sflag:s16] =	ssyncadd.s32 $0xFFFFFFFF  }
0xe: {  	s17 =	sld [smem:$0x10];
	(tm) =	ssettm $0x1  }
0xf: {  	s18 =	sld [smem:$0x3FFB];
	_ =	sdelay $0x3  }
0x10: {  	_ =	strace s18  }
0x11: {  	s3 =	sld [smem:$0x3FFC];
	_ =	sdelay $0x3  }
0x12: {  	_ =	strace s3  }
0x13: {  	s3 =	sld [smem:$0x3FFD];
	_ =	sdelay $0x3  }
0x14: {  	_ =	strace s3  }
0x15: {  	_ =	strace $0x8FFFFFFF  }
0x16: {  	s19 =	sld [smem:$0x3FDB];
	_ =	sdelay $0x1  }
0x17: {  	s20 =	simm.s32 $_scs_section_size  }
0x18: {  	s5 =	simm.s32 $_size__tile_overlayer_lowered;
	s6 =	simm.s32 $_tile_overlayer_lowered  }
0x19: {  	s23 =	simm.s32 $0x1BFF;
	s22 =	sshll.u32 s6, $0x1;
	s3 =	sadd.s32 s20, s19  }
0x1a: {  	s7 =	simm.s32 $0x0;
	s21 =	sshll.u32 s5, $0x1;
	s5 =	sadd.s32 s22, s3  }
0x1b: {  	[timem:s7], [sflag:s23] =	dma.local [hbm:s5], s21  }
0x1c: {  	_ =	swait.ge [sflag:s23], s21  }
0x1d: {  	s4 =	ssub.s32 $0x0, s21;
	[sflag:s23] =	ssyncset.done $0x0  }
0x1e: {  	[sflag:s23] =	ssyncadd.s32 s4;
	_ =	sdelay $0x1  }
0x1f: {  	s24 =	simm.s32 $0x1B8B  }
0x20: {  	_ =	swait.ge [sflag:s24], $0x1  }
0x21: {  	[sflag:s24] =	ssyncset.done $0x0  }
0x22: {  	s26 =	simm.s32 $0x1B8E;
	s25 =	sld [smem:$0x3FFE];
	[sflag:s24] =	ssyncadd.s32 $0xFFFFFFFF  }
0x23: {  	s27 =	simm.s32 $execute0_lowered;
	[smem:$0x3FD2] =	sst s26  }
0x24: {  	s5 =	sshll.u32 s27, $0x1;
	_ =	strace $0x80000055;
	[dreg:$0x1] =	wrdreg $0xFFFFFFFF  }
0x25: {  	s28 =	simm.s32 $_size_execute0_lowered;
	s3 =	sadd.s32 s3, s5;
	[dreg:$0x0] =	wrdreg $0x0  }
0x26: {  	s5 =	sshll.u32 s28, $0x1;
	[dreg:$0x2] =	wrdreg s3  }
0x27: {  	[dreg:$0x3] =	wrdreg s5  }
0x28: {  	[dreg:$0x4] =	wrdreg $0xC0  }
0x29: {  	_ =	task [dreg:s7], $0x5FFFF  }
0x2a: {  	[dreg:$0x1] =	wrdreg $0xFFFFFFFF  }
0x2b: {  	[dreg:$0x0] =	wrdreg $0x60  }
0x2c: {  	[dreg:$0x2] =	wrdreg s25  }
0x2d: {  	[dreg:$0x3] =	wrdreg s17  }
0x2e: {  	[dreg:$0x4] =	wrdreg $0xA  }
0x2f: {  	_ =	task.clear_ibuf [dreg:s7], $0x5FFFF;
	_ =	strace $0x90000055  }
0x30: {  	s29 =	simm.s32 $0xA;
	_ =	strace $0x80000057  }
0x31: {  	_ =	swait.ge [sflag:s29], $0x1  }
0x32: {  	[sflag:s29] =	ssyncadd.s32 $0xFFFFFFFF  }
0x33: {  	_ =	strace $0x90000057  }
0x34: {  	_ =	sfence  }
0x35: {  	s30 =	sld [smem:$0x0];
	_ =	sdelay $0x2  }
0x36: {  	s31 =	sshll.u32 s1, $0xD;
	s1 =	sshrl.u32 s1, $0x2  }
0x37: {  	s3 =	sand.u32 $0x4000, s31;
	s1 =	sadd.s32 s1, s30  }
0x38: {  	s0 =	sor.u32 s3, s0;
	s1 =	sshll.u32 s1, $0x11  }
0x39: {  	s0 =	sor.u32 s1, s0  }
0x3a: {  	s0 =	sadd.s32 $0x8F2B, s0  }
0x3b: {  	[sflag:s0] =	ssyncadd.remote.s32 $0x1  }
0x3c: {  	_ =	sfence.sel $0xFFFF  }
0x3d: {  	[dreg:$0x0] =	wrdreg $0xFFFFFFFF;
	(pc) =	sbr.abs _section_cstart, $3  }
0x3e: {  	[dreg:$0x1] =	wrdreg $0xFFFFFFFF  }
0x3f: {  	_ =	task.clear_ibuf [dreg:s7], $0x2FFFF;
	_ =	strace $0x9FFFFFFF  }
0x40: {  	(tm) =	ssettm $0x7FFFFFFF  }
0x41: {  	_ =	shalt  }
tec
execute0_lowered:
.L_overlay_start_1:
0x0: {  	(tag) =	ssettag $0x1  }
0x1: {  	s7 =	rddreg [dreg:$0x0]  }
0x2: {  	s2 =	rddreg [dreg:$0x1]  }
0x3: {  	s0 =	stileid.u32;
	s1 =	srdreg.scid;
	s31 =	simm.s32 $0x2  }
0x4: {  	s14 =	simm.s32 $0x0;
	s15 =	simm.s32 $0x0;
	s13 =	simm.s32 $0x0  }
0x5: {  	s3 =	sshll.u32 s0, $0x5;
	s4 =	sshll.u32 s1, $0x9;
	s5 =	sshll.u32 s0, $0x1  }
0x6: {  	s1 =	rddreg [dreg:$0x2];
	s4 =	sor.u32 s3, s4;
	s3 =	sand.u32 $0x6, s5  }
0x7: {  	_ =	strace $0x80000056;
	s4 =	sand.u32 $0x380, s4;
	s5 =	ssub.s32 $0xC8, s3  }
0x8: {  	s12 =	smov.u32 s3;
	s8 =	sshll.u32 s4, $0x4;
	s6 =	sand.u32 $0x6, s5  }
0x9: {  	s9 =	ssub.s32 $0x400, s4;
	s11 =	sshrl.u32 s5, $0x3;
	s5 =	simm.s32 $0x1  }
0xa: {  	p0 =	sne.s32 s6, $0x0;
	s6 =	simm.s32 $0x1;
	s10 =	sand.u32 $0x380, s9  }
0xb: {  	s6 =	simm.s32 @!p0 $0x0;
	p0 =	sne.s32 s10, $0x0;
	s10 =	simm.s32 $0x1  }
.Ltmp0:
0xc: {  	s9 =	sshrl.u32 s9, $0xA;
	s10 =	simm.s32 @!p0 $0x0;
	(pc) =	sbr.rel .LBB1_1-.Ltmp0, $4  }
0xd: {  	[sflag:s5] =	ssyncpa.u1 $0x0;
	s6 =	sadd.s32 s6, s11;
	s9 =	sadd.s32 s10, s9  }
0xe: {  	s8 =	sadd.s32 s8, s7;
	[sflag:s31] =	ssyncpa.u1 $0x0;
	s6 =	smul.u32 s6, s9  }
0xf: {  	s7 =	sadd.s32 $0x691E00, s8;
	s8 =	sadd.s32 $0x695E00, s8;
	p0 =	por $0x0, $0x0  }
0x10: {  	s11 =	simm.s32 $0x2000;
	s10 =	simm.s32 $0x400;
	s9 =	sadd.s32 $0x1, s6  }
.LBB1_7:
0x11: {  	s16 =	sadd.s32 $0x8, s12  }
0x12: {  	p2 =	sgt.s32 s16, $0xC7  }
0x13: {  	s16 =	smov.u32 @p2 s3;
	p2 =	sne.s32 s13, s9  }
.Ltmp1:
0x14: {  	p1 =	slt.u32 s13, $0x2;
	(pc) =	sbr.rel @!p2 .LBB1_8-.Ltmp1, $4  }
0x15: {  	s14 =	simm.s32 @!p1 $0x2  }
0x16: {  	s17 =	sadd.s32 $0x1, s13;
	s15 =	smov.u32 s12;
	_ =	swait.ge @!p1 [sflag:s14], $0x4000  }
0x17: {  	p0 =	por !p0, !p0;
	s13 =	smov.u32 s17;
	[sflag:s14] =	ssyncset.done @!p1 $0x0  }
0x18: {  	s12 =	smov.u32 s16;
	[sflag:s14] =	ssyncadd.s32 @!p1 $0xFFFFC000;
	s14 =	smov.u32 s4  }
.LBB1_1:
0x19: {  	p1 =	sge.u32 s13, s6  }
0x1a: {  	s16 =	sxor.u32 @!p1 $0xFFFFFFFF, s13  }
0x1b: {  	s17 =	sshll.u32 @!p1 s12, $0xE;
	s19 =	simm.s32 @!p1 $0x40;
	s16 =	sshll.u32 @!p1 s16, $0xE  }
0x1c: {  	s20 =	simm.s32 @!p1 $0x80;
	s18 =	sadd.s32 @!p1 s17, s7;
	s16 =	sand.u32 @!p1 $0x4000, s16  }
0x1d: {  	[tilespmem:s16], [sflag:$0x1] =	stream.strided.gather @!p1 [hbm4b:s18+s19], $0x2000, s20, s19, $0x38;
	[tilespmem:$0x10100] =	vst v63  }
0x1e: {  	s31 =	sadd.s32 $0xFFFFFFFF, s13;
	s17 =	sadd.s32 @!p1 s17, s8;
	s16 =	sor.u32 @!p1 $0x2000, s16  }
0x1f: {  	[tilespmem:s16], [sflag:$0x1] =	stream.strided.gather @!p1 [hbm4b:s17+s19], $0x2000, s20, s19, $0x38;
	[tilespmem:$0x10100] =	vst v63  }
0x20: {  	p1 =	sge.u32 s31, s6  }
.Ltmp2:
0x21: {  	_ = 	snop;
	(pc) =	sbr.rel @p1 .LBB1_7-.Ltmp2, $1  }
0x22: {  	_ =	sdelay $0x3  }
0x23: {  	s16 =	simm.s32 $0x1;
	s18 =	sand.u32 $0x1, s13  }
0x24: {  	_ =	swait.ge [sflag:s5], $0x4000;
	s16 =	simm.s32 @!p0 $0x0;
	s18 =	smul.u32 $0x10200, s18  }
0x25: {  	p2 =	por $0x1, $0x1;
	[sflag:s5] =	ssyncset.done $0x0;
	s17 =	smul.u32 $0x10200, s16  }
0x26: {  	s19 =	sshll.u32 s16, $0x10;
	[sflag:s5] =	ssyncadd.s32 $0xFFFFC000;
	s30 =	sshrl.u32 s18, $0x2  }
0x27: {  	s31 =	sshrl.u32 s19, $0x2;
	s19 =	simm.s32 $0x0;
	s17 =	sshrl.u32 s17, $0x2  }
0x28: {  	s16 =	sor.u32 $0x8000, s30;
	s18 =	sadd.s32 $0x20, s31;
	s17 =	sor.u32 $0x8000, s17  }
.LBB1_3:
0x29: {  	s20 =	sshll.u32 s19, $0xD  }
0x2a: {  	s20 =	sand.u32 $0x3FFFE000, s20  }
0x2b: {  	s22 =	sadd.s32 s20, s18  }
0x2c: {  	s31 =	smul.u32 $0x8100, s19;
	v3 =	vld [tilespmem:s22+$0x10]  }
0x2d: {  	v1 =	vld [tilespmem:s22+$0xFFFFFFF0]  }
0x2e: {  	s19 =	sshra.s32 s31, $0x2;
	v0 =	vld [tilespmem:s22+$0x0]  }
0x2f: {  	s19 =	sadd.s32 s19, s17;
	v2 =	vld [tilespmem:s22+$0xFFFFFFE0]  }
0x30: {  	s20 =	sadd.s32 $0x0, s19  }
0x31: {  	p1 =	por p2, p2;
	s21 =	simm.s32 $0x4;
	s22 =	sadd.s32 $0x40, s22;
	[tilespmem:s20+$0x1830 ss:$0x81] =	vst.msk $0xffff, v3  }
.LBB1_4:
0x32: {  	v3 =	vld [tilespmem:s22+$0x10];
	p2 =	sne.s32 s21, $0x1FC;
	[tilespmem:s20+$0x810 ss:$0x81] =	vst.msk $0xffff, v1;
	s23 =	smov.u32 s21;
	s21 =	sadd.s32 $0x4, s21  }
.Ltmp3:
0x33: {  	v1 =	vld [tilespmem:s22+$0xFFFFFFF0];
	[tilespmem:s20+$0x1020 ss:$0x81] =	vst.msk $0xffff, v0;
	(pc) =	sbr.rel @p2 .LBB1_4-.Ltmp3, $4  }
0x34: {  	v0 =	vld [tilespmem:s22+$0x0];
	[tilespmem:s20+$0x0 ss:$0x81] =	vst.msk $0xffff, v2  }
0x35: {  	s20 =	sshra.s32 s23, $0x2;
	v2 =	vld [tilespmem:s22+$0xFFFFFFE0]  }
0x36: {  	s20 =	sadd.s32 s20, s19  }
0x37: {  	s22 =	sadd.s32 $0x40, s22;
	[tilespmem:s20+$0x1830 ss:$0x81] =	vst.msk $0xffff, v3  }
.Ltmp4:
0x38: {  	(pc) =	sbr.rel @p1 .LBB1_3-.Ltmp4, $4  }
0x39: {  	_ = 	snop  }
0x3a: {  	[tilespmem:s20+$0x810 ss:$0x81] =	vst.msk $0xffff, v1  }
0x3b: {  	[tilespmem:s20+$0x1020 ss:$0x81] =	vst.msk $0xffff, v0  }
0x3c: {  	s19 =	simm.s32 $0x1;
	p2 =	por $0x0, $0x0;
	[tilespmem:s20+$0x0 ss:$0x81] =	vst.msk $0xffff, v2  }
.Ltmp5:
0x3d: {  	(pc) =	sbr.rel .LBB1_7-.Ltmp5, $4  }
0x3e: {  	_ = 	snop  }
0x3f: {  	s15 =	sshll.u32 s15, $0xD;
	s14 =	sadd.s32 s2, s14  }
0x40: {  	s14 =	sadd.s32 s15, s14  }
0x41: {  	[hbm4b:s14+s10] =	stream.strided.scatter [tilespmem:s16], [sflag:$0x2], $0x4000, s11, s10, $0x20;
	[tilespmem:$0x10100] =	vst v63  }
.LBB1_8:
0x42: {  	_ =	sfence.sel $0x180000  }
0x43: {  	s2 =	simm.s32 $0x1;
	[bflag:$0x0] =	sbarrier.arrive $0xFFFF  }
0x44: {  	s31 =	simm.s32 $0x2;
	[sflag:s2] =	ssyncpa.u1 $0x1  }
0x45: {  	[sflag:s31] =	ssyncpa.u1 $0x1  }
0x46: {  	p0 =	sne.s32 s0, $0x0;
	_ =	strace $0x90000056  }
0x47: {  	s0 =	sadd.s32 @!p0 $0x100000, s1;
	[bflag:$0x2] =	sbarrier.arrive $0xFFFF  }
0x48: {  	[sflag:s0] =	ssyncadd.tile.s32 @!p0 $0x1;
	_ =	shalt  }
.Lfunc_end1:
_tile_overlayer_lowered:
.L_overlay_start_2:
0x49: {  	(tag) =	ssettag $0x2  }
0x4a: {  	s0 =	rddreg [dreg:$0x0];
	s2 =	stileid.u32  }
0x4b: {  	s1 =	rddreg [dreg:$0x1];
	p0 =	sne.s32 s2, $0x0  }
0x4c: {  	s3 =	rddreg [dreg:$0x2];
	[bflag:$0x3] =	sbarrier.arrive $0xFFFF;
	s2 =	simm.s32 @!p0 $0x1C01  }
0x4d: {  	[timem:s3], [sflag:s2] =	dma.local @!p0 [hbm:s0], s1  }
0x4e: {  	s0 =	simm.s32 @!p0 $0x1  }
0x4f: {  	_ =	swait.ge @!p0 [sflag:s0], s1  }
0x50: {  	s1 =	ssub.s32 @!p0 $0x0, s1;
	[sflag:s0] =	ssyncset.done @!p0 $0x0  }
0x51: {  	[sflag:s0] =	ssyncadd.s32 @!p0 s1  }
0x52: {  	[bflag:$0x3] =	sbarrier.arrive $0xFFFF  }
0x53: {  	_ =	shalt  }

// kernel: sparse-core-data-format-call.cloned.1.call-start
scs
called_computation_lowered:
.L_overlay_start_0:
0x0: {  	s2 =	sld [smem:$0x3FD9]  }
0x1: {  	s3 =	sld [smem:$0x3FFE];
	_ =	sdelay $0x1  }
0x2: {  	s1 =	srdreg.scid  }
0x3: {  	s0 =	sand.u32 $0x1, s1  }
0x4: {  	s16 =	sshll.u32 s0, $0xA;
	s2 =	sadd.s32 s3, s2  }
0x5: {  	s2 =	sadd.s32 s2, s16  }
0x6: {  	[smem:$0x3FC4] =	sst s2  }
0x7: {  	_ = 	snop  }
0x8: {  	s2 =	sld [smem:$0x3FD0];
	_ =	sdelay $0x2  }
0x9: {  	s17 =	simm.s32 $0xE;
	s4 =	simm.s32 $0x10  }
0xa: {  	[smem:s4], [sflag:s17] =	dma.local [hbm:s2], $0x1  }
0xb: {  	_ =	swait.eq [sflag:s17], $0x1  }
0xc: {  	[sflag:s17] =	ssyncset.done $0x0  }
0xd: {  	[sflag:s17] =	ssyncadd.s32 $0xFFFFFFFF  }
0xe: {  	s18 =	sld [smem:$0x11];
	(tm) =	ssettm $0x1  }
0xf: {  	s19 =	sld [smem:$0x3FFB];
	_ =	sdelay $0x3  }
0x10: {  	_ =	strace s19  }
0x11: {  	s2 =	sld [smem:$0x3FFC];
	_ =	sdelay $0x3  }
0x12: {  	_ =	strace s2  }
0x13: {  	s2 =	sld [smem:$0x3FFD];
	_ =	sdelay $0x3  }
0x14: {  	_ =	strace s2  }
0x15: {  	_ =	strace $0x8FFFFFFF  }
0x16: {  	s20 =	sld [smem:$0x3FDB];
	_ =	sdelay $0x1  }
0x17: {  	s21 =	simm.s32 $_scs_section_size  }
0x18: {  	s5 =	simm.s32 $_size__tile_overlayer_lowered;
	s6 =	simm.s32 $_tile_overlayer_lowered  }
0x19: {  	s7 =	simm.s32 $0x1BFF;
	s22 =	sshll.u32 s6, $0x1;
	s4 =	sadd.s32 s21, s20  }
0x1a: {  	s23 =	simm.s32 $0x0;
	s5 =	sshll.u32 s5, $0x1;
	s6 =	sadd.s32 s22, s4  }
0x1b: {  	[timem:s23], [sflag:s7] =	dma.local [hbm:s6], s5  }
0x1c: {  	_ =	swait.ge [sflag:s7], s5  }
0x1d: {  	s5 =	ssub.s32 $0x0, s5;
	[sflag:s7] =	ssyncset.done $0x0  }
0x1e: {  	[sflag:s7] =	ssyncadd.s32 s5;
	_ =	sdelay $0x1  }
0x1f: {  	s24 =	simm.s32 $0x1B8B  }
0x20: {  	_ =	swait.ge [sflag:s24], $0x1  }
0x21: {  	[sflag:s24] =	ssyncset.done $0x0  }
0x22: {  	[sflag:s24] =	ssyncadd.s32 $0xFFFFFFFF  }
0x23: {  	s5 =	sld [smem:$0x0]  }
0x24: {  	s6 =	sand.u32 $0xFFFFFFFE, s1  }
0x25: {  	p0 =	sne.s32 s1, s6  }
0x26: {  	s6 =	sshll.u32 @p0 s6, $0xE  }
0x27: {  	s6 =	sadd.s32 @p0 $0x11B8D, s6;
	s7 =	sshll.u32 @p0 s5, $0x11  }
0x28: {  	s6 =	sor.u32 @p0 s7, s6  }
0x29: {  	[sflag:s6] =	ssyncadd.remote.s32 @p0 $0x1;
	_ =	sdelay $0x1  }
0x2a: {  	s6 =	simm.s32 @p0 $0x1B8D  }
0x2b: {  	_ =	swait.eq @p0 [sflag:s6], $0x1  }
0x2c: {  	[sflag:s6] =	ssyncadd.s32 @p0 $0xFFFFFFFF  }
0x2d: {  	s7 =	sshll.u32 @!p0 s1, $0xE  }
0x2e: {  	s7 =	sor.u32 @!p0 $0x4000, s7;
	s6 =	simm.s32 @!p0 $0x1B8D  }
0x2f: {  	s5 =	sshll.u32 @!p0 s5, $0x11;
	s7 =	sadd.s32 @!p0 $0x11B8D, s7;
	_ =	swait.eq @!p0 [sflag:s6], $0x1  }
0x30: {  	s5 =	sor.u32 @!p0 s5, s7;
	[sflag:s6] =	ssyncadd.s32 @!p0 $0xFFFFFFFF  }
0x31: {  	s26 =	simm.s32 $0x1B8E;
	s25 =	sld [smem:$0x3FFE];
	[sflag:s5] =	ssyncadd.remote.s32 @!p0 $0x1  }
0x32: {  	s27 =	simm.s32 $execute0_lowered;
	[smem:$0x3FD2] =	sst s26  }
0x33: {  	s6 =	sshll.u32 s27, $0x1;
	_ =	strace $0x80000058;
	[dreg:$0x1] =	wrdreg $0xFFFFFFFF  }
0x34: {  	s28 =	simm.s32 $_size_execute0_lowered;
	s4 =	sadd.s32 s4, s6;
	[dreg:$0x0] =	wrdreg $0x0  }
0x35: {  	s6 =	sshll.u32 s28, $0x1;
	[dreg:$0x2] =	wrdreg s4  }
0x36: {  	[dreg:$0x3] =	wrdreg s6  }
0x37: {  	[dreg:$0x4] =	wrdreg $0xC0  }
0x38: {  	_ =	task [dreg:s23], $0x5FFFF  }
0x39: {  	[dreg:$0x1] =	wrdreg $0xFFFFFFFF  }
0x3a: {  	[dreg:$0x0] =	wrdreg $0x60  }
0x3b: {  	[dreg:$0x2] =	wrdreg s25  }
0x3c: {  	[dreg:$0x3] =	wrdreg s18  }
0x3d: {  	[dreg:$0x4] =	wrdreg $0x9  }
0x3e: {  	_ =	task.clear_ibuf [dreg:s23], $0x5FFFF;
	_ =	strace $0x90000058  }
0x3f: {  	s29 =	simm.s32 $0x9;
	_ =	strace $0x8000005A  }
0x40: {  	_ =	swait.ge [sflag:s29], $0x1  }
0x41: {  	[sflag:s29] =	ssyncadd.s32 $0xFFFFFFFF  }
0x42: {  	_ =	strace $0x9000005A  }
0x43: {  	_ =	sfence  }
0x44: {  	s30 =	sld [smem:$0x0];
	_ =	sdelay $0x2  }
0x45: {  	s31 =	sshll.u32 s1, $0xD;
	s1 =	sshrl.u32 s1, $0x2  }
0x46: {  	s4 =	sand.u32 $0x4000, s31;
	s1 =	sadd.s32 s1, s30  }
0x47: {  	s0 =	sor.u32 s4, s0;
	s1 =	sshll.u32 s1, $0x11  }
0x48: {  	s0 =	sor.u32 s1, s0  }
0x49: {  	s0 =	sadd.s32 $0x8F2B, s0  }
0x4a: {  	[sflag:s0] =	ssyncadd.remote.s32 $0x1  }
0x4b: {  	_ =	sfence.sel $0xFFFF  }
0x4c: {  	[dreg:$0x0] =	wrdreg $0xFFFFFFFF;
	(pc) =	sbr.abs _section_cstart, $3  }
0x4d: {  	[dreg:$0x1] =	wrdreg $0xFFFFFFFF  }
0x4e: {  	_ =	task.clear_ibuf [dreg:s23], $0x2FFFF;
	_ =	strace $0x9FFFFFFF  }
0x4f: {  	(tm) =	ssettm $0x7FFFFFFF  }
tec
execute0_lowered:
.L_overlay_start_1:
0x0: {  	(tag) =	ssettag $0x1  }
0x1: {  	s7 =	rddreg [dreg:$0x0]  }
0x2: {  	s2 =	rddreg [dreg:$0x1]  }
0x3: {  	s0 =	stileid.u32;
	s1 =	srdreg.scid;
	s31 =	simm.s32 $0x2  }
0x4: {  	s14 =	simm.s32 $0x0;
	s15 =	simm.s32 $0x0;
	s13 =	simm.s32 $0x0  }
0x5: {  	s3 =	sshll.u32 s0, $0x5;
	s4 =	sshll.u32 s1, $0x9;
	s5 =	sshll.u32 s0, $0x1  }
0x6: {  	s1 =	rddreg [dreg:$0x2];
	s4 =	sor.u32 s3, s4;
	s3 =	sand.u32 $0x6, s5  }
0x7: {  	_ =	strace $0x80000059;
	s4 =	sand.u32 $0x380, s4;
	s5 =	ssub.s32 $0xC8, s3  }
0x8: {  	s12 =	smov.u32 s3;
	s8 =	sshll.u32 s4, $0x4;
	s6 =	sand.u32 $0x6, s5  }
0x9: {  	s9 =	ssub.s32 $0x400, s4;
	s11 =	sshrl.u32 s5, $0x3;
	s5 =	simm.s32 $0x1  }
0xa: {  	p0 =	sne.s32 s6, $0x0;
	s6 =	simm.s32 $0x1;
	s10 =	sand.u32 $0x380, s9  }
0xb: {  	s6 =	simm.s32 @!p0 $0x0;
	p0 =	sne.s32 s10, $0x0;
	s10 =	simm.s32 $0x1  }
.Ltmp0:
0xc: {  	s9 =	sshrl.u32 s9, $0xA;
	s10 =	simm.s32 @!p0 $0x0;
	(pc) =	sbr.rel .LBB1_1-.Ltmp0, $4  }
0xd: {  	[sflag:s5] =	ssyncpa.u1 $0x0;
	s6 =	sadd.s32 s6, s11;
	s9 =	sadd.s32 s10, s9  }
0xe: {  	s8 =	sadd.s32 s8, s7;
	[sflag:s31] =	ssyncpa.u1 $0x0;
	s6 =	smul.u32 s6, s9  }
0xf: {  	s7 =	sadd.s32 $0x9B1E00, s8;
	s8 =	sadd.s32 $0x9B5E00, s8;
	p0 =	por $0x0, $0x0  }
0x10: {  	s11 =	simm.s32 $0x2000;
	s10 =	simm.s32 $0x400;
	s9 =	sadd.s32 $0x1, s6  }
.LBB1_7:
0x11: {  	s16 =	sadd.s32 $0x8, s12  }
0x12: {  	p2 =	sgt.s32 s16, $0xC7  }
0x13: {  	s16 =	smov.u32 @p2 s3;
	p2 =	sne.s32 s13, s9  }
.Ltmp1:
0x14: {  	p1 =	slt.u32 s13, $0x2;
	(pc) =	sbr.rel @!p2 .LBB1_8-.Ltmp1, $4  }
0x15: {  	s14 =	simm.s32 @!p1 $0x2  }
0x16: {  	s17 =	sadd.s32 $0x1, s13;
	s15 =	smov.u32 s12;
	_ =	swait.ge @!p1 [sflag:s14], $0x4000  }
0x17: {  	p0 =	por !p0, !p0;
	s13 =	smov.u32 s17;
	[sflag:s14] =	ssyncset.done @!p1 $0x0  }
0x18: {  	s12 =	smov.u32 s16;
	[sflag:s14] =	ssyncadd.s32 @!p1 $0xFFFFC000;
	s14 =	smov.u32 s4  }
.LBB1_1:
0x19: {  	p1 =	sge.u32 s13, s6  }
0x1a: {  	s16 =	sxor.u32 @!p1 $0xFFFFFFFF, s13  }
0x1b: {  	s17 =	sshll.u32 @!p1 s12, $0xE;
	s19 =	simm.s32 @!p1 $0x40;
	s16 =	sshll.u32 @!p1 s16, $0xE  }
0x1c: {  	s20 =	simm.s32 @!p1 $0x80;
	s18 =	sadd.s32 @!p1 s17, s7;
	s16 =	sand.u32 @!p1 $0x4000, s16  }
0x1d: {  	[tilespmem:s16], [sflag:$0x1] =	stream.strided.gather @!p1 [hbm4b:s18+s19], $0x2000, s20, s19, $0x38;
	[tilespmem:$0x10100] =	vst v63  }
0x1e: {  	s31 =	sadd.s32 $0xFFFFFFFF, s13;
	s17 =	sadd.s32 @!p1 s17, s8;
	s16 =	sor.u32 @!p1 $0x2000, s16  }
0x1f: {  	[tilespmem:s16], [sflag:$0x1] =	stream.strided.gather @!p1 [hbm4b:s17+s19], $0x2000, s20, s19, $0x38;
	[tilespmem:$0x10100] =	vst v63  }
0x20: {  	p1 =	sge.u32 s31, s6  }
.Ltmp2:
0x21: {  	_ = 	snop;
	(pc) =	sbr.rel @p1 .LBB1_7-.Ltmp2, $1  }
0x22: {  	_ =	sdelay $0x3  }
0x23: {  	s16 =	simm.s32 $0x1;
	s18 =	sand.u32 $0x1, s13  }
0x24: {  	_ =	swait.ge [sflag:s5], $0x4000;
	s16 =	simm.s32 @!p0 $0x0;
	s18 =	smul.u32 $0x10200, s18  }
0x25: {  	p2 =	por $0x1, $0x1;
	[sflag:s5] =	ssyncset.done $0x0;
	s17 =	smul.u32 $0x10200, s16  }
0x26: {  	s19 =	sshll.u32 s16, $0x10;
	[sflag:s5] =	ssyncadd.s32 $0xFFFFC000;
	s30 =	sshrl.u32 s18, $0x2  }
0x27: {  	s31 =	sshrl.u32 s19, $0x2;
	s19 =	simm.s32 $0x0;
	s17 =	sshrl.u32 s17, $0x2  }
0x28: {  	s16 =	sor.u32 $0x8000, s30;
	s18 =	sadd.s32 $0x20, s31;
	s17 =	sor.u32 $0x8000, s17  }
.LBB1_3:
0x29: {  	s20 =	sshll.u32 s19, $0xD  }
0x2a: {  	s20 =	sand.u32 $0x3FFFE000, s20  }
0x2b: {  	s22 =	sadd.s32 s20, s18  }
0x2c: {  	s31 =	smul.u32 $0x8100, s19;
	v3 =	vld [tilespmem:s22+$0x10]  }
0x2d: {  	v1 =	vld [tilespmem:s22+$0xFFFFFFF0]  }
0x2e: {  	s19 =	sshra.s32 s31, $0x2;
	v0 =	vld [tilespmem:s22+$0x0]  }
0x2f: {  	s19 =	sadd.s32 s19, s17;
	v2 =	vld [tilespmem:s22+$0xFFFFFFE0]  }
0x30: {  	s20 =	sadd.s32 $0x0, s19  }
0x31: {  	p1 =	por p2, p2;
	s21 =	simm.s32 $0x4;
	s22 =	sadd.s32 $0x40, s22;
	[tilespmem:s20+$0x1830 ss:$0x81] =	vst.msk $0xffff, v3  }
.LBB1_4:
0x32: {  	v3 =	vld [tilespmem:s22+$0x10];
	p2 =	sne.s32 s21, $0x1FC;
	[tilespmem:s20+$0x810 ss:$0x81] =	vst.msk $0xffff, v1;
	s23 =	smov.u32 s21;
	s21 =	sadd.s32 $0x4, s21  }
.Ltmp3:
0x33: {  	v1 =	vld [tilespmem:s22+$0xFFFFFFF0];
	[tilespmem:s20+$0x1020 ss:$0x81] =	vst.msk $0xffff, v0;
	(pc) =	sbr.rel @p2 .LBB1_4-.Ltmp3, $4  }
0x34: {  	v0 =	vld [tilespmem:s22+$0x0];
	[tilespmem:s20+$0x0 ss:$0x81] =	vst.msk $0xffff, v2  }
0x35: {  	s20 =	sshra.s32 s23, $0x2;
	v2 =	vld [tilespmem:s22+$0xFFFFFFE0]  }
0x36: {  	s20 =	sadd.s32 s20, s19  }
0x37: {  	s22 =	sadd.s32 $0x40, s22;
	[tilespmem:s20+$0x1830 ss:$0x81] =	vst.msk $0xffff, v3  }
.Ltmp4:
0x38: {  	(pc) =	sbr.rel @p1 .LBB1_3-.Ltmp4, $4  }
0x39: {  	_ = 	snop  }
0x3a: {  	[tilespmem:s20+$0x810 ss:$0x81] =	vst.msk $0xffff, v1  }
0x3b: {  	[tilespmem:s20+$0x1020 ss:$0x81] =	vst.msk $0xffff, v0  }
0x3c: {  	s19 =	simm.s32 $0x1;
	p2 =	por $0x0, $0x0;
	[tilespmem:s20+$0x0 ss:$0x81] =	vst.msk $0xffff, v2  }
.Ltmp5:
0x3d: {  	(pc) =	sbr.rel .LBB1_7-.Ltmp5, $4  }
0x3e: {  	_ = 	snop  }
0x3f: {  	s15 =	sshll.u32 s15, $0xD;
	s14 =	sadd.s32 s2, s14  }
0x40: {  	s14 =	sadd.s32 s15, s14  }
0x41: {  	[hbm4b:s14+s10] =	stream.strided.scatter [tilespmem:s16], [sflag:$0x2], $0x4000, s11, s10, $0x20;
	[tilespmem:$0x10100] =	vst v63  }
.LBB1_8:
0x42: {  	_ =	sfence.sel $0x180000  }
0x43: {  	s2 =	simm.s32 $0x1;
	[bflag:$0x0] =	sbarrier.arrive $0xFFFF  }
0x44: {  	s31 =	simm.s32 $0x2;
	[sflag:s2] =	ssyncpa.u1 $0x1  }
0x45: {  	[sflag:s31] =	ssyncpa.u1 $0x1  }
0x46: {  	p0 =	sne.s32 s0, $0x0;
	_ =	strace $0x90000059  }
0x47: {  	s0 =	sadd.s32 @!p0 $0x100000, s1;
	[bflag:$0x2] =	sbarrier.arrive $0xFFFF  }
0x48: {  	[sflag:s0] =	ssyncadd.tile.s32 @!p0 $0x1;
	_ =	shalt  }
.Lfunc_end1:
_tile_overlayer_lowered:
.L_overlay_start_2:
0x49: {  	(tag) =	ssettag $0x2  }
0x4a: {  	s0 =	rddreg [dreg:$0x0];
	s2 =	stileid.u32  }
0x4b: {  	s1 =	rddreg [dreg:$0x1];
	p0 =	sne.s32 s2, $0x0  }
0x4c: {  	s3 =	rddreg [dreg:$0x2];
	[bflag:$0x3] =	sbarrier.arrive $0xFFFF;
	s2 =	simm.s32 @!p0 $0x1C01  }
0x4d: {  	[timem:s3], [sflag:s2] =	dma.local @!p0 [hbm:s0], s1  }
0x4e: {  	s0 =	simm.s32 @!p0 $0x1  }
0x4f: {  	_ =	swait.ge @!p0 [sflag:s0], s1  }
0x50: {  	s1 =	ssub.s32 @!p0 $0x0, s1;
	[sflag:s0] =	ssyncset.done @!p0 $0x0  }
0x51: {  	[sflag:s0] =	ssyncadd.s32 @!p0 s1  }
0x52: {  	[bflag:$0x3] =	sbarrier.arrive $0xFFFF  }
0x53: {  	_ =	shalt  }

</sc_bundles>
